<compile_context>
chip_gen: v7x
topology: tpu7x:2x2x1
jax: 0.10.2.dev20260603
libtpu: 0.0.44.dev20260713+nightly
codegen_flags: <defaults>
</compile_context>

<pallas_src>
import functools

import jax
import jax.numpy as jnp
from jax import lax
from jax.experimental import pallas as pl
from jax.experimental.pallas import tpu as pltpu
from jax.experimental.pallas import tpu_sc as plsc

N = 10000
E = 320000
NP = 10240
NC, NS = 2, 16
NW = NC * NS
EPT = E // NW
CHUNK = 80
NCHUNK = EPT // CHUNK
RPT = NP // NS
RTC = 1024
GRID = NP // RTC

PDIMS = [(128, 64), (64, 64), (64, 32), (32, 32), (32, 16), (16, 16), (16, 16)]

_mesh = lambda: plsc.VectorSubcoreMesh(core_axis_name="c", subcore_axis_name="s")
_sc_params = lambda: pltpu.CompilerParams(use_tc_tiling_on_sc=False)


def _make_deg():
    @functools.partial(
        pl.kernel,
        mesh=_mesh(),
        compiler_params=_sc_params(),
        out_type=jax.ShapeDtypeStruct((NC, NP), jnp.float32),
        scratch_types=[
            pltpu.VMEM((CHUNK,), jnp.int32),
            pltpu.VMEM((CHUNK,), jnp.float32),
            pltpu.VMEM((RPT,), jnp.float32),
            pltpu.VMEM_SHARED((NP,), jnp.float32),
        ],
    )
    def deg_kernel(dst_hbm, ew_hbm, out_hbm, idx_d, upd, zbuf, accum):
        c = lax.axis_index("c")
        s = lax.axis_index("s")
        zero = jnp.zeros((16,), jnp.float32)

        def zb(i, carry):
            zbuf[pl.ds(i * 16, 16)] = zero
            return carry

        lax.fori_loop(0, RPT // 16, zb, 0)
        pltpu.sync_copy(zbuf, accum.at[pl.ds(s * RPT, RPT)])
        plsc.subcore_barrier()

        base = (s * NC + c) * EPT

        def body(j, carry):
            off = base + j * CHUNK
            pltpu.sync_copy(dst_hbm.at[pl.ds(off, CHUNK)], idx_d)
            pltpu.sync_copy(ew_hbm.at[pl.ds(off, CHUNK)], upd)
            pltpu.sync_copy(upd, accum.at[idx_d], add=True)
            return carry

        lax.fori_loop(0, NCHUNK, body, 0)
        plsc.subcore_barrier()
        pltpu.sync_copy(accum.at[pl.ds(s * RPT, RPT)],
                        out_hbm.at[c, pl.ds(s * RPT, RPT)])

    return deg_kernel


def _make_agg(d):
    @functools.partial(
        pl.kernel,
        mesh=_mesh(),
        compiler_params=_sc_params(),
        out_type=jax.ShapeDtypeStruct((NC, NP, d), jnp.float32),
        scratch_types=[
            pltpu.VMEM((CHUNK,), jnp.int32),
            pltpu.VMEM((CHUNK,), jnp.int32),
            pltpu.VMEM((CHUNK, d), jnp.float32),
            pltpu.VMEM((RPT, d), jnp.float32),
            pltpu.VMEM_SHARED((NP, d), jnp.float32),
            pltpu.SemaphoreType.DMA,
        ],
    )
    def agg_kernel(g_hbm, src_hbm, dst_hbm, out_hbm, idx_s, idx_d, rows, zbuf, accum, sem):
        c = lax.axis_index("c")
        s = lax.axis_index("s")
        zero = jnp.zeros((16,), jnp.float32)

        def zb(i, carry):
            for k in range(d // 16):
                zbuf[i, pl.ds(k * 16, 16)] = zero
            return carry

        lax.fori_loop(0, RPT, zb, 0)
        pltpu.sync_copy(zbuf, accum.at[pl.ds(s * RPT, RPT)])
        plsc.subcore_barrier()

        base = (s * NC + c) * EPT

        def body(j, carry):
            off = base + j * CHUNK
            pltpu.sync_copy(src_hbm.at[pl.ds(off, CHUNK)], idx_s)
            pltpu.sync_copy(dst_hbm.at[pl.ds(off, CHUNK)], idx_d)
            pltpu.async_copy(g_hbm.at[idx_s], rows, sem).wait()
            pltpu.sync_copy(rows, accum.at[idx_d], add=True)
            return carry

        lax.fori_loop(0, NCHUNK, body, 0)
        plsc.subcore_barrier()
        pltpu.sync_copy(accum.at[pl.ds(s * RPT, RPT)],
                        out_hbm.at[c, pl.ds(s * RPT, RPT)])

    return agg_kernel


def _tc_first(parts, x, w):
    d = w.shape[1]

    def body(p_ref, x_ref, w_ref, dis_ref, g_ref):
        deg = p_ref[0] + p_ref[1] + 1.0
        deg_safe = jnp.where(deg > 0, deg, 1.0)
        dis = jnp.where(deg > 0, lax.rsqrt(deg_safe), 0.0)
        dis_ref[...] = dis
        g_ref[...] = jnp.dot(x_ref[...], w_ref[...],
                             preferred_element_type=jnp.float32) * dis

    return pl.pallas_call(
        body,
        grid=(GRID,),
        in_specs=[
            pl.BlockSpec((NC, RTC, 1), lambda i: (0, i, 0)),
            pl.BlockSpec((RTC, 128), lambda i: (i, 0)),
            pl.BlockSpec((128, d), lambda i: (0, 0)),
        ],
        out_specs=[
            pl.BlockSpec((RTC, 1), lambda i: (i, 0)),
            pl.BlockSpec((RTC, d), lambda i: (i, 0)),
        ],
        out_shape=[
            jax.ShapeDtypeStruct((NP, 1), jnp.float32),
            jax.ShapeDtypeStruct((NP, d), jnp.float32),
        ],
    )(parts, x, w)


def _tc_mid(parts, g, dis, b, w):
    din, dout = w.shape

    def body(p_ref, g_ref, dis_ref, b_ref, w_ref, out_ref):
        dis_v = dis_ref[...]
        h = dis_v * (p_ref[0] + p_ref[1] + g_ref[...]) + b_ref[...]
        h = jnp.maximum(h, 0.0)
        out_ref[...] = jnp.dot(h, w_ref[...],
                               preferred_element_type=jnp.float32) * dis_v

    return pl.pallas_call(
        body,
        grid=(GRID,),
        in_specs=[
            pl.BlockSpec((NC, RTC, din), lambda i: (0, i, 0)),
            pl.BlockSpec((RTC, din), lambda i: (i, 0)),
            pl.BlockSpec((RTC, 1), lambda i: (i, 0)),
            pl.BlockSpec((1, din), lambda i: (0, 0)),
            pl.BlockSpec((din, dout), lambda i: (0, 0)),
        ],
        out_specs=pl.BlockSpec((RTC, dout), lambda i: (i, 0)),
        out_shape=jax.ShapeDtypeStruct((NP, dout), jnp.float32),
    )(parts, g, dis, b, w)


def _tc_final(parts, g, dis, b):
    d = g.shape[1]

    def body(p_ref, g_ref, dis_ref, b_ref, out_ref):
        out_ref[...] = dis_ref[...] * (p_ref[0] + p_ref[1] + g_ref[...]) + b_ref[...]

    return pl.pallas_call(
        body,
        grid=(GRID,),
        in_specs=[
            pl.BlockSpec((NC, RTC, d), lambda i: (0, i, 0)),
            pl.BlockSpec((RTC, d), lambda i: (i, 0)),
            pl.BlockSpec((RTC, 1), lambda i: (i, 0)),
            pl.BlockSpec((1, d), lambda i: (0, 0)),
        ],
        out_specs=pl.BlockSpec((RTC, d), lambda i: (i, 0)),
        out_shape=jax.ShapeDtypeStruct((NP, d), jnp.float32),
    )(parts, g, dis, b)


_deg_call = _make_deg()
_agg_calls = {d: _make_agg(d) for d in (64, 32, 16)}


def kernel(x, edge_index, edge_weight, W1, b1, W2, b2, W3, b3, W4, b4,
           W5, b5, W6, b6, W7, b7):
    src = edge_index[0].astype(jnp.int32)
    dst = edge_index[1].astype(jnp.int32)
    ew = edge_weight.astype(jnp.float32)
    xp = jnp.pad(x, ((0, NP - N), (0, 0)))

    ws, bs = [], []
    for i, (wi, bi) in enumerate([(W1, b1), (W2, b2), (W3, b3), (W4, b4),
                                  (W5, b5), (W6, b6), (W7, b7)]):
        pin, pout = PDIMS[i]
        ws.append(jnp.pad(wi, ((0, pin - wi.shape[0]), (0, pout - wi.shape[1]))))
        bs.append(jnp.pad(bi, (0, pout - bi.shape[0]))[None, :])

    deg_parts = _deg_call(dst, ew)[:, :, None]
    dis, g = _tc_first(deg_parts, xp, ws[0])
    for i in range(6):
        parts = _agg_calls[PDIMS[i][1]](g, src, dst)
        g = _tc_mid(parts, g, dis, bs[i], ws[i + 1])
    parts = _agg_calls[16](g, src, dst)
    out = _tc_final(parts, g, dis, bs[6])
    return out[:N, :1]

# --- scband reference (transcript-rebuilt; emitter-appended) ---
"""Pipeline reference for scband-mimic-model-18657337934708 (READ-ONLY COPY).

The authoritative reference and input builder live on the scoring server;
editing this copy changes nothing except your own understanding.
"""

import jax, jax.numpy as jnp
import numpy as np

N = 10000
E = 320000
FEAT = 128
DIMS = [(128, 50), (50, 50), (50, 30), (30, 30), (30, 10), (10, 10), (10, 1)]


def gcn_conv(x, edge_index, edge_weight, W, b):
    num_nodes = x.shape[0]
    src = edge_index[0]
    dst = edge_index[1]
    loop = jnp.arange(num_nodes, dtype=edge_index.dtype)
    src_f = jnp.concatenate([src, loop])
    dst_f = jnp.concatenate([dst, loop])
    ew_f = jnp.concatenate([edge_weight, jnp.ones((num_nodes,), dtype=x.dtype)])
    deg = jnp.zeros((num_nodes,), dtype=x.dtype).at[dst_f].add(ew_f)
    deg_safe = jnp.where(deg > 0, deg, 1.0)
    dis = jnp.where(deg > 0, 1.0 / jnp.sqrt(deg_safe), 0.0)
    norm = dis[src_f] * ew_f * dis[dst_f]
    h = x @ W
    msg = h[src_f] * norm[:, None]
    out = jnp.zeros((num_nodes, W.shape[1]), dtype=x.dtype).at[dst_f].add(msg)
    return out + b


def setup_inputs(seed: int = 0):
    key = jax.random.key(seed)
    ks = jax.random.split(key, 16)
    x = jax.random.normal(ks[0], (N, FEAT), dtype=jnp.float32)
    edge_index = jax.random.randint(ks[1], (2, E), 0, N, dtype=jnp.int32).astype(jnp.int64)
    edge_weight = jnp.ones((E,), dtype=jnp.float32)
    inp = {"x": x, "edge_index": edge_index, "edge_weight": edge_weight}
    for i, (din, dout) in enumerate(DIMS):
        inp[f"W{i+1}"] = jax.random.normal(ks[2 + i], (din, dout), dtype=jnp.float32) * (1.0 / np.sqrt(din))
        inp[f"b{i+1}"] = jnp.zeros((dout,), dtype=jnp.float32)
    return inp


def reference(x, edge_index, edge_weight, W1, b1, W2, b2, W3, b3, W4, b4, W5, b5, W6, b6, W7, b7):
    params = [(W1, b1), (W2, b2), (W3, b3), (W4, b4), (W5, b5), (W6, b6), (W7, b7)]
    h = x
    for i in range(7):
        W, b = params[i]
        h = gcn_conv(h, edge_index, edge_weight, W, b)
        if i < 6:
            h = jax.nn.relu(h)
    return h

if __name__ == "__main__":
    import jax
    _d = setup_inputs()
    print(jax.jit(kernel)(*tuple(_d.values())))

</pallas_src>

<mosaic_0001>
#map = affine_map<(d0, d1) -> (0)>
#map1 = affine_map<(d0, d1) -> (0, 0)>
module attributes {stable_mosaic.version = 14 : i64} {
  func.func @deg_kernel(%arg0: i32, %arg1: i32, %arg2: memref<320000xi32, #tpu.memory_space<hbm>>, %arg3: memref<320000xf32, #tpu.memory_space<hbm>>, %arg4: memref<2x10240xf32, #tpu.memory_space<hbm>>, %arg5: memref<80xi32, #tpu.memory_space<vmem>>, %arg6: memref<80xf32, #tpu.memory_space<vmem>>, %arg7: memref<640xf32, #tpu.memory_space<vmem>>, %arg8: memref<10240xf32, #tpu.memory_space<vmem_shared>>) attributes {dimension_semantics = [#tpu.dimension_semantics<core_parallel>, #tpu.dimension_semantics<subcore_parallel>], iteration_bounds = array<i64: 2, 16>, scalar_prefetch = 0 : i64, scratch_operands = 4 : i64, tpu.core_type = #tpu.core_type<sc_vector_subcore>, window_params = [{transform_indices = #map}, {transform_indices = #map}, {transform_indices = #map1}]} {
    %broadcast_in_dim3A = arith.constant 0.000000e+00 : f32
    %broadcast_in_dim3A_0 = vector.broadcast %broadcast_in_dim3A : f32 to vector<16xf32>
    %scan3A = arith.constant 0 : i32
    %scan3A_1 = arith.constant 0 : i32
    %scan3A_2 = arith.constant 40 : i32
    %scan3A_3 = arith.addi %scan3A_1, %scan3A_2 : i32
    %scan3A_4 = arith.constant 1 : i32
    scf.for %scan3A_22 = %scan3A_1 to %scan3A_3 step %scan3A_4  : i32 {
      %mul3A_23 = arith.constant 16 : i32
      %mul3A_24 = arith.muli %scan3A_22, %mul3A_23 : i32
      %swap3A = arith.index_cast %mul3A_24 : i32 to index
      %swap3A_25 = tpu.vector_load %arg7[%swap3A] {strides = array<i32>} : memref<640xf32, #tpu.memory_space<vmem>>, vector<16xf32>,
      %swap3A_26 = vector.shape_cast %swap3A_25 : vector<16xf32> to vector<16xf32>
      %swap3A_27 = vector.shape_cast %broadcast_in_dim3A_0 : vector<16xf32> to vector<16xf32>
      tpu.vector_store %arg7[%swap3A], %swap3A_27 {strides = array<i32>} : memref<640xf32, #tpu.memory_space<vmem>>, vector<16xf32>,
    }
    %scan3A_5 = arith.constant 40 : i32
    %mul3A = arith.constant 640 : i32
    %mul3A_6 = arith.muli %arg1, %mul3A : i32
    "tpu.region"() ({
      %run_scoped3A = tpu.sem_alloc : memref<!tpu.dma_semaphore, #tpu.memory_space<semaphore_mem>>
      %dma_start3A = tpu.memref_slice %arg8[%mul3A_6] : memref<10240xf32, #tpu.memory_space<vmem_shared>> -> memref<640xf32, #tpu.memory_space<vmem_shared>>
      %dma_start3A_22 = tpu.memref_slice %arg8[%mul3A_6] : memref<10240xf32, #tpu.memory_space<vmem_shared>> -> memref<640xf32, #tpu.memory_space<vmem_shared>>
      tpu.enqueue_dma source(%arg7 : memref<640xf32, #tpu.memory_space<vmem>>) target(%dma_start3A_22 : memref<640xf32, #tpu.memory_space<vmem_shared>>) target_semaphore(%run_scoped3A : memref<!tpu.dma_semaphore, #tpu.memory_space<semaphore_mem>>)
      %dma_wait3A = tpu.memref_slice %arg8[%mul3A_6] : memref<10240xf32, #tpu.memory_space<vmem_shared>> -> memref<640xf32, #tpu.memory_space<vmem_shared>>
      %dma_wait3A_23 = tpu.memref_slice %arg8[%mul3A_6] : memref<10240xf32, #tpu.memory_space<vmem_shared>> -> memref<640xf32, #tpu.memory_space<vmem_shared>>
      tpu.wait_dma2 semaphore(%run_scoped3A : memref<!tpu.dma_semaphore, #tpu.memory_space<semaphore_mem>>) src(%arg7 : memref<640xf32, #tpu.memory_space<vmem>>) dst(%dma_wait3A_23 : memref<640xf32, #tpu.memory_space<vmem_shared>>)
      tpu.yield
    }) : () -> ()
    %barrier3A = arith.constant 0 : index
    tpu.barrier barrier_id(%barrier3A)
    %mul3A_7 = arith.constant 2 : i32
    %mul3A_8 = arith.muli %arg1, %mul3A_7 : i32
    %add3A = arith.addi %mul3A_8, %arg0 : i32
    %mul3A_9 = arith.constant 10000 : i32
    %mul3A_10 = arith.muli %add3A, %mul3A_9 : i32
    %scan3A_11 = arith.constant 0 : i32
    %scan3A_12 = arith.constant 0 : i32
    %scan3A_13 = arith.constant 125 : i32
    %scan3A_14 = arith.addi %scan3A_12, %scan3A_13 : i32
    %scan3A_15 = arith.constant 1 : i32
    scf.for %scan3A_22 = %scan3A_12 to %scan3A_14 step %scan3A_15  : i32 {
      %mul3A_23 = arith.constant 80 : i32
      %mul3A_24 = arith.muli %scan3A_22, %mul3A_23 : i32
      %add3A_25 = arith.addi %mul3A_10, %mul3A_24 : i32
      "tpu.region"() ({
        %run_scoped3A = tpu.sem_alloc : memref<!tpu.dma_semaphore, #tpu.memory_space<semaphore_mem>>
        %dma_start3A = tpu.memref_slice %arg2[%add3A_25] : memref<320000xi32, #tpu.memory_space<hbm>> -> memref<80xi32, #tpu.memory_space<hbm>>
        %dma_start3A_26 = tpu.memref_slice %arg2[%add3A_25] : memref<320000xi32, #tpu.memory_space<hbm>> -> memref<80xi32, #tpu.memory_space<hbm>>
        tpu.enqueue_dma source(%dma_start3A_26 : memref<80xi32, #tpu.memory_space<hbm>>) target(%arg5 : memref<80xi32, #tpu.memory_space<vmem>>) target_semaphore(%run_scoped3A : memref<!tpu.dma_semaphore, #tpu.memory_space<semaphore_mem>>)
        %dma_wait3A = tpu.memref_slice %arg2[%add3A_25] : memref<320000xi32, #tpu.memory_space<hbm>> -> memref<80xi32, #tpu.memory_space<hbm>>
        %dma_wait3A_27 = tpu.memref_slice %arg2[%add3A_25] : memref<320000xi32, #tpu.memory_space<hbm>> -> memref<80xi32, #tpu.memory_space<hbm>>
        tpu.wait_dma2 semaphore(%run_scoped3A : memref<!tpu.dma_semaphore, #tpu.memory_space<semaphore_mem>>) src(%dma_wait3A_27 : memref<80xi32, #tpu.memory_space<hbm>>) dst(%arg5 : memref<80xi32, #tpu.memory_space<vmem>>)
        tpu.yield
      }) : () -> ()
      "tpu.region"() ({
        %run_scoped3A = tpu.sem_alloc : memref<!tpu.dma_semaphore, #tpu.memory_space<semaphore_mem>>
        %dma_start3A = tpu.memref_slice %arg3[%add3A_25] : memref<320000xf32, #tpu.memory_space<hbm>> -> memref<80xf32, #tpu.memory_space<hbm>>
        %dma_start3A_26 = tpu.memref_slice %arg3[%add3A_25] : memref<320000xf32, #tpu.memory_space<hbm>> -> memref<80xf32, #tpu.memory_space<hbm>>
        tpu.enqueue_dma source(%dma_start3A_26 : memref<80xf32, #tpu.memory_space<hbm>>) target(%arg6 : memref<80xf32, #tpu.memory_space<vmem>>) target_semaphore(%run_scoped3A : memref<!tpu.dma_semaphore, #tpu.memory_space<semaphore_mem>>)
        %dma_wait3A = tpu.memref_slice %arg3[%add3A_25] : memref<320000xf32, #tpu.memory_space<hbm>> -> memref<80xf32, #tpu.memory_space<hbm>>
        %dma_wait3A_27 = tpu.memref_slice %arg3[%add3A_25] : memref<320000xf32, #tpu.memory_space<hbm>> -> memref<80xf32, #tpu.memory_space<hbm>>
        tpu.wait_dma2 semaphore(%run_scoped3A : memref<!tpu.dma_semaphore, #tpu.memory_space<semaphore_mem>>) src(%dma_wait3A_27 : memref<80xf32, #tpu.memory_space<hbm>>) dst(%arg6 : memref<80xf32, #tpu.memory_space<vmem>>)
        tpu.yield
      }) : () -> ()
      "tpu.region"() ({
        %run_scoped3A = tpu.sem_alloc : memref<!tpu.dma_semaphore, #tpu.memory_space<semaphore_mem>>
        %dma_start3A = arith.constant 0 : i32
        %dma_start3A_26 = tpu.memref_slice %arg8[%dma_start3A] : memref<10240xf32, #tpu.memory_space<vmem_shared>> -> memref<10240xf32, #tpu.memory_space<vmem_shared>>
        tpu.enqueue_indirect_dma source(%arg6 : memref<80xf32, #tpu.memory_space<vmem>>) target(%dma_start3A_26 : memref<10240xf32, #tpu.memory_space<vmem_shared>>) offsets(%arg5 : memref<80xi32, #tpu.memory_space<vmem>>) semaphore(%run_scoped3A : memref<!tpu.dma_semaphore, #tpu.memory_space<semaphore_mem>>) {add = true}
        %dma_wait3A = arith.constant 0 : i32
        %dma_wait3A_27 = tpu.memref_slice %arg8[%dma_wait3A] : memref<10240xf32, #tpu.memory_space<vmem_shared>> -> memref<10240xf32, #tpu.memory_space<vmem_shared>>
        tpu.wait_indirect_dma semaphore(%run_scoped3A : memref<!tpu.dma_semaphore, #tpu.memory_space<semaphore_mem>>) src(%arg6 : memref<80xf32, #tpu.memory_space<vmem>>) dst(%dma_wait3A_27 : memref<10240xf32, #tpu.memory_space<vmem_shared>>)
        tpu.yield
      }) : () -> ()
    }
    %scan3A_16 = arith.constant 125 : i32
    %barrier3A_17 = arith.constant 0 : index
    tpu.barrier barrier_id(%barrier3A_17)
    %mul3A_18 = arith.constant 640 : i32
    %mul3A_19 = arith.muli %arg1, %mul3A_18 : i32
    %mul3A_20 = arith.constant 640 : i32
    %mul3A_21 = arith.muli %arg1, %mul3A_20 : i32
    "tpu.region"() ({
      %run_scoped3A = tpu.sem_alloc : memref<!tpu.dma_semaphore, #tpu.memory_space<semaphore_mem>>
      %dma_start3A = tpu.memref_slice %arg4[%arg0, %mul3A_21] : memref<2x10240xf32, #tpu.memory_space<hbm>> -> memref<1x640xf32, #tpu.memory_space<hbm>>
      %dma_start3A_22 = tpu.memref_squeeze %dma_start3A : memref<1x640xf32, #tpu.memory_space<hbm>> -> memref<640xf32, #tpu.memory_space<hbm>>
      %dma_start3A_23 = tpu.memref_slice %arg8[%mul3A_19] : memref<10240xf32, #tpu.memory_space<vmem_shared>> -> memref<640xf32, #tpu.memory_space<vmem_shared>>
      tpu.enqueue_dma source(%dma_start3A_23 : memref<640xf32, #tpu.memory_space<vmem_shared>>) target(%dma_start3A_22 : memref<640xf32, #tpu.memory_space<hbm>>) target_semaphore(%run_scoped3A : memref<!tpu.dma_semaphore, #tpu.memory_space<semaphore_mem>>)
      %dma_wait3A = tpu.memref_slice %arg4[%arg0, %mul3A_21] : memref<2x10240xf32, #tpu.memory_space<hbm>> -> memref<1x640xf32, #tpu.memory_space<hbm>>
      %dma_wait3A_24 = tpu.memref_squeeze %dma_wait3A : memref<1x640xf32, #tpu.memory_space<hbm>> -> memref<640xf32, #tpu.memory_space<hbm>>
      %dma_wait3A_25 = tpu.memref_slice %arg8[%mul3A_19] : memref<10240xf32, #tpu.memory_space<vmem_shared>> -> memref<640xf32, #tpu.memory_space<vmem_shared>>
      tpu.wait_dma2 semaphore(%run_scoped3A : memref<!tpu.dma_semaphore, #tpu.memory_space<semaphore_mem>>) src(%dma_wait3A_25 : memref<640xf32, #tpu.memory_space<vmem_shared>>) dst(%dma_wait3A_24 : memref<640xf32, #tpu.memory_space<hbm>>)
      tpu.yield
    }) : () -> ()
    return
  }
}

#map = affine_map<(d0, d1) -> (0, 0)>
#map1 = affine_map<(d0, d1) -> (0)>
#map2 = affine_map<(d0, d1) -> (0, 0, 0)>
module attributes {stable_mosaic.version = 14 : i64} {
  func.func @agg_kernel(%arg0: i32, %arg1: i32, %arg2: memref<10240x64xf32, #tpu.memory_space<hbm>>, %arg3: memref<320000xi32, #tpu.memory_space<hbm>>, %arg4: memref<320000xi32, #tpu.memory_space<hbm>>, %arg5: memref<2x10240x64xf32, #tpu.memory_space<hbm>>, %arg6: memref<80xi32, #tpu.memory_space<vmem>>, %arg7: memref<80xi32, #tpu.memory_space<vmem>>, %arg8: memref<80x64xf32, #tpu.memory_space<vmem>>, %arg9: memref<640x64xf32, #tpu.memory_space<vmem>>, %arg10: memref<10240x64xf32, #tpu.memory_space<vmem_shared>>, %arg11: memref<!tpu.dma_semaphore, #tpu.memory_space<semaphore_mem>>) attributes {dimension_semantics = [#tpu.dimension_semantics<core_parallel>, #tpu.dimension_semantics<subcore_parallel>], iteration_bounds = array<i64: 2, 16>, scalar_prefetch = 0 : i64, scratch_operands = 6 : i64, tpu.core_type = #tpu.core_type<sc_vector_subcore>, window_params = [{transform_indices = #map}, {transform_indices = #map1}, {transform_indices = #map1}, {transform_indices = #map2}]} {
    %broadcast_in_dim3A = arith.constant 0.000000e+00 : f32
    %broadcast_in_dim3A_0 = vector.broadcast %broadcast_in_dim3A : f32 to vector<16xf32>
    %scan3A = arith.constant 0 : i32
    %scan3A_1 = arith.constant 0 : i32
    %scan3A_2 = arith.constant 640 : i32
    %scan3A_3 = arith.addi %scan3A_1, %scan3A_2 : i32
    %scan3A_4 = arith.constant 1 : i32
    scf.for %scan3A_22 = %scan3A_1 to %scan3A_3 step %scan3A_4  : i32 {
      %swap3A = arith.index_cast %scan3A_22 : i32 to index
      %swap3A_23 = arith.constant 0 : index
      %swap3A_24 = tpu.vector_load %arg9[%swap3A, %swap3A_23] {strides = array<i32>} : memref<640x64xf32, #tpu.memory_space<vmem>>, vector<1x16xf32>,
      %swap3A_25 = vector.shape_cast %swap3A_24 : vector<1x16xf32> to vector<16xf32>
      %swap3A_26 = vector.shape_cast %broadcast_in_dim3A_0 : vector<16xf32> to vector<1x16xf32>
      tpu.vector_store %arg9[%swap3A, %swap3A_23], %swap3A_26 {strides = array<i32>} : memref<640x64xf32, #tpu.memory_space<vmem>>, vector<1x16xf32>,
      %swap3A_27 = arith.index_cast %scan3A_22 : i32 to index
      %swap3A_28 = arith.constant 16 : index
      %swap3A_29 = tpu.vector_load %arg9[%swap3A_27, %swap3A_28] {strides = array<i32>} : memref<640x64xf32, #tpu.memory_space<vmem>>, vector<1x16xf32>,
      %swap3A_30 = vector.shape_cast %swap3A_29 : vector<1x16xf32> to vector<16xf32>
      %swap3A_31 = vector.shape_cast %broadcast_in_dim3A_0 : vector<16xf32> to vector<1x16xf32>
      tpu.vector_store %arg9[%swap3A_27, %swap3A_28], %swap3A_31 {strides = array<i32>} : memref<640x64xf32, #tpu.memory_space<vmem>>, vector<1x16xf32>,
      %swap3A_32 = arith.index_cast %scan3A_22 : i32 to index
      %swap3A_33 = arith.constant 32 : index
      %swap3A_34 = tpu.vector_load %arg9[%swap3A_32, %swap3A_33] {strides = array<i32>} : memref<640x64xf32, #tpu.memory_space<vmem>>, vector<1x16xf32>,
      %swap3A_35 = vector.shape_cast %swap3A_34 : vector<1x16xf32> to vector<16xf32>
      %swap3A_36 = vector.shape_cast %broadcast_in_dim3A_0 : vector<16xf32> to vector<1x16xf32>
      tpu.vector_store %arg9[%swap3A_32, %swap3A_33], %swap3A_36 {strides = array<i32>} : memref<640x64xf32, #tpu.memory_space<vmem>>, vector<1x16xf32>,
      %swap3A_37 = arith.index_cast %scan3A_22 : i32 to index
      %swap3A_38 = arith.constant 48 : index
      %swap3A_39 = tpu.vector_load %arg9[%swap3A_37, %swap3A_38] {strides = array<i32>} : memref<640x64xf32, #tpu.memory_space<vmem>>, vector<1x16xf32>,
      %swap3A_40 = vector.shape_cast %swap3A_39 : vector<1x16xf32> to vector<16xf32>
      %swap3A_41 = vector.shape_cast %broadcast_in_dim3A_0 : vector<16xf32> to vector<1x16xf32>
      tpu.vector_store %arg9[%swap3A_37, %swap3A_38], %swap3A_41 {strides = array<i32>} : memref<640x64xf32, #tpu.memory_space<vmem>>, vector<1x16xf32>,
    }
    %scan3A_5 = arith.constant 640 : i32
    %mul3A = arith.constant 640 : i32
    %mul3A_6 = arith.muli %arg1, %mul3A : i32
    "tpu.region"() ({
      %run_scoped3A = tpu.sem_alloc : memref<!tpu.dma_semaphore, #tpu.memory_space<semaphore_mem>>
      %dma_start3A = arith.constant 0 : i32
      %dma_start3A_22 = tpu.memref_slice %arg10[%mul3A_6, %dma_start3A] : memref<10240x64xf32, #tpu.memory_space<vmem_shared>> -> memref<640x64xf32, #tpu.memory_space<vmem_shared>>
      %dma_start3A_23 = arith.constant 0 : i32
      %dma_start3A_24 = tpu.memref_slice %arg10[%mul3A_6, %dma_start3A_23] : memref<10240x64xf32, #tpu.memory_space<vmem_shared>> -> memref<640x64xf32, #tpu.memory_space<vmem_shared>>
      tpu.enqueue_dma source(%arg9 : memref<640x64xf32, #tpu.memory_space<vmem>>) target(%dma_start3A_24 : memref<640x64xf32, #tpu.memory_space<vmem_shared>>) target_semaphore(%run_scoped3A : memref<!tpu.dma_semaphore, #tpu.memory_space<semaphore_mem>>)
      %dma_wait3A = arith.constant 0 : i32
      %dma_wait3A_25 = tpu.memref_slice %arg10[%mul3A_6, %dma_wait3A] : memref<10240x64xf32, #tpu.memory_space<vmem_shared>> -> memref<640x64xf32, #tpu.memory_space<vmem_shared>>
      %dma_wait3A_26 = arith.constant 0 : i32
      %dma_wait3A_27 = tpu.memref_slice %arg10[%mul3A_6, %dma_wait3A_26] : memref<10240x64xf32, #tpu.memory_space<vmem_shared>> -> memref<640x64xf32, #tpu.memory_space<vmem_shared>>
      tpu.wait_dma2 semaphore(%run_scoped3A : memref<!tpu.dma_semaphore, #tpu.memory_space<semaphore_mem>>) src(%arg9 : memref<640x64xf32, #tpu.memory_space<vmem>>) dst(%dma_wait3A_27 : memref<640x64xf32, #tpu.memory_space<vmem_shared>>)
      tpu.yield
    }) : () -> ()
    %barrier3A = arith.constant 0 : index
    tpu.barrier barrier_id(%barrier3A)
    %mul3A_7 = arith.constant 2 : i32
    %mul3A_8 = arith.muli %arg1, %mul3A_7 : i32
    %add3A = arith.addi %mul3A_8, %arg0 : i32
    %mul3A_9 = arith.constant 10000 : i32
    %mul3A_10 = arith.muli %add3A, %mul3A_9 : i32
    %scan3A_11 = arith.constant 0 : i32
    %scan3A_12 = arith.constant 0 : i32
    %scan3A_13 = arith.constant 125 : i32
    %scan3A_14 = arith.addi %scan3A_12, %scan3A_13 : i32
    %scan3A_15 = arith.constant 1 : i32
    scf.for %scan3A_22 = %scan3A_12 to %scan3A_14 step %scan3A_15  : i32 {
      %mul3A_23 = arith.constant 80 : i32
      %mul3A_24 = arith.muli %scan3A_22, %mul3A_23 : i32
      %add3A_25 = arith.addi %mul3A_10, %mul3A_24 : i32
      "tpu.region"() ({
        %run_scoped3A = tpu.sem_alloc : memref<!tpu.dma_semaphore, #tpu.memory_space<semaphore_mem>>
        %dma_start3A_30 = tpu.memref_slice %arg3[%add3A_25] : memref<320000xi32, #tpu.memory_space<hbm>> -> memref<80xi32, #tpu.memory_space<hbm>>
        %dma_start3A_31 = tpu.memref_slice %arg3[%add3A_25] : memref<320000xi32, #tpu.memory_space<hbm>> -> memref<80xi32, #tpu.memory_space<hbm>>
        tpu.enqueue_dma source(%dma_start3A_31 : memref<80xi32, #tpu.memory_space<hbm>>) target(%arg6 : memref<80xi32, #tpu.memory_space<vmem>>) target_semaphore(%run_scoped3A : memref<!tpu.dma_semaphore, #tpu.memory_space<semaphore_mem>>)
        %dma_wait3A_32 = tpu.memref_slice %arg3[%add3A_25] : memref<320000xi32, #tpu.memory_space<hbm>> -> memref<80xi32, #tpu.memory_space<hbm>>
        %dma_wait3A_33 = tpu.memref_slice %arg3[%add3A_25] : memref<320000xi32, #tpu.memory_space<hbm>> -> memref<80xi32, #tpu.memory_space<hbm>>
        tpu.wait_dma2 semaphore(%run_scoped3A : memref<!tpu.dma_semaphore, #tpu.memory_space<semaphore_mem>>) src(%dma_wait3A_33 : memref<80xi32, #tpu.memory_space<hbm>>) dst(%arg6 : memref<80xi32, #tpu.memory_space<vmem>>)
        tpu.yield
      }) : () -> ()
      "tpu.region"() ({
        %run_scoped3A = tpu.sem_alloc : memref<!tpu.dma_semaphore, #tpu.memory_space<semaphore_mem>>
        %dma_start3A_30 = tpu.memref_slice %arg4[%add3A_25] : memref<320000xi32, #tpu.memory_space<hbm>> -> memref<80xi32, #tpu.memory_space<hbm>>
        %dma_start3A_31 = tpu.memref_slice %arg4[%add3A_25] : memref<320000xi32, #tpu.memory_space<hbm>> -> memref<80xi32, #tpu.memory_space<hbm>>
        tpu.enqueue_dma source(%dma_start3A_31 : memref<80xi32, #tpu.memory_space<hbm>>) target(%arg7 : memref<80xi32, #tpu.memory_space<vmem>>) target_semaphore(%run_scoped3A : memref<!tpu.dma_semaphore, #tpu.memory_space<semaphore_mem>>)
        %dma_wait3A_32 = tpu.memref_slice %arg4[%add3A_25] : memref<320000xi32, #tpu.memory_space<hbm>> -> memref<80xi32, #tpu.memory_space<hbm>>
        %dma_wait3A_33 = tpu.memref_slice %arg4[%add3A_25] : memref<320000xi32, #tpu.memory_space<hbm>> -> memref<80xi32, #tpu.memory_space<hbm>>
        tpu.wait_dma2 semaphore(%run_scoped3A : memref<!tpu.dma_semaphore, #tpu.memory_space<semaphore_mem>>) src(%dma_wait3A_33 : memref<80xi32, #tpu.memory_space<hbm>>) dst(%arg7 : memref<80xi32, #tpu.memory_space<vmem>>)
        tpu.yield
      }) : () -> ()
      %dma_start3A = arith.constant 0 : i32
      %dma_start3A_26 = arith.constant 0 : i32
      %dma_start3A_27 = tpu.memref_slice %arg2[%dma_start3A, %dma_start3A_26] : memref<10240x64xf32, #tpu.memory_space<hbm>> -> memref<10240x64xf32, #tpu.memory_space<hbm>>
      tpu.enqueue_indirect_dma source(%dma_start3A_27 : memref<10240x64xf32, #tpu.memory_space<hbm>>) target(%arg8 : memref<80x64xf32, #tpu.memory_space<vmem>>) offsets(%arg6 : memref<80xi32, #tpu.memory_space<vmem>>) semaphore(%arg11 : memref<!tpu.dma_semaphore, #tpu.memory_space<semaphore_mem>>)
      %dma_wait3A = arith.constant 0 : i32
      %dma_wait3A_28 = arith.constant 0 : i32
      %dma_wait3A_29 = tpu.memref_slice %arg2[%dma_wait3A, %dma_wait3A_28] : memref<10240x64xf32, #tpu.memory_space<hbm>> -> memref<10240x64xf32, #tpu.memory_space<hbm>>
      tpu.wait_indirect_dma semaphore(%arg11 : memref<!tpu.dma_semaphore, #tpu.memory_space<semaphore_mem>>) src(%dma_wait3A_29 : memref<10240x64xf32, #tpu.memory_space<hbm>>) dst(%arg8 : memref<80x64xf32, #tpu.memory_space<vmem>>)
      "tpu.region"() ({
        %run_scoped3A = tpu.sem_alloc : memref<!tpu.dma_semaphore, #tpu.memory_space<semaphore_mem>>
        %dma_start3A_30 = arith.constant 0 : i32
        %dma_start3A_31 = arith.constant 0 : i32
        %dma_start3A_32 = tpu.memref_slice %arg10[%dma_start3A_30, %dma_start3A_31] : memref<10240x64xf32, #tpu.memory_space<vmem_shared>> -> memref<10240x64xf32, #tpu.memory_space<vmem_shared>>
        tpu.enqueue_indirect_dma source(%arg8 : memref<80x64xf32, #tpu.memory_space<vmem>>) target(%dma_start3A_32 : memref<10240x64xf32, #tpu.memory_space<vmem_shared>>) offsets(%arg7 : memref<80xi32, #tpu.memory_space<vmem>>) semaphore(%run_scoped3A : memref<!tpu.dma_semaphore, #tpu.memory_space<semaphore_mem>>) {add = true}
        %dma_wait3A_33 = arith.constant 0 : i32
        %dma_wait3A_34 = arith.constant 0 : i32
        %dma_wait3A_35 = tpu.memref_slice %arg10[%dma_wait3A_33, %dma_wait3A_34] : memref<10240x64xf32, #tpu.memory_space<vmem_shared>> -> memref<10240x64xf32, #tpu.memory_space<vmem_shared>>
        tpu.wait_indirect_dma semaphore(%run_scoped3A : memref<!tpu.dma_semaphore, #tpu.memory_space<semaphore_mem>>) src(%arg8 : memref<80x64xf32, #tpu.memory_space<vmem>>) dst(%dma_wait3A_35 : memref<10240x64xf32, #tpu.memory_space<vmem_shared>>)
        tpu.yield
      }) : () -> ()
    }
    %scan3A_16 = arith.constant 125 : i32
    %barrier3A_17 = arith.constant 0 : index
    tpu.barrier barrier_id(%barrier3A_17)
    %mul3A_18 = arith.constant 640 : i32
    %mul3A_19 = arith.muli %arg1, %mul3A_18 : i32
    %mul3A_20 = arith.constant 640 : i32
    %mul3A_21 = arith.muli %arg1, %mul3A_20 : i32
    "tpu.region"() ({
      %run_scoped3A = tpu.sem_alloc : memref<!tpu.dma_semaphore, #tpu.memory_space<semaphore_mem>>
      %dma_start3A = arith.constant 0 : i32
      %dma_start3A_22 = tpu.memref_slice %arg5[%arg0, %mul3A_21, %dma_start3A] : memref<2x10240x64xf32, #tpu.memory_space<hbm>> -> memref<1x640x64xf32, #tpu.memory_space<hbm>>
      %dma_start3A_23 = tpu.memref_squeeze %dma_start3A_22 : memref<1x640x64xf32, #tpu.memory_space<hbm>> -> memref<640x64xf32, #tpu.memory_space<hbm>>
      %dma_start3A_24 = arith.constant 0 : i32
      %dma_start3A_25 = tpu.memref_slice %arg10[%mul3A_19, %dma_start3A_24] : memref<10240x64xf32, #tpu.memory_space<vmem_shared>> -> memref<640x64xf32, #tpu.memory_space<vmem_shared>>
      tpu.enqueue_dma source(%dma_start3A_25 : memref<640x64xf32, #tpu.memory_space<vmem_shared>>) target(%dma_start3A_23 : memref<640x64xf32, #tpu.memory_space<hbm>>) target_semaphore(%run_scoped3A : memref<!tpu.dma_semaphore, #tpu.memory_space<semaphore_mem>>)
      %dma_wait3A = arith.constant 0 : i32
      %dma_wait3A_26 = tpu.memref_slice %arg5[%arg0, %mul3A_21, %dma_wait3A] : memref<2x10240x64xf32, #tpu.memory_space<hbm>> -> memref<1x640x64xf32, #tpu.memory_space<hbm>>
      %dma_wait3A_27 = tpu.memref_squeeze %dma_wait3A_26 : memref<1x640x64xf32, #tpu.memory_space<hbm>> -> memref<640x64xf32, #tpu.memory_space<hbm>>
      %dma_wait3A_28 = arith.constant 0 : i32
      %dma_wait3A_29 = tpu.memref_slice %arg10[%mul3A_19, %dma_wait3A_28] : memref<10240x64xf32, #tpu.memory_space<vmem_shared>> -> memref<640x64xf32, #tpu.memory_space<vmem_shared>>
      tpu.wait_dma2 semaphore(%run_scoped3A : memref<!tpu.dma_semaphore, #tpu.memory_space<semaphore_mem>>) src(%dma_wait3A_29 : memref<640x64xf32, #tpu.memory_space<vmem_shared>>) dst(%dma_wait3A_27 : memref<640x64xf32, #tpu.memory_space<hbm>>)
      tpu.yield
    }) : () -> ()
    return
  }
}

#map = affine_map<(d0, d1) -> (0, 0)>
#map1 = affine_map<(d0, d1) -> (0)>
#map2 = affine_map<(d0, d1) -> (0, 0, 0)>
module attributes {stable_mosaic.version = 14 : i64} {
  func.func @agg_kernel(%arg0: i32, %arg1: i32, %arg2: memref<10240x32xf32, #tpu.memory_space<hbm>>, %arg3: memref<320000xi32, #tpu.memory_space<hbm>>, %arg4: memref<320000xi32, #tpu.memory_space<hbm>>, %arg5: memref<2x10240x32xf32, #tpu.memory_space<hbm>>, %arg6: memref<80xi32, #tpu.memory_space<vmem>>, %arg7: memref<80xi32, #tpu.memory_space<vmem>>, %arg8: memref<80x32xf32, #tpu.memory_space<vmem>>, %arg9: memref<640x32xf32, #tpu.memory_space<vmem>>, %arg10: memref<10240x32xf32, #tpu.memory_space<vmem_shared>>, %arg11: memref<!tpu.dma_semaphore, #tpu.memory_space<semaphore_mem>>) attributes {dimension_semantics = [#tpu.dimension_semantics<core_parallel>, #tpu.dimension_semantics<subcore_parallel>], iteration_bounds = array<i64: 2, 16>, scalar_prefetch = 0 : i64, scratch_operands = 6 : i64, tpu.core_type = #tpu.core_type<sc_vector_subcore>, window_params = [{transform_indices = #map}, {transform_indices = #map1}, {transform_indices = #map1}, {transform_indices = #map2}]} {
    %broadcast_in_dim3A = arith.constant 0.000000e+00 : f32
    %broadcast_in_dim3A_0 = vector.broadcast %broadcast_in_dim3A : f32 to vector<16xf32>
    %scan3A = arith.constant 0 : i32
    %scan3A_1 = arith.constant 0 : i32
    %scan3A_2 = arith.constant 640 : i32
    %scan3A_3 = arith.addi %scan3A_1, %scan3A_2 : i32
    %scan3A_4 = arith.constant 1 : i32
    scf.for %scan3A_22 = %scan3A_1 to %scan3A_3 step %scan3A_4  : i32 {
      %swap3A = arith.index_cast %scan3A_22 : i32 to index
      %swap3A_23 = arith.constant 0 : index
      %swap3A_24 = tpu.vector_load %arg9[%swap3A, %swap3A_23] {strides = array<i32>} : memref<640x32xf32, #tpu.memory_space<vmem>>, vector<1x16xf32>,
      %swap3A_25 = vector.shape_cast %swap3A_24 : vector<1x16xf32> to vector<16xf32>
      %swap3A_26 = vector.shape_cast %broadcast_in_dim3A_0 : vector<16xf32> to vector<1x16xf32>
      tpu.vector_store %arg9[%swap3A, %swap3A_23], %swap3A_26 {strides = array<i32>} : memref<640x32xf32, #tpu.memory_space<vmem>>, vector<1x16xf32>,
      %swap3A_27 = arith.index_cast %scan3A_22 : i32 to index
      %swap3A_28 = arith.constant 16 : index
      %swap3A_29 = tpu.vector_load %arg9[%swap3A_27, %swap3A_28] {strides = array<i32>} : memref<640x32xf32, #tpu.memory_space<vmem>>, vector<1x16xf32>,
      %swap3A_30 = vector.shape_cast %swap3A_29 : vector<1x16xf32> to vector<16xf32>
      %swap3A_31 = vector.shape_cast %broadcast_in_dim3A_0 : vector<16xf32> to vector<1x16xf32>
      tpu.vector_store %arg9[%swap3A_27, %swap3A_28], %swap3A_31 {strides = array<i32>} : memref<640x32xf32, #tpu.memory_space<vmem>>, vector<1x16xf32>,
    }
    %scan3A_5 = arith.constant 640 : i32
    %mul3A = arith.constant 640 : i32
    %mul3A_6 = arith.muli %arg1, %mul3A : i32
    "tpu.region"() ({
      %run_scoped3A = tpu.sem_alloc : memref<!tpu.dma_semaphore, #tpu.memory_space<semaphore_mem>>
      %dma_start3A = arith.constant 0 : i32
      %dma_start3A_22 = tpu.memref_slice %arg10[%mul3A_6, %dma_start3A] : memref<10240x32xf32, #tpu.memory_space<vmem_shared>> -> memref<640x32xf32, #tpu.memory_space<vmem_shared>>
      %dma_start3A_23 = arith.constant 0 : i32
      %dma_start3A_24 = tpu.memref_slice %arg10[%mul3A_6, %dma_start3A_23] : memref<10240x32xf32, #tpu.memory_space<vmem_shared>> -> memref<640x32xf32, #tpu.memory_space<vmem_shared>>
      tpu.enqueue_dma source(%arg9 : memref<640x32xf32, #tpu.memory_space<vmem>>) target(%dma_start3A_24 : memref<640x32xf32, #tpu.memory_space<vmem_shared>>) target_semaphore(%run_scoped3A : memref<!tpu.dma_semaphore, #tpu.memory_space<semaphore_mem>>)
      %dma_wait3A = arith.constant 0 : i32
      %dma_wait3A_25 = tpu.memref_slice %arg10[%mul3A_6, %dma_wait3A] : memref<10240x32xf32, #tpu.memory_space<vmem_shared>> -> memref<640x32xf32, #tpu.memory_space<vmem_shared>>
      %dma_wait3A_26 = arith.constant 0 : i32
      %dma_wait3A_27 = tpu.memref_slice %arg10[%mul3A_6, %dma_wait3A_26] : memref<10240x32xf32, #tpu.memory_space<vmem_shared>> -> memref<640x32xf32, #tpu.memory_space<vmem_shared>>
      tpu.wait_dma2 semaphore(%run_scoped3A : memref<!tpu.dma_semaphore, #tpu.memory_space<semaphore_mem>>) src(%arg9 : memref<640x32xf32, #tpu.memory_space<vmem>>) dst(%dma_wait3A_27 : memref<640x32xf32, #tpu.memory_space<vmem_shared>>)
      tpu.yield
    }) : () -> ()
    %barrier3A = arith.constant 0 : index
    tpu.barrier barrier_id(%barrier3A)
    %mul3A_7 = arith.constant 2 : i32
    %mul3A_8 = arith.muli %arg1, %mul3A_7 : i32
    %add3A = arith.addi %mul3A_8, %arg0 : i32
    %mul3A_9 = arith.constant 10000 : i32
    %mul3A_10 = arith.muli %add3A, %mul3A_9 : i32
    %scan3A_11 = arith.constant 0 : i32
    %scan3A_12 = arith.constant 0 : i32
    %scan3A_13 = arith.constant 125 : i32
    %scan3A_14 = arith.addi %scan3A_12, %scan3A_13 : i32
    %scan3A_15 = arith.constant 1 : i32
    scf.for %scan3A_22 = %scan3A_12 to %scan3A_14 step %scan3A_15  : i32 {
      %mul3A_23 = arith.constant 80 : i32
      %mul3A_24 = arith.muli %scan3A_22, %mul3A_23 : i32
      %add3A_25 = arith.addi %mul3A_10, %mul3A_24 : i32
      "tpu.region"() ({
        %run_scoped3A = tpu.sem_alloc : memref<!tpu.dma_semaphore, #tpu.memory_space<semaphore_mem>>
        %dma_start3A_30 = tpu.memref_slice %arg3[%add3A_25] : memref<320000xi32, #tpu.memory_space<hbm>> -> memref<80xi32, #tpu.memory_space<hbm>>
        %dma_start3A_31 = tpu.memref_slice %arg3[%add3A_25] : memref<320000xi32, #tpu.memory_space<hbm>> -> memref<80xi32, #tpu.memory_space<hbm>>
        tpu.enqueue_dma source(%dma_start3A_31 : memref<80xi32, #tpu.memory_space<hbm>>) target(%arg6 : memref<80xi32, #tpu.memory_space<vmem>>) target_semaphore(%run_scoped3A : memref<!tpu.dma_semaphore, #tpu.memory_space<semaphore_mem>>)
        %dma_wait3A_32 = tpu.memref_slice %arg3[%add3A_25] : memref<320000xi32, #tpu.memory_space<hbm>> -> memref<80xi32, #tpu.memory_space<hbm>>
        %dma_wait3A_33 = tpu.memref_slice %arg3[%add3A_25] : memref<320000xi32, #tpu.memory_space<hbm>> -> memref<80xi32, #tpu.memory_space<hbm>>
        tpu.wait_dma2 semaphore(%run_scoped3A : memref<!tpu.dma_semaphore, #tpu.memory_space<semaphore_mem>>) src(%dma_wait3A_33 : memref<80xi32, #tpu.memory_space<hbm>>) dst(%arg6 : memref<80xi32, #tpu.memory_space<vmem>>)
        tpu.yield
      }) : () -> ()
      "tpu.region"() ({
        %run_scoped3A = tpu.sem_alloc : memref<!tpu.dma_semaphore, #tpu.memory_space<semaphore_mem>>
        %dma_start3A_30 = tpu.memref_slice %arg4[%add3A_25] : memref<320000xi32, #tpu.memory_space<hbm>> -> memref<80xi32, #tpu.memory_space<hbm>>
        %dma_start3A_31 = tpu.memref_slice %arg4[%add3A_25] : memref<320000xi32, #tpu.memory_space<hbm>> -> memref<80xi32, #tpu.memory_space<hbm>>
        tpu.enqueue_dma source(%dma_start3A_31 : memref<80xi32, #tpu.memory_space<hbm>>) target(%arg7 : memref<80xi32, #tpu.memory_space<vmem>>) target_semaphore(%run_scoped3A : memref<!tpu.dma_semaphore, #tpu.memory_space<semaphore_mem>>)
        %dma_wait3A_32 = tpu.memref_slice %arg4[%add3A_25] : memref<320000xi32, #tpu.memory_space<hbm>> -> memref<80xi32, #tpu.memory_space<hbm>>
        %dma_wait3A_33 = tpu.memref_slice %arg4[%add3A_25] : memref<320000xi32, #tpu.memory_space<hbm>> -> memref<80xi32, #tpu.memory_space<hbm>>
        tpu.wait_dma2 semaphore(%run_scoped3A : memref<!tpu.dma_semaphore, #tpu.memory_space<semaphore_mem>>) src(%dma_wait3A_33 : memref<80xi32, #tpu.memory_space<hbm>>) dst(%arg7 : memref<80xi32, #tpu.memory_space<vmem>>)
        tpu.yield
      }) : () -> ()
      %dma_start3A = arith.constant 0 : i32
      %dma_start3A_26 = arith.constant 0 : i32
      %dma_start3A_27 = tpu.memref_slice %arg2[%dma_start3A, %dma_start3A_26] : memref<10240x32xf32, #tpu.memory_space<hbm>> -> memref<10240x32xf32, #tpu.memory_space<hbm>>
      tpu.enqueue_indirect_dma source(%dma_start3A_27 : memref<10240x32xf32, #tpu.memory_space<hbm>>) target(%arg8 : memref<80x32xf32, #tpu.memory_space<vmem>>) offsets(%arg6 : memref<80xi32, #tpu.memory_space<vmem>>) semaphore(%arg11 : memref<!tpu.dma_semaphore, #tpu.memory_space<semaphore_mem>>)
      %dma_wait3A = arith.constant 0 : i32
      %dma_wait3A_28 = arith.constant 0 : i32
      %dma_wait3A_29 = tpu.memref_slice %arg2[%dma_wait3A, %dma_wait3A_28] : memref<10240x32xf32, #tpu.memory_space<hbm>> -> memref<10240x32xf32, #tpu.memory_space<hbm>>
      tpu.wait_indirect_dma semaphore(%arg11 : memref<!tpu.dma_semaphore, #tpu.memory_space<semaphore_mem>>) src(%dma_wait3A_29 : memref<10240x32xf32, #tpu.memory_space<hbm>>) dst(%arg8 : memref<80x32xf32, #tpu.memory_space<vmem>>)
      "tpu.region"() ({
        %run_scoped3A = tpu.sem_alloc : memref<!tpu.dma_semaphore, #tpu.memory_space<semaphore_mem>>
        %dma_start3A_30 = arith.constant 0 : i32
        %dma_start3A_31 = arith.constant 0 : i32
        %dma_start3A_32 = tpu.memref_slice %arg10[%dma_start3A_30, %dma_start3A_31] : memref<10240x32xf32, #tpu.memory_space<vmem_shared>> -> memref<10240x32xf32, #tpu.memory_space<vmem_shared>>
        tpu.enqueue_indirect_dma source(%arg8 : memref<80x32xf32, #tpu.memory_space<vmem>>) target(%dma_start3A_32 : memref<10240x32xf32, #tpu.memory_space<vmem_shared>>) offsets(%arg7 : memref<80xi32, #tpu.memory_space<vmem>>) semaphore(%run_scoped3A : memref<!tpu.dma_semaphore, #tpu.memory_space<semaphore_mem>>) {add = true}
        %dma_wait3A_33 = arith.constant 0 : i32
        %dma_wait3A_34 = arith.constant 0 : i32
        %dma_wait3A_35 = tpu.memref_slice %arg10[%dma_wait3A_33, %dma_wait3A_34] : memref<10240x32xf32, #tpu.memory_space<vmem_shared>> -> memref<10240x32xf32, #tpu.memory_space<vmem_shared>>
        tpu.wait_indirect_dma semaphore(%run_scoped3A : memref<!tpu.dma_semaphore, #tpu.memory_space<semaphore_mem>>) src(%arg8 : memref<80x32xf32, #tpu.memory_space<vmem>>) dst(%dma_wait3A_35 : memref<10240x32xf32, #tpu.memory_space<vmem_shared>>)
        tpu.yield
      }) : () -> ()
    }
    %scan3A_16 = arith.constant 125 : i32
    %barrier3A_17 = arith.constant 0 : index
    tpu.barrier barrier_id(%barrier3A_17)
    %mul3A_18 = arith.constant 640 : i32
    %mul3A_19 = arith.muli %arg1, %mul3A_18 : i32
    %mul3A_20 = arith.constant 640 : i32
    %mul3A_21 = arith.muli %arg1, %mul3A_20 : i32
    "tpu.region"() ({
      %run_scoped3A = tpu.sem_alloc : memref<!tpu.dma_semaphore, #tpu.memory_space<semaphore_mem>>
      %dma_start3A = arith.constant 0 : i32
      %dma_start3A_22 = tpu.memref_slice %arg5[%arg0, %mul3A_21, %dma_start3A] : memref<2x10240x32xf32, #tpu.memory_space<hbm>> -> memref<1x640x32xf32, #tpu.memory_space<hbm>>
      %dma_start3A_23 = tpu.memref_squeeze %dma_start3A_22 : memref<1x640x32xf32, #tpu.memory_space<hbm>> -> memref<640x32xf32, #tpu.memory_space<hbm>>
      %dma_start3A_24 = arith.constant 0 : i32
      %dma_start3A_25 = tpu.memref_slice %arg10[%mul3A_19, %dma_start3A_24] : memref<10240x32xf32, #tpu.memory_space<vmem_shared>> -> memref<640x32xf32, #tpu.memory_space<vmem_shared>>
      tpu.enqueue_dma source(%dma_start3A_25 : memref<640x32xf32, #tpu.memory_space<vmem_shared>>) target(%dma_start3A_23 : memref<640x32xf32, #tpu.memory_space<hbm>>) target_semaphore(%run_scoped3A : memref<!tpu.dma_semaphore, #tpu.memory_space<semaphore_mem>>)
      %dma_wait3A = arith.constant 0 : i32
      %dma_wait3A_26 = tpu.memref_slice %arg5[%arg0, %mul3A_21, %dma_wait3A] : memref<2x10240x32xf32, #tpu.memory_space<hbm>> -> memref<1x640x32xf32, #tpu.memory_space<hbm>>
      %dma_wait3A_27 = tpu.memref_squeeze %dma_wait3A_26 : memref<1x640x32xf32, #tpu.memory_space<hbm>> -> memref<640x32xf32, #tpu.memory_space<hbm>>
      %dma_wait3A_28 = arith.constant 0 : i32
      %dma_wait3A_29 = tpu.memref_slice %arg10[%mul3A_19, %dma_wait3A_28] : memref<10240x32xf32, #tpu.memory_space<vmem_shared>> -> memref<640x32xf32, #tpu.memory_space<vmem_shared>>
      tpu.wait_dma2 semaphore(%run_scoped3A : memref<!tpu.dma_semaphore, #tpu.memory_space<semaphore_mem>>) src(%dma_wait3A_29 : memref<640x32xf32, #tpu.memory_space<vmem_shared>>) dst(%dma_wait3A_27 : memref<640x32xf32, #tpu.memory_space<hbm>>)
      tpu.yield
    }) : () -> ()
    return
  }
}

#map = affine_map<(d0, d1) -> (0, 0)>
#map1 = affine_map<(d0, d1) -> (0)>
#map2 = affine_map<(d0, d1) -> (0, 0, 0)>
module attributes {stable_mosaic.version = 14 : i64} {
  func.func @agg_kernel(%arg0: i32, %arg1: i32, %arg2: memref<10240x64xf32, #tpu.memory_space<hbm>>, %arg3: memref<320000xi32, #tpu.memory_space<hbm>>, %arg4: memref<320000xi32, #tpu.memory_space<hbm>>, %arg5: memref<2x10240x64xf32, #tpu.memory_space<hbm>>, %arg6: memref<80xi32, #tpu.memory_space<vmem>>, %arg7: memref<80xi32, #tpu.memory_space<vmem>>, %arg8: memref<80x64xf32, #tpu.memory_space<vmem>>, %arg9: memref<640x64xf32, #tpu.memory_space<vmem>>, %arg10: memref<10240x64xf32, #tpu.memory_space<vmem_shared>>, %arg11: memref<!tpu.dma_semaphore, #tpu.memory_space<semaphore_mem>>) attributes {dimension_semantics = [#tpu.dimension_semantics<core_parallel>, #tpu.dimension_semantics<subcore_parallel>], iteration_bounds = array<i64: 2, 16>, scalar_prefetch = 0 : i64, scratch_operands = 6 : i64, tpu.core_type = #tpu.core_type<sc_vector_subcore>, window_params = [{transform_indices = #map}, {transform_indices = #map1}, {transform_indices = #map1}, {transform_indices = #map2}]} {
    %broadcast_in_dim3A = arith.constant 0.000000e+00 : f32
    %broadcast_in_dim3A_0 = vector.broadcast %broadcast_in_dim3A : f32 to vector<16xf32>
    %scan3A = arith.constant 0 : i32
    %scan3A_1 = arith.constant 0 : i32
    %scan3A_2 = arith.constant 640 : i32
    %scan3A_3 = arith.addi %scan3A_1, %scan3A_2 : i32
    %scan3A_4 = arith.constant 1 : i32
    scf.for %scan3A_22 = %scan3A_1 to %scan3A_3 step %scan3A_4  : i32 {
      %swap3A = arith.index_cast %scan3A_22 : i32 to index
      %swap3A_23 = arith.constant 0 : index
      %swap3A_24 = tpu.vector_load %arg9[%swap3A, %swap3A_23] {strides = array<i32>} : memref<640x64xf32, #tpu.memory_space<vmem>>, vector<1x16xf32>,
      %swap3A_25 = vector.shape_cast %swap3A_24 : vector<1x16xf32> to vector<16xf32>
      %swap3A_26 = vector.shape_cast %broadcast_in_dim3A_0 : vector<16xf32> to vector<1x16xf32>
      tpu.vector_store %arg9[%swap3A, %swap3A_23], %swap3A_26 {strides = array<i32>} : memref<640x64xf32, #tpu.memory_space<vmem>>, vector<1x16xf32>,
      %swap3A_27 = arith.index_cast %scan3A_22 : i32 to index
      %swap3A_28 = arith.constant 16 : index
      %swap3A_29 = tpu.vector_load %arg9[%swap3A_27, %swap3A_28] {strides = array<i32>} : memref<640x64xf32, #tpu.memory_space<vmem>>, vector<1x16xf32>,
      %swap3A_30 = vector.shape_cast %swap3A_29 : vector<1x16xf32> to vector<16xf32>
      %swap3A_31 = vector.shape_cast %broadcast_in_dim3A_0 : vector<16xf32> to vector<1x16xf32>
      tpu.vector_store %arg9[%swap3A_27, %swap3A_28], %swap3A_31 {strides = array<i32>} : memref<640x64xf32, #tpu.memory_space<vmem>>, vector<1x16xf32>,
      %swap3A_32 = arith.index_cast %scan3A_22 : i32 to index
      %swap3A_33 = arith.constant 32 : index
      %swap3A_34 = tpu.vector_load %arg9[%swap3A_32, %swap3A_33] {strides = array<i32>} : memref<640x64xf32, #tpu.memory_space<vmem>>, vector<1x16xf32>,
      %swap3A_35 = vector.shape_cast %swap3A_34 : vector<1x16xf32> to vector<16xf32>
      %swap3A_36 = vector.shape_cast %broadcast_in_dim3A_0 : vector<16xf32> to vector<1x16xf32>
      tpu.vector_store %arg9[%swap3A_32, %swap3A_33], %swap3A_36 {strides = array<i32>} : memref<640x64xf32, #tpu.memory_space<vmem>>, vector<1x16xf32>,
      %swap3A_37 = arith.index_cast %scan3A_22 : i32 to index
      %swap3A_38 = arith.constant 48 : index
      %swap3A_39 = tpu.vector_load %arg9[%swap3A_37, %swap3A_38] {strides = array<i32>} : memref<640x64xf32, #tpu.memory_space<vmem>>, vector<1x16xf32>,
      %swap3A_40 = vector.shape_cast %swap3A_39 : vector<1x16xf32> to vector<16xf32>
      %swap3A_41 = vector.shape_cast %broadcast_in_dim3A_0 : vector<16xf32> to vector<1x16xf32>
      tpu.vector_store %arg9[%swap3A_37, %swap3A_38], %swap3A_41 {strides = array<i32>} : memref<640x64xf32, #tpu.memory_space<vmem>>, vector<1x16xf32>,
    }
    %scan3A_5 = arith.constant 640 : i32
    %mul3A = arith.constant 640 : i32
    %mul3A_6 = arith.muli %arg1, %mul3A : i32
    "tpu.region"() ({
      %run_scoped3A = tpu.sem_alloc : memref<!tpu.dma_semaphore, #tpu.memory_space<semaphore_mem>>
      %dma_start3A = arith.constant 0 : i32
      %dma_start3A_22 = tpu.memref_slice %arg10[%mul3A_6, %dma_start3A] : memref<10240x64xf32, #tpu.memory_space<vmem_shared>> -> memref<640x64xf32, #tpu.memory_space<vmem_shared>>
      %dma_start3A_23 = arith.constant 0 : i32
      %dma_start3A_24 = tpu.memref_slice %arg10[%mul3A_6, %dma_start3A_23] : memref<10240x64xf32, #tpu.memory_space<vmem_shared>> -> memref<640x64xf32, #tpu.memory_space<vmem_shared>>
      tpu.enqueue_dma source(%arg9 : memref<640x64xf32, #tpu.memory_space<vmem>>) target(%dma_start3A_24 : memref<640x64xf32, #tpu.memory_space<vmem_shared>>) target_semaphore(%run_scoped3A : memref<!tpu.dma_semaphore, #tpu.memory_space<semaphore_mem>>)
      %dma_wait3A = arith.constant 0 : i32
      %dma_wait3A_25 = tpu.memref_slice %arg10[%mul3A_6, %dma_wait3A] : memref<10240x64xf32, #tpu.memory_space<vmem_shared>> -> memref<640x64xf32, #tpu.memory_space<vmem_shared>>
      %dma_wait3A_26 = arith.constant 0 : i32
      %dma_wait3A_27 = tpu.memref_slice %arg10[%mul3A_6, %dma_wait3A_26] : memref<10240x64xf32, #tpu.memory_space<vmem_shared>> -> memref<640x64xf32, #tpu.memory_space<vmem_shared>>
      tpu.wait_dma2 semaphore(%run_scoped3A : memref<!tpu.dma_semaphore, #tpu.memory_space<semaphore_mem>>) src(%arg9 : memref<640x64xf32, #tpu.memory_space<vmem>>) dst(%dma_wait3A_27 : memref<640x64xf32, #tpu.memory_space<vmem_shared>>)
      tpu.yield
    }) : () -> ()
    %barrier3A = arith.constant 0 : index
    tpu.barrier barrier_id(%barrier3A)
    %mul3A_7 = arith.constant 2 : i32
    %mul3A_8 = arith.muli %arg1, %mul3A_7 : i32
    %add3A = arith.addi %mul3A_8, %arg0 : i32
    %mul3A_9 = arith.constant 10000 : i32
    %mul3A_10 = arith.muli %add3A, %mul3A_9 : i32
    %scan3A_11 = arith.constant 0 : i32
    %scan3A_12 = arith.constant 0 : i32
    %scan3A_13 = arith.constant 125 : i32
    %scan3A_14 = arith.addi %scan3A_12, %scan3A_13 : i32
    %scan3A_15 = arith.constant 1 : i32
    scf.for %scan3A_22 = %scan3A_12 to %scan3A_14 step %scan3A_15  : i32 {
      %mul3A_23 = arith.constant 80 : i32
      %mul3A_24 = arith.muli %scan3A_22, %mul3A_23 : i32
      %add3A_25 = arith.addi %mul3A_10, %mul3A_24 : i32
      "tpu.region"() ({
        %run_scoped3A = tpu.sem_alloc : memref<!tpu.dma_semaphore, #tpu.memory_space<semaphore_mem>>
        %dma_start3A_30 = tpu.memref_slice %arg3[%add3A_25] : memref<320000xi32, #tpu.memory_space<hbm>> -> memref<80xi32, #tpu.memory_space<hbm>>
        %dma_start3A_31 = tpu.memref_slice %arg3[%add3A_25] : memref<320000xi32, #tpu.memory_space<hbm>> -> memref<80xi32, #tpu.memory_space<hbm>>
        tpu.enqueue_dma source(%dma_start3A_31 : memref<80xi32, #tpu.memory_space<hbm>>) target(%arg6 : memref<80xi32, #tpu.memory_space<vmem>>) target_semaphore(%run_scoped3A : memref<!tpu.dma_semaphore, #tpu.memory_space<semaphore_mem>>)
        %dma_wait3A_32 = tpu.memref_slice %arg3[%add3A_25] : memref<320000xi32, #tpu.memory_space<hbm>> -> memref<80xi32, #tpu.memory_space<hbm>>
        %dma_wait3A_33 = tpu.memref_slice %arg3[%add3A_25] : memref<320000xi32, #tpu.memory_space<hbm>> -> memref<80xi32, #tpu.memory_space<hbm>>
        tpu.wait_dma2 semaphore(%run_scoped3A : memref<!tpu.dma_semaphore, #tpu.memory_space<semaphore_mem>>) src(%dma_wait3A_33 : memref<80xi32, #tpu.memory_space<hbm>>) dst(%arg6 : memref<80xi32, #tpu.memory_space<vmem>>)
        tpu.yield
      }) : () -> ()
      "tpu.region"() ({
        %run_scoped3A = tpu.sem_alloc : memref<!tpu.dma_semaphore, #tpu.memory_space<semaphore_mem>>
        %dma_start3A_30 = tpu.memref_slice %arg4[%add3A_25] : memref<320000xi32, #tpu.memory_space<hbm>> -> memref<80xi32, #tpu.memory_space<hbm>>
        %dma_start3A_31 = tpu.memref_slice %arg4[%add3A_25] : memref<320000xi32, #tpu.memory_space<hbm>> -> memref<80xi32, #tpu.memory_space<hbm>>
        tpu.enqueue_dma source(%dma_start3A_31 : memref<80xi32, #tpu.memory_space<hbm>>) target(%arg7 : memref<80xi32, #tpu.memory_space<vmem>>) target_semaphore(%run_scoped3A : memref<!tpu.dma_semaphore, #tpu.memory_space<semaphore_mem>>)
        %dma_wait3A_32 = tpu.memref_slice %arg4[%add3A_25] : memref<320000xi32, #tpu.memory_space<hbm>> -> memref<80xi32, #tpu.memory_space<hbm>>
        %dma_wait3A_33 = tpu.memref_slice %arg4[%add3A_25] : memref<320000xi32, #tpu.memory_space<hbm>> -> memref<80xi32, #tpu.memory_space<hbm>>
        tpu.wait_dma2 semaphore(%run_scoped3A : memref<!tpu.dma_semaphore, #tpu.memory_space<semaphore_mem>>) src(%dma_wait3A_33 : memref<80xi32, #tpu.memory_space<hbm>>) dst(%arg7 : memref<80xi32, #tpu.memory_space<vmem>>)
        tpu.yield
      }) : () -> ()
      %dma_start3A = arith.constant 0 : i32
      %dma_start3A_26 = arith.constant 0 : i32
      %dma_start3A_27 = tpu.memref_slice %arg2[%dma_start3A, %dma_start3A_26] : memref<10240x64xf32, #tpu.memory_space<hbm>> -> memref<10240x64xf32, #tpu.memory_space<hbm>>
      tpu.enqueue_indirect_dma source(%dma_start3A_27 : memref<10240x64xf32, #tpu.memory_space<hbm>>) target(%arg8 : memref<80x64xf32, #tpu.memory_space<vmem>>) offsets(%arg6 : memref<80xi32, #tpu.memory_space<vmem>>) semaphore(%arg11 : memref<!tpu.dma_semaphore, #tpu.memory_space<semaphore_mem>>)
      %dma_wait3A = arith.constant 0 : i32
      %dma_wait3A_28 = arith.constant 0 : i32
      %dma_wait3A_29 = tpu.memref_slice %arg2[%dma_wait3A, %dma_wait3A_28] : memref<10240x64xf32, #tpu.memory_space<hbm>> -> memref<10240x64xf32, #tpu.memory_space<hbm>>
      tpu.wait_indirect_dma semaphore(%arg11 : memref<!tpu.dma_semaphore, #tpu.memory_space<semaphore_mem>>) src(%dma_wait3A_29 : memref<10240x64xf32, #tpu.memory_space<hbm>>) dst(%arg8 : memref<80x64xf32, #tpu.memory_space<vmem>>)
      "tpu.region"() ({
        %run_scoped3A = tpu.sem_alloc : memref<!tpu.dma_semaphore, #tpu.memory_space<semaphore_mem>>
        %dma_start3A_30 = arith.constant 0 : i32
        %dma_start3A_31 = arith.constant 0 : i32
        %dma_start3A_32 = tpu.memref_slice %arg10[%dma_start3A_30, %dma_start3A_31] : memref<10240x64xf32, #tpu.memory_space<vmem_shared>> -> memref<10240x64xf32, #tpu.memory_space<vmem_shared>>
        tpu.enqueue_indirect_dma source(%arg8 : memref<80x64xf32, #tpu.memory_space<vmem>>) target(%dma_start3A_32 : memref<10240x64xf32, #tpu.memory_space<vmem_shared>>) offsets(%arg7 : memref<80xi32, #tpu.memory_space<vmem>>) semaphore(%run_scoped3A : memref<!tpu.dma_semaphore, #tpu.memory_space<semaphore_mem>>) {add = true}
        %dma_wait3A_33 = arith.constant 0 : i32
        %dma_wait3A_34 = arith.constant 0 : i32
        %dma_wait3A_35 = tpu.memref_slice %arg10[%dma_wait3A_33, %dma_wait3A_34] : memref<10240x64xf32, #tpu.memory_space<vmem_shared>> -> memref<10240x64xf32, #tpu.memory_space<vmem_shared>>
        tpu.wait_indirect_dma semaphore(%run_scoped3A : memref<!tpu.dma_semaphore, #tpu.memory_space<semaphore_mem>>) src(%arg8 : memref<80x64xf32, #tpu.memory_space<vmem>>) dst(%dma_wait3A_35 : memref<10240x64xf32, #tpu.memory_space<vmem_shared>>)
        tpu.yield
      }) : () -> ()
    }
    %scan3A_16 = arith.constant 125 : i32
    %barrier3A_17 = arith.constant 0 : index
    tpu.barrier barrier_id(%barrier3A_17)
    %mul3A_18 = arith.constant 640 : i32
    %mul3A_19 = arith.muli %arg1, %mul3A_18 : i32
    %mul3A_20 = arith.constant 640 : i32
    %mul3A_21 = arith.muli %arg1, %mul3A_20 : i32
    "tpu.region"() ({
      %run_scoped3A = tpu.sem_alloc : memref<!tpu.dma_semaphore, #tpu.memory_space<semaphore_mem>>
      %dma_start3A = arith.constant 0 : i32
      %dma_start3A_22 = tpu.memref_slice %arg5[%arg0, %mul3A_21, %dma_start3A] : memref<2x10240x64xf32, #tpu.memory_space<hbm>> -> memref<1x640x64xf32, #tpu.memory_space<hbm>>
      %dma_start3A_23 = tpu.memref_squeeze %dma_start3A_22 : memref<1x640x64xf32, #tpu.memory_space<hbm>> -> memref<640x64xf32, #tpu.memory_space<hbm>>
      %dma_start3A_24 = arith.constant 0 : i32
      %dma_start3A_25 = tpu.memref_slice %arg10[%mul3A_19, %dma_start3A_24] : memref<10240x64xf32, #tpu.memory_space<vmem_shared>> -> memref<640x64xf32, #tpu.memory_space<vmem_shared>>
      tpu.enqueue_dma source(%dma_start3A_25 : memref<640x64xf32, #tpu.memory_space<vmem_shared>>) target(%dma_start3A_23 : memref<640x64xf32, #tpu.memory_space<hbm>>) target_semaphore(%run_scoped3A : memref<!tpu.dma_semaphore, #tpu.memory_space<semaphore_mem>>)
      %dma_wait3A = arith.constant 0 : i32
      %dma_wait3A_26 = tpu.memref_slice %arg5[%arg0, %mul3A_21, %dma_wait3A] : memref<2x10240x64xf32, #tpu.memory_space<hbm>> -> memref<1x640x64xf32, #tpu.memory_space<hbm>>
      %dma_wait3A_27 = tpu.memref_squeeze %dma_wait3A_26 : memref<1x640x64xf32, #tpu.memory_space<hbm>> -> memref<640x64xf32, #tpu.memory_space<hbm>>
      %dma_wait3A_28 = arith.constant 0 : i32
      %dma_wait3A_29 = tpu.memref_slice %arg10[%mul3A_19, %dma_wait3A_28] : memref<10240x64xf32, #tpu.memory_space<vmem_shared>> -> memref<640x64xf32, #tpu.memory_space<vmem_shared>>
      tpu.wait_dma2 semaphore(%run_scoped3A : memref<!tpu.dma_semaphore, #tpu.memory_space<semaphore_mem>>) src(%dma_wait3A_29 : memref<640x64xf32, #tpu.memory_space<vmem_shared>>) dst(%dma_wait3A_27 : memref<640x64xf32, #tpu.memory_space<hbm>>)
      tpu.yield
    }) : () -> ()
    return
  }
}

#map = affine_map<(d0, d1) -> (0, 0)>
#map1 = affine_map<(d0, d1) -> (0)>
#map2 = affine_map<(d0, d1) -> (0, 0, 0)>
module attributes {stable_mosaic.version = 14 : i64} {
  func.func @agg_kernel(%arg0: i32, %arg1: i32, %arg2: memref<10240x32xf32, #tpu.memory_space<hbm>>, %arg3: memref<320000xi32, #tpu.memory_space<hbm>>, %arg4: memref<320000xi32, #tpu.memory_space<hbm>>, %arg5: memref<2x10240x32xf32, #tpu.memory_space<hbm>>, %arg6: memref<80xi32, #tpu.memory_space<vmem>>, %arg7: memref<80xi32, #tpu.memory_space<vmem>>, %arg8: memref<80x32xf32, #tpu.memory_space<vmem>>, %arg9: memref<640x32xf32, #tpu.memory_space<vmem>>, %arg10: memref<10240x32xf32, #tpu.memory_space<vmem_shared>>, %arg11: memref<!tpu.dma_semaphore, #tpu.memory_space<semaphore_mem>>) attributes {dimension_semantics = [#tpu.dimension_semantics<core_parallel>, #tpu.dimension_semantics<subcore_parallel>], iteration_bounds = array<i64: 2, 16>, scalar_prefetch = 0 : i64, scratch_operands = 6 : i64, tpu.core_type = #tpu.core_type<sc_vector_subcore>, window_params = [{transform_indices = #map}, {transform_indices = #map1}, {transform_indices = #map1}, {transform_indices = #map2}]} {
    %broadcast_in_dim3A = arith.constant 0.000000e+00 : f32
    %broadcast_in_dim3A_0 = vector.broadcast %broadcast_in_dim3A : f32 to vector<16xf32>
    %scan3A = arith.constant 0 : i32
    %scan3A_1 = arith.constant 0 : i32
    %scan3A_2 = arith.constant 640 : i32
    %scan3A_3 = arith.addi %scan3A_1, %scan3A_2 : i32
    %scan3A_4 = arith.constant 1 : i32
    scf.for %scan3A_22 = %scan3A_1 to %scan3A_3 step %scan3A_4  : i32 {
      %swap3A = arith.index_cast %scan3A_22 : i32 to index
      %swap3A_23 = arith.constant 0 : index
      %swap3A_24 = tpu.vector_load %arg9[%swap3A, %swap3A_23] {strides = array<i32>} : memref<640x32xf32, #tpu.memory_space<vmem>>, vector<1x16xf32>,
      %swap3A_25 = vector.shape_cast %swap3A_24 : vector<1x16xf32> to vector<16xf32>
      %swap3A_26 = vector.shape_cast %broadcast_in_dim3A_0 : vector<16xf32> to vector<1x16xf32>
      tpu.vector_store %arg9[%swap3A, %swap3A_23], %swap3A_26 {strides = array<i32>} : memref<640x32xf32, #tpu.memory_space<vmem>>, vector<1x16xf32>,
      %swap3A_27 = arith.index_cast %scan3A_22 : i32 to index
      %swap3A_28 = arith.constant 16 : index
      %swap3A_29 = tpu.vector_load %arg9[%swap3A_27, %swap3A_28] {strides = array<i32>} : memref<640x32xf32, #tpu.memory_space<vmem>>, vector<1x16xf32>,
      %swap3A_30 = vector.shape_cast %swap3A_29 : vector<1x16xf32> to vector<16xf32>
      %swap3A_31 = vector.shape_cast %broadcast_in_dim3A_0 : vector<16xf32> to vector<1x16xf32>
      tpu.vector_store %arg9[%swap3A_27, %swap3A_28], %swap3A_31 {strides = array<i32>} : memref<640x32xf32, #tpu.memory_space<vmem>>, vector<1x16xf32>,
    }
    %scan3A_5 = arith.constant 640 : i32
    %mul3A = arith.constant 640 : i32
    %mul3A_6 = arith.muli %arg1, %mul3A : i32
    "tpu.region"() ({
      %run_scoped3A = tpu.sem_alloc : memref<!tpu.dma_semaphore, #tpu.memory_space<semaphore_mem>>
      %dma_start3A = arith.constant 0 : i32
      %dma_start3A_22 = tpu.memref_slice %arg10[%mul3A_6, %dma_start3A] : memref<10240x32xf32, #tpu.memory_space<vmem_shared>> -> memref<640x32xf32, #tpu.memory_space<vmem_shared>>
      %dma_start3A_23 = arith.constant 0 : i32
      %dma_start3A_24 = tpu.memref_slice %arg10[%mul3A_6, %dma_start3A_23] : memref<10240x32xf32, #tpu.memory_space<vmem_shared>> -> memref<640x32xf32, #tpu.memory_space<vmem_shared>>
      tpu.enqueue_dma source(%arg9 : memref<640x32xf32, #tpu.memory_space<vmem>>) target(%dma_start3A_24 : memref<640x32xf32, #tpu.memory_space<vmem_shared>>) target_semaphore(%run_scoped3A : memref<!tpu.dma_semaphore, #tpu.memory_space<semaphore_mem>>)
      %dma_wait3A = arith.constant 0 : i32
      %dma_wait3A_25 = tpu.memref_slice %arg10[%mul3A_6, %dma_wait3A] : memref<10240x32xf32, #tpu.memory_space<vmem_shared>> -> memref<640x32xf32, #tpu.memory_space<vmem_shared>>
      %dma_wait3A_26 = arith.constant 0 : i32
      %dma_wait3A_27 = tpu.memref_slice %arg10[%mul3A_6, %dma_wait3A_26] : memref<10240x32xf32, #tpu.memory_space<vmem_shared>> -> memref<640x32xf32, #tpu.memory_space<vmem_shared>>
      tpu.wait_dma2 semaphore(%run_scoped3A : memref<!tpu.dma_semaphore, #tpu.memory_space<semaphore_mem>>) src(%arg9 : memref<640x32xf32, #tpu.memory_space<vmem>>) dst(%dma_wait3A_27 : memref<640x32xf32, #tpu.memory_space<vmem_shared>>)
      tpu.yield
    }) : () -> ()
    %barrier3A = arith.constant 0 : index
    tpu.barrier barrier_id(%barrier3A)
    %mul3A_7 = arith.constant 2 : i32
    %mul3A_8 = arith.muli %arg1, %mul3A_7 : i32
    %add3A = arith.addi %mul3A_8, %arg0 : i32
    %mul3A_9 = arith.constant 10000 : i32
    %mul3A_10 = arith.muli %add3A, %mul3A_9 : i32
    %scan3A_11 = arith.constant 0 : i32
    %scan3A_12 = arith.constant 0 : i32
    %scan3A_13 = arith.constant 125 : i32
    %scan3A_14 = arith.addi %scan3A_12, %scan3A_13 : i32
    %scan3A_15 = arith.constant 1 : i32
    scf.for %scan3A_22 = %scan3A_12 to %scan3A_14 step %scan3A_15  : i32 {
      %mul3A_23 = arith.constant 80 : i32
      %mul3A_24 = arith.muli %scan3A_22, %mul3A_23 : i32
      %add3A_25 = arith.addi %mul3A_10, %mul3A_24 : i32
      "tpu.region"() ({
        %run_scoped3A = tpu.sem_alloc : memref<!tpu.dma_semaphore, #tpu.memory_space<semaphore_mem>>
        %dma_start3A_30 = tpu.memref_slice %arg3[%add3A_25] : memref<320000xi32, #tpu.memory_space<hbm>> -> memref<80xi32, #tpu.memory_space<hbm>>
        %dma_start3A_31 = tpu.memref_slice %arg3[%add3A_25] : memref<320000xi32, #tpu.memory_space<hbm>> -> memref<80xi32, #tpu.memory_space<hbm>>
        tpu.enqueue_dma source(%dma_start3A_31 : memref<80xi32, #tpu.memory_space<hbm>>) target(%arg6 : memref<80xi32, #tpu.memory_space<vmem>>) target_semaphore(%run_scoped3A : memref<!tpu.dma_semaphore, #tpu.memory_space<semaphore_mem>>)
        %dma_wait3A_32 = tpu.memref_slice %arg3[%add3A_25] : memref<320000xi32, #tpu.memory_space<hbm>> -> memref<80xi32, #tpu.memory_space<hbm>>
        %dma_wait3A_33 = tpu.memref_slice %arg3[%add3A_25] : memref<320000xi32, #tpu.memory_space<hbm>> -> memref<80xi32, #tpu.memory_space<hbm>>
        tpu.wait_dma2 semaphore(%run_scoped3A : memref<!tpu.dma_semaphore, #tpu.memory_space<semaphore_mem>>) src(%dma_wait3A_33 : memref<80xi32, #tpu.memory_space<hbm>>) dst(%arg6 : memref<80xi32, #tpu.memory_space<vmem>>)
        tpu.yield
      }) : () -> ()
      "tpu.region"() ({
        %run_scoped3A = tpu.sem_alloc : memref<!tpu.dma_semaphore, #tpu.memory_space<semaphore_mem>>
        %dma_start3A_30 = tpu.memref_slice %arg4[%add3A_25] : memref<320000xi32, #tpu.memory_space<hbm>> -> memref<80xi32, #tpu.memory_space<hbm>>
        %dma_start3A_31 = tpu.memref_slice %arg4[%add3A_25] : memref<320000xi32, #tpu.memory_space<hbm>> -> memref<80xi32, #tpu.memory_space<hbm>>
        tpu.enqueue_dma source(%dma_start3A_31 : memref<80xi32, #tpu.memory_space<hbm>>) target(%arg7 : memref<80xi32, #tpu.memory_space<vmem>>) target_semaphore(%run_scoped3A : memref<!tpu.dma_semaphore, #tpu.memory_space<semaphore_mem>>)
        %dma_wait3A_32 = tpu.memref_slice %arg4[%add3A_25] : memref<320000xi32, #tpu.memory_space<hbm>> -> memref<80xi32, #tpu.memory_space<hbm>>
        %dma_wait3A_33 = tpu.memref_slice %arg4[%add3A_25] : memref<320000xi32, #tpu.memory_space<hbm>> -> memref<80xi32, #tpu.memory_space<hbm>>
        tpu.wait_dma2 semaphore(%run_scoped3A : memref<!tpu.dma_semaphore, #tpu.memory_space<semaphore_mem>>) src(%dma_wait3A_33 : memref<80xi32, #tpu.memory_space<hbm>>) dst(%arg7 : memref<80xi32, #tpu.memory_space<vmem>>)
        tpu.yield
      }) : () -> ()
      %dma_start3A = arith.constant 0 : i32
      %dma_start3A_26 = arith.constant 0 : i32
      %dma_start3A_27 = tpu.memref_slice %arg2[%dma_start3A, %dma_start3A_26] : memref<10240x32xf32, #tpu.memory_space<hbm>> -> memref<10240x32xf32, #tpu.memory_space<hbm>>
      tpu.enqueue_indirect_dma source(%dma_start3A_27 : memref<10240x32xf32, #tpu.memory_space<hbm>>) target(%arg8 : memref<80x32xf32, #tpu.memory_space<vmem>>) offsets(%arg6 : memref<80xi32, #tpu.memory_space<vmem>>) semaphore(%arg11 : memref<!tpu.dma_semaphore, #tpu.memory_space<semaphore_mem>>)
      %dma_wait3A = arith.constant 0 : i32
      %dma_wait3A_28 = arith.constant 0 : i32
      %dma_wait3A_29 = tpu.memref_slice %arg2[%dma_wait3A, %dma_wait3A_28] : memref<10240x32xf32, #tpu.memory_space<hbm>> -> memref<10240x32xf32, #tpu.memory_space<hbm>>
      tpu.wait_indirect_dma semaphore(%arg11 : memref<!tpu.dma_semaphore, #tpu.memory_space<semaphore_mem>>) src(%dma_wait3A_29 : memref<10240x32xf32, #tpu.memory_space<hbm>>) dst(%arg8 : memref<80x32xf32, #tpu.memory_space<vmem>>)
      "tpu.region"() ({
        %run_scoped3A = tpu.sem_alloc : memref<!tpu.dma_semaphore, #tpu.memory_space<semaphore_mem>>
        %dma_start3A_30 = arith.constant 0 : i32
        %dma_start3A_31 = arith.constant 0 : i32
        %dma_start3A_32 = tpu.memref_slice %arg10[%dma_start3A_30, %dma_start3A_31] : memref<10240x32xf32, #tpu.memory_space<vmem_shared>> -> memref<10240x32xf32, #tpu.memory_space<vmem_shared>>
        tpu.enqueue_indirect_dma source(%arg8 : memref<80x32xf32, #tpu.memory_space<vmem>>) target(%dma_start3A_32 : memref<10240x32xf32, #tpu.memory_space<vmem_shared>>) offsets(%arg7 : memref<80xi32, #tpu.memory_space<vmem>>) semaphore(%run_scoped3A : memref<!tpu.dma_semaphore, #tpu.memory_space<semaphore_mem>>) {add = true}
        %dma_wait3A_33 = arith.constant 0 : i32
        %dma_wait3A_34 = arith.constant 0 : i32
        %dma_wait3A_35 = tpu.memref_slice %arg10[%dma_wait3A_33, %dma_wait3A_34] : memref<10240x32xf32, #tpu.memory_space<vmem_shared>> -> memref<10240x32xf32, #tpu.memory_space<vmem_shared>>
        tpu.wait_indirect_dma semaphore(%run_scoped3A : memref<!tpu.dma_semaphore, #tpu.memory_space<semaphore_mem>>) src(%arg8 : memref<80x32xf32, #tpu.memory_space<vmem>>) dst(%dma_wait3A_35 : memref<10240x32xf32, #tpu.memory_space<vmem_shared>>)
        tpu.yield
      }) : () -> ()
    }
    %scan3A_16 = arith.constant 125 : i32
    %barrier3A_17 = arith.constant 0 : index
    tpu.barrier barrier_id(%barrier3A_17)
    %mul3A_18 = arith.constant 640 : i32
    %mul3A_19 = arith.muli %arg1, %mul3A_18 : i32
    %mul3A_20 = arith.constant 640 : i32
    %mul3A_21 = arith.muli %arg1, %mul3A_20 : i32
    "tpu.region"() ({
      %run_scoped3A = tpu.sem_alloc : memref<!tpu.dma_semaphore, #tpu.memory_space<semaphore_mem>>
      %dma_start3A = arith.constant 0 : i32
      %dma_start3A_22 = tpu.memref_slice %arg5[%arg0, %mul3A_21, %dma_start3A] : memref<2x10240x32xf32, #tpu.memory_space<hbm>> -> memref<1x640x32xf32, #tpu.memory_space<hbm>>
      %dma_start3A_23 = tpu.memref_squeeze %dma_start3A_22 : memref<1x640x32xf32, #tpu.memory_space<hbm>> -> memref<640x32xf32, #tpu.memory_space<hbm>>
      %dma_start3A_24 = arith.constant 0 : i32
      %dma_start3A_25 = tpu.memref_slice %arg10[%mul3A_19, %dma_start3A_24] : memref<10240x32xf32, #tpu.memory_space<vmem_shared>> -> memref<640x32xf32, #tpu.memory_space<vmem_shared>>
      tpu.enqueue_dma source(%dma_start3A_25 : memref<640x32xf32, #tpu.memory_space<vmem_shared>>) target(%dma_start3A_23 : memref<640x32xf32, #tpu.memory_space<hbm>>) target_semaphore(%run_scoped3A : memref<!tpu.dma_semaphore, #tpu.memory_space<semaphore_mem>>)
      %dma_wait3A = arith.constant 0 : i32
      %dma_wait3A_26 = tpu.memref_slice %arg5[%arg0, %mul3A_21, %dma_wait3A] : memref<2x10240x32xf32, #tpu.memory_space<hbm>> -> memref<1x640x32xf32, #tpu.memory_space<hbm>>
      %dma_wait3A_27 = tpu.memref_squeeze %dma_wait3A_26 : memref<1x640x32xf32, #tpu.memory_space<hbm>> -> memref<640x32xf32, #tpu.memory_space<hbm>>
      %dma_wait3A_28 = arith.constant 0 : i32
      %dma_wait3A_29 = tpu.memref_slice %arg10[%mul3A_19, %dma_wait3A_28] : memref<10240x32xf32, #tpu.memory_space<vmem_shared>> -> memref<640x32xf32, #tpu.memory_space<vmem_shared>>
      tpu.wait_dma2 semaphore(%run_scoped3A : memref<!tpu.dma_semaphore, #tpu.memory_space<semaphore_mem>>) src(%dma_wait3A_29 : memref<640x32xf32, #tpu.memory_space<vmem_shared>>) dst(%dma_wait3A_27 : memref<640x32xf32, #tpu.memory_space<hbm>>)
      tpu.yield
    }) : () -> ()
    return
  }
}

#map = affine_map<(d0, d1) -> (0, 0)>
#map1 = affine_map<(d0, d1) -> (0)>
#map2 = affine_map<(d0, d1) -> (0, 0, 0)>
module attributes {stable_mosaic.version = 14 : i64} {
  func.func @agg_kernel(%arg0: i32, %arg1: i32, %arg2: memref<10240x16xf32, #tpu.memory_space<hbm>>, %arg3: memref<320000xi32, #tpu.memory_space<hbm>>, %arg4: memref<320000xi32, #tpu.memory_space<hbm>>, %arg5: memref<2x10240x16xf32, #tpu.memory_space<hbm>>, %arg6: memref<80xi32, #tpu.memory_space<vmem>>, %arg7: memref<80xi32, #tpu.memory_space<vmem>>, %arg8: memref<80x16xf32, #tpu.memory_space<vmem>>, %arg9: memref<640x16xf32, #tpu.memory_space<vmem>>, %arg10: memref<10240x16xf32, #tpu.memory_space<vmem_shared>>, %arg11: memref<!tpu.dma_semaphore, #tpu.memory_space<semaphore_mem>>) attributes {dimension_semantics = [#tpu.dimension_semantics<core_parallel>, #tpu.dimension_semantics<subcore_parallel>], iteration_bounds = array<i64: 2, 16>, scalar_prefetch = 0 : i64, scratch_operands = 6 : i64, tpu.core_type = #tpu.core_type<sc_vector_subcore>, window_params = [{transform_indices = #map}, {transform_indices = #map1}, {transform_indices = #map1}, {transform_indices = #map2}]} {
    %broadcast_in_dim3A = arith.constant 0.000000e+00 : f32
    %broadcast_in_dim3A_0 = vector.broadcast %broadcast_in_dim3A : f32 to vector<16xf32>
    %scan3A = arith.constant 0 : i32
    %scan3A_1 = arith.constant 0 : i32
    %scan3A_2 = arith.constant 640 : i32
    %scan3A_3 = arith.addi %scan3A_1, %scan3A_2 : i32
    %scan3A_4 = arith.constant 1 : i32
    scf.for %scan3A_22 = %scan3A_1 to %scan3A_3 step %scan3A_4  : i32 {
      %swap3A = arith.index_cast %scan3A_22 : i32 to index
      %swap3A_23 = arith.constant 0 : index
      %swap3A_24 = tpu.vector_load %arg9[%swap3A, %swap3A_23] {strides = array<i32>} : memref<640x16xf32, #tpu.memory_space<vmem>>, vector<1x16xf32>,
      %swap3A_25 = vector.shape_cast %swap3A_24 : vector<1x16xf32> to vector<16xf32>
      %swap3A_26 = vector.shape_cast %broadcast_in_dim3A_0 : vector<16xf32> to vector<1x16xf32>
      tpu.vector_store %arg9[%swap3A, %swap3A_23], %swap3A_26 {strides = array<i32>} : memref<640x16xf32, #tpu.memory_space<vmem>>, vector<1x16xf32>,
    }
    %scan3A_5 = arith.constant 640 : i32
    %mul3A = arith.constant 640 : i32
    %mul3A_6 = arith.muli %arg1, %mul3A : i32
    "tpu.region"() ({
      %run_scoped3A = tpu.sem_alloc : memref<!tpu.dma_semaphore, #tpu.memory_space<semaphore_mem>>
      %dma_start3A = arith.constant 0 : i32
      %dma_start3A_22 = tpu.memref_slice %arg10[%mul3A_6, %dma_start3A] : memref<10240x16xf32, #tpu.memory_space<vmem_shared>> -> memref<640x16xf32, #tpu.memory_space<vmem_shared>>
      %dma_start3A_23 = arith.constant 0 : i32
      %dma_start3A_24 = tpu.memref_slice %arg10[%mul3A_6, %dma_start3A_23] : memref<10240x16xf32, #tpu.memory_space<vmem_shared>> -> memref<640x16xf32, #tpu.memory_space<vmem_shared>>
      tpu.enqueue_dma source(%arg9 : memref<640x16xf32, #tpu.memory_space<vmem>>) target(%dma_start3A_24 : memref<640x16xf32, #tpu.memory_space<vmem_shared>>) target_semaphore(%run_scoped3A : memref<!tpu.dma_semaphore, #tpu.memory_space<semaphore_mem>>)
      %dma_wait3A = arith.constant 0 : i32
      %dma_wait3A_25 = tpu.memref_slice %arg10[%mul3A_6, %dma_wait3A] : memref<10240x16xf32, #tpu.memory_space<vmem_shared>> -> memref<640x16xf32, #tpu.memory_space<vmem_shared>>
      %dma_wait3A_26 = arith.constant 0 : i32
      %dma_wait3A_27 = tpu.memref_slice %arg10[%mul3A_6, %dma_wait3A_26] : memref<10240x16xf32, #tpu.memory_space<vmem_shared>> -> memref<640x16xf32, #tpu.memory_space<vmem_shared>>
      tpu.wait_dma2 semaphore(%run_scoped3A : memref<!tpu.dma_semaphore, #tpu.memory_space<semaphore_mem>>) src(%arg9 : memref<640x16xf32, #tpu.memory_space<vmem>>) dst(%dma_wait3A_27 : memref<640x16xf32, #tpu.memory_space<vmem_shared>>)
      tpu.yield
    }) : () -> ()
    %barrier3A = arith.constant 0 : index
    tpu.barrier barrier_id(%barrier3A)
    %mul3A_7 = arith.constant 2 : i32
    %mul3A_8 = arith.muli %arg1, %mul3A_7 : i32
    %add3A = arith.addi %mul3A_8, %arg0 : i32
    %mul3A_9 = arith.constant 10000 : i32
    %mul3A_10 = arith.muli %add3A, %mul3A_9 : i32
    %scan3A_11 = arith.constant 0 : i32
    %scan3A_12 = arith.constant 0 : i32
    %scan3A_13 = arith.constant 125 : i32
    %scan3A_14 = arith.addi %scan3A_12, %scan3A_13 : i32
    %scan3A_15 = arith.constant 1 : i32
    scf.for %scan3A_22 = %scan3A_12 to %scan3A_14 step %scan3A_15  : i32 {
      %mul3A_23 = arith.constant 80 : i32
      %mul3A_24 = arith.muli %scan3A_22, %mul3A_23 : i32
      %add3A_25 = arith.addi %mul3A_10, %mul3A_24 : i32
      "tpu.region"() ({
        %run_scoped3A = tpu.sem_alloc : memref<!tpu.dma_semaphore, #tpu.memory_space<semaphore_mem>>
        %dma_start3A_30 = tpu.memref_slice %arg3[%add3A_25] : memref<320000xi32, #tpu.memory_space<hbm>> -> memref<80xi32, #tpu.memory_space<hbm>>
        %dma_start3A_31 = tpu.memref_slice %arg3[%add3A_25] : memref<320000xi32, #tpu.memory_space<hbm>> -> memref<80xi32, #tpu.memory_space<hbm>>
        tpu.enqueue_dma source(%dma_start3A_31 : memref<80xi32, #tpu.memory_space<hbm>>) target(%arg6 : memref<80xi32, #tpu.memory_space<vmem>>) target_semaphore(%run_scoped3A : memref<!tpu.dma_semaphore, #tpu.memory_space<semaphore_mem>>)
        %dma_wait3A_32 = tpu.memref_slice %arg3[%add3A_25] : memref<320000xi32, #tpu.memory_space<hbm>> -> memref<80xi32, #tpu.memory_space<hbm>>
        %dma_wait3A_33 = tpu.memref_slice %arg3[%add3A_25] : memref<320000xi32, #tpu.memory_space<hbm>> -> memref<80xi32, #tpu.memory_space<hbm>>
        tpu.wait_dma2 semaphore(%run_scoped3A : memref<!tpu.dma_semaphore, #tpu.memory_space<semaphore_mem>>) src(%dma_wait3A_33 : memref<80xi32, #tpu.memory_space<hbm>>) dst(%arg6 : memref<80xi32, #tpu.memory_space<vmem>>)
        tpu.yield
      }) : () -> ()
      "tpu.region"() ({
        %run_scoped3A = tpu.sem_alloc : memref<!tpu.dma_semaphore, #tpu.memory_space<semaphore_mem>>
        %dma_start3A_30 = tpu.memref_slice %arg4[%add3A_25] : memref<320000xi32, #tpu.memory_space<hbm>> -> memref<80xi32, #tpu.memory_space<hbm>>
        %dma_start3A_31 = tpu.memref_slice %arg4[%add3A_25] : memref<320000xi32, #tpu.memory_space<hbm>> -> memref<80xi32, #tpu.memory_space<hbm>>
        tpu.enqueue_dma source(%dma_start3A_31 : memref<80xi32, #tpu.memory_space<hbm>>) target(%arg7 : memref<80xi32, #tpu.memory_space<vmem>>) target_semaphore(%run_scoped3A : memref<!tpu.dma_semaphore, #tpu.memory_space<semaphore_mem>>)
        %dma_wait3A_32 = tpu.memref_slice %arg4[%add3A_25] : memref<320000xi32, #tpu.memory_space<hbm>> -> memref<80xi32, #tpu.memory_space<hbm>>
        %dma_wait3A_33 = tpu.memref_slice %arg4[%add3A_25] : memref<320000xi32, #tpu.memory_space<hbm>> -> memref<80xi32, #tpu.memory_space<hbm>>
        tpu.wait_dma2 semaphore(%run_scoped3A : memref<!tpu.dma_semaphore, #tpu.memory_space<semaphore_mem>>) src(%dma_wait3A_33 : memref<80xi32, #tpu.memory_space<hbm>>) dst(%arg7 : memref<80xi32, #tpu.memory_space<vmem>>)
        tpu.yield
      }) : () -> ()
      %dma_start3A = arith.constant 0 : i32
      %dma_start3A_26 = arith.constant 0 : i32
      %dma_start3A_27 = tpu.memref_slice %arg2[%dma_start3A, %dma_start3A_26] : memref<10240x16xf32, #tpu.memory_space<hbm>> -> memref<10240x16xf32, #tpu.memory_space<hbm>>
      tpu.enqueue_indirect_dma source(%dma_start3A_27 : memref<10240x16xf32, #tpu.memory_space<hbm>>) target(%arg8 : memref<80x16xf32, #tpu.memory_space<vmem>>) offsets(%arg6 : memref<80xi32, #tpu.memory_space<vmem>>) semaphore(%arg11 : memref<!tpu.dma_semaphore, #tpu.memory_space<semaphore_mem>>)
      %dma_wait3A = arith.constant 0 : i32
      %dma_wait3A_28 = arith.constant 0 : i32
      %dma_wait3A_29 = tpu.memref_slice %arg2[%dma_wait3A, %dma_wait3A_28] : memref<10240x16xf32, #tpu.memory_space<hbm>> -> memref<10240x16xf32, #tpu.memory_space<hbm>>
      tpu.wait_indirect_dma semaphore(%arg11 : memref<!tpu.dma_semaphore, #tpu.memory_space<semaphore_mem>>) src(%dma_wait3A_29 : memref<10240x16xf32, #tpu.memory_space<hbm>>) dst(%arg8 : memref<80x16xf32, #tpu.memory_space<vmem>>)
      "tpu.region"() ({
        %run_scoped3A = tpu.sem_alloc : memref<!tpu.dma_semaphore, #tpu.memory_space<semaphore_mem>>
        %dma_start3A_30 = arith.constant 0 : i32
        %dma_start3A_31 = arith.constant 0 : i32
        %dma_start3A_32 = tpu.memref_slice %arg10[%dma_start3A_30, %dma_start3A_31] : memref<10240x16xf32, #tpu.memory_space<vmem_shared>> -> memref<10240x16xf32, #tpu.memory_space<vmem_shared>>
        tpu.enqueue_indirect_dma source(%arg8 : memref<80x16xf32, #tpu.memory_space<vmem>>) target(%dma_start3A_32 : memref<10240x16xf32, #tpu.memory_space<vmem_shared>>) offsets(%arg7 : memref<80xi32, #tpu.memory_space<vmem>>) semaphore(%run_scoped3A : memref<!tpu.dma_semaphore, #tpu.memory_space<semaphore_mem>>) {add = true}
        %dma_wait3A_33 = arith.constant 0 : i32
        %dma_wait3A_34 = arith.constant 0 : i32
        %dma_wait3A_35 = tpu.memref_slice %arg10[%dma_wait3A_33, %dma_wait3A_34] : memref<10240x16xf32, #tpu.memory_space<vmem_shared>> -> memref<10240x16xf32, #tpu.memory_space<vmem_shared>>
        tpu.wait_indirect_dma semaphore(%run_scoped3A : memref<!tpu.dma_semaphore, #tpu.memory_space<semaphore_mem>>) src(%arg8 : memref<80x16xf32, #tpu.memory_space<vmem>>) dst(%dma_wait3A_35 : memref<10240x16xf32, #tpu.memory_space<vmem_shared>>)
        tpu.yield
      }) : () -> ()
    }
    %scan3A_16 = arith.constant 125 : i32
    %barrier3A_17 = arith.constant 0 : index
    tpu.barrier barrier_id(%barrier3A_17)
    %mul3A_18 = arith.constant 640 : i32
    %mul3A_19 = arith.muli %arg1, %mul3A_18 : i32
    %mul3A_20 = arith.constant 640 : i32
    %mul3A_21 = arith.muli %arg1, %mul3A_20 : i32
    "tpu.region"() ({
      %run_scoped3A = tpu.sem_alloc : memref<!tpu.dma_semaphore, #tpu.memory_space<semaphore_mem>>
      %dma_start3A = arith.constant 0 : i32
      %dma_start3A_22 = tpu.memref_slice %arg5[%arg0, %mul3A_21, %dma_start3A] : memref<2x10240x16xf32, #tpu.memory_space<hbm>> -> memref<1x640x16xf32, #tpu.memory_space<hbm>>
      %dma_start3A_23 = tpu.memref_squeeze %dma_start3A_22 : memref<1x640x16xf32, #tpu.memory_space<hbm>> -> memref<640x16xf32, #tpu.memory_space<hbm>>
      %dma_start3A_24 = arith.constant 0 : i32
      %dma_start3A_25 = tpu.memref_slice %arg10[%mul3A_19, %dma_start3A_24] : memref<10240x16xf32, #tpu.memory_space<vmem_shared>> -> memref<640x16xf32, #tpu.memory_space<vmem_shared>>
      tpu.enqueue_dma source(%dma_start3A_25 : memref<640x16xf32, #tpu.memory_space<vmem_shared>>) target(%dma_start3A_23 : memref<640x16xf32, #tpu.memory_space<hbm>>) target_semaphore(%run_scoped3A : memref<!tpu.dma_semaphore, #tpu.memory_space<semaphore_mem>>)
      %dma_wait3A = arith.constant 0 : i32
      %dma_wait3A_26 = tpu.memref_slice %arg5[%arg0, %mul3A_21, %dma_wait3A] : memref<2x10240x16xf32, #tpu.memory_space<hbm>> -> memref<1x640x16xf32, #tpu.memory_space<hbm>>
      %dma_wait3A_27 = tpu.memref_squeeze %dma_wait3A_26 : memref<1x640x16xf32, #tpu.memory_space<hbm>> -> memref<640x16xf32, #tpu.memory_space<hbm>>
      %dma_wait3A_28 = arith.constant 0 : i32
      %dma_wait3A_29 = tpu.memref_slice %arg10[%mul3A_19, %dma_wait3A_28] : memref<10240x16xf32, #tpu.memory_space<vmem_shared>> -> memref<640x16xf32, #tpu.memory_space<vmem_shared>>
      tpu.wait_dma2 semaphore(%run_scoped3A : memref<!tpu.dma_semaphore, #tpu.memory_space<semaphore_mem>>) src(%dma_wait3A_29 : memref<640x16xf32, #tpu.memory_space<vmem_shared>>) dst(%dma_wait3A_27 : memref<640x16xf32, #tpu.memory_space<hbm>>)
      tpu.yield
    }) : () -> ()
    return
  }
}

#map = affine_map<(d0, d1) -> (0, 0)>
#map1 = affine_map<(d0, d1) -> (0)>
#map2 = affine_map<(d0, d1) -> (0, 0, 0)>
module attributes {stable_mosaic.version = 14 : i64} {
  func.func @agg_kernel(%arg0: i32, %arg1: i32, %arg2: memref<10240x16xf32, #tpu.memory_space<hbm>>, %arg3: memref<320000xi32, #tpu.memory_space<hbm>>, %arg4: memref<320000xi32, #tpu.memory_space<hbm>>, %arg5: memref<2x10240x16xf32, #tpu.memory_space<hbm>>, %arg6: memref<80xi32, #tpu.memory_space<vmem>>, %arg7: memref<80xi32, #tpu.memory_space<vmem>>, %arg8: memref<80x16xf32, #tpu.memory_space<vmem>>, %arg9: memref<640x16xf32, #tpu.memory_space<vmem>>, %arg10: memref<10240x16xf32, #tpu.memory_space<vmem_shared>>, %arg11: memref<!tpu.dma_semaphore, #tpu.memory_space<semaphore_mem>>) attributes {dimension_semantics = [#tpu.dimension_semantics<core_parallel>, #tpu.dimension_semantics<subcore_parallel>], iteration_bounds = array<i64: 2, 16>, scalar_prefetch = 0 : i64, scratch_operands = 6 : i64, tpu.core_type = #tpu.core_type<sc_vector_subcore>, window_params = [{transform_indices = #map}, {transform_indices = #map1}, {transform_indices = #map1}, {transform_indices = #map2}]} {
    %broadcast_in_dim3A = arith.constant 0.000000e+00 : f32
    %broadcast_in_dim3A_0 = vector.broadcast %broadcast_in_dim3A : f32 to vector<16xf32>
    %scan3A = arith.constant 0 : i32
    %scan3A_1 = arith.constant 0 : i32
    %scan3A_2 = arith.constant 640 : i32
    %scan3A_3 = arith.addi %scan3A_1, %scan3A_2 : i32
    %scan3A_4 = arith.constant 1 : i32
    scf.for %scan3A_22 = %scan3A_1 to %scan3A_3 step %scan3A_4  : i32 {
      %swap3A = arith.index_cast %scan3A_22 : i32 to index
      %swap3A_23 = arith.constant 0 : index
      %swap3A_24 = tpu.vector_load %arg9[%swap3A, %swap3A_23] {strides = array<i32>} : memref<640x16xf32, #tpu.memory_space<vmem>>, vector<1x16xf32>,
      %swap3A_25 = vector.shape_cast %swap3A_24 : vector<1x16xf32> to vector<16xf32>
      %swap3A_26 = vector.shape_cast %broadcast_in_dim3A_0 : vector<16xf32> to vector<1x16xf32>
      tpu.vector_store %arg9[%swap3A, %swap3A_23], %swap3A_26 {strides = array<i32>} : memref<640x16xf32, #tpu.memory_space<vmem>>, vector<1x16xf32>,
    }
    %scan3A_5 = arith.constant 640 : i32
    %mul3A = arith.constant 640 : i32
    %mul3A_6 = arith.muli %arg1, %mul3A : i32
    "tpu.region"() ({
      %run_scoped3A = tpu.sem_alloc : memref<!tpu.dma_semaphore, #tpu.memory_space<semaphore_mem>>
      %dma_start3A = arith.constant 0 : i32
      %dma_start3A_22 = tpu.memref_slice %arg10[%mul3A_6, %dma_start3A] : memref<10240x16xf32, #tpu.memory_space<vmem_shared>> -> memref<640x16xf32, #tpu.memory_space<vmem_shared>>
      %dma_start3A_23 = arith.constant 0 : i32
      %dma_start3A_24 = tpu.memref_slice %arg10[%mul3A_6, %dma_start3A_23] : memref<10240x16xf32, #tpu.memory_space<vmem_shared>> -> memref<640x16xf32, #tpu.memory_space<vmem_shared>>
      tpu.enqueue_dma source(%arg9 : memref<640x16xf32, #tpu.memory_space<vmem>>) target(%dma_start3A_24 : memref<640x16xf32, #tpu.memory_space<vmem_shared>>) target_semaphore(%run_scoped3A : memref<!tpu.dma_semaphore, #tpu.memory_space<semaphore_mem>>)
      %dma_wait3A = arith.constant 0 : i32
      %dma_wait3A_25 = tpu.memref_slice %arg10[%mul3A_6, %dma_wait3A] : memref<10240x16xf32, #tpu.memory_space<vmem_shared>> -> memref<640x16xf32, #tpu.memory_space<vmem_shared>>
      %dma_wait3A_26 = arith.constant 0 : i32
      %dma_wait3A_27 = tpu.memref_slice %arg10[%mul3A_6, %dma_wait3A_26] : memref<10240x16xf32, #tpu.memory_space<vmem_shared>> -> memref<640x16xf32, #tpu.memory_space<vmem_shared>>
      tpu.wait_dma2 semaphore(%run_scoped3A : memref<!tpu.dma_semaphore, #tpu.memory_space<semaphore_mem>>) src(%arg9 : memref<640x16xf32, #tpu.memory_space<vmem>>) dst(%dma_wait3A_27 : memref<640x16xf32, #tpu.memory_space<vmem_shared>>)
      tpu.yield
    }) : () -> ()
    %barrier3A = arith.constant 0 : index
    tpu.barrier barrier_id(%barrier3A)
    %mul3A_7 = arith.constant 2 : i32
    %mul3A_8 = arith.muli %arg1, %mul3A_7 : i32
    %add3A = arith.addi %mul3A_8, %arg0 : i32
    %mul3A_9 = arith.constant 10000 : i32
    %mul3A_10 = arith.muli %add3A, %mul3A_9 : i32
    %scan3A_11 = arith.constant 0 : i32
    %scan3A_12 = arith.constant 0 : i32
    %scan3A_13 = arith.constant 125 : i32
    %scan3A_14 = arith.addi %scan3A_12, %scan3A_13 : i32
    %scan3A_15 = arith.constant 1 : i32
    scf.for %scan3A_22 = %scan3A_12 to %scan3A_14 step %scan3A_15  : i32 {
      %mul3A_23 = arith.constant 80 : i32
      %mul3A_24 = arith.muli %scan3A_22, %mul3A_23 : i32
      %add3A_25 = arith.addi %mul3A_10, %mul3A_24 : i32
      "tpu.region"() ({
        %run_scoped3A = tpu.sem_alloc : memref<!tpu.dma_semaphore, #tpu.memory_space<semaphore_mem>>
        %dma_start3A_30 = tpu.memref_slice %arg3[%add3A_25] : memref<320000xi32, #tpu.memory_space<hbm>> -> memref<80xi32, #tpu.memory_space<hbm>>
        %dma_start3A_31 = tpu.memref_slice %arg3[%add3A_25] : memref<320000xi32, #tpu.memory_space<hbm>> -> memref<80xi32, #tpu.memory_space<hbm>>
        tpu.enqueue_dma source(%dma_start3A_31 : memref<80xi32, #tpu.memory_space<hbm>>) target(%arg6 : memref<80xi32, #tpu.memory_space<vmem>>) target_semaphore(%run_scoped3A : memref<!tpu.dma_semaphore, #tpu.memory_space<semaphore_mem>>)
        %dma_wait3A_32 = tpu.memref_slice %arg3[%add3A_25] : memref<320000xi32, #tpu.memory_space<hbm>> -> memref<80xi32, #tpu.memory_space<hbm>>
        %dma_wait3A_33 = tpu.memref_slice %arg3[%add3A_25] : memref<320000xi32, #tpu.memory_space<hbm>> -> memref<80xi32, #tpu.memory_space<hbm>>
        tpu.wait_dma2 semaphore(%run_scoped3A : memref<!tpu.dma_semaphore, #tpu.memory_space<semaphore_mem>>) src(%dma_wait3A_33 : memref<80xi32, #tpu.memory_space<hbm>>) dst(%arg6 : memref<80xi32, #tpu.memory_space<vmem>>)
        tpu.yield
      }) : () -> ()
      "tpu.region"() ({
        %run_scoped3A = tpu.sem_alloc : memref<!tpu.dma_semaphore, #tpu.memory_space<semaphore_mem>>
        %dma_start3A_30 = tpu.memref_slice %arg4[%add3A_25] : memref<320000xi32, #tpu.memory_space<hbm>> -> memref<80xi32, #tpu.memory_space<hbm>>
        %dma_start3A_31 = tpu.memref_slice %arg4[%add3A_25] : memref<320000xi32, #tpu.memory_space<hbm>> -> memref<80xi32, #tpu.memory_space<hbm>>
        tpu.enqueue_dma source(%dma_start3A_31 : memref<80xi32, #tpu.memory_space<hbm>>) target(%arg7 : memref<80xi32, #tpu.memory_space<vmem>>) target_semaphore(%run_scoped3A : memref<!tpu.dma_semaphore, #tpu.memory_space<semaphore_mem>>)
        %dma_wait3A_32 = tpu.memref_slice %arg4[%add3A_25] : memref<320000xi32, #tpu.memory_space<hbm>> -> memref<80xi32, #tpu.memory_space<hbm>>
        %dma_wait3A_33 = tpu.memref_slice %arg4[%add3A_25] : memref<320000xi32, #tpu.memory_space<hbm>> -> memref<80xi32, #tpu.memory_space<hbm>>
        tpu.wait_dma2 semaphore(%run_scoped3A : memref<!tpu.dma_semaphore, #tpu.memory_space<semaphore_mem>>) src(%dma_wait3A_33 : memref<80xi32, #tpu.memory_space<hbm>>) dst(%arg7 : memref<80xi32, #tpu.memory_space<vmem>>)
        tpu.yield
      }) : () -> ()
      %dma_start3A = arith.constant 0 : i32
      %dma_start3A_26 = arith.constant 0 : i32
      %dma_start3A_27 = tpu.memref_slice %arg2[%dma_start3A, %dma_start3A_26] : memref<10240x16xf32, #tpu.memory_space<hbm>> -> memref<10240x16xf32, #tpu.memory_space<hbm>>
      tpu.enqueue_indirect_dma source(%dma_start3A_27 : memref<10240x16xf32, #tpu.memory_space<hbm>>) target(%arg8 : memref<80x16xf32, #tpu.memory_space<vmem>>) offsets(%arg6 : memref<80xi32, #tpu.memory_space<vmem>>) semaphore(%arg11 : memref<!tpu.dma_semaphore, #tpu.memory_space<semaphore_mem>>)
      %dma_wait3A = arith.constant 0 : i32
      %dma_wait3A_28 = arith.constant 0 : i32
      %dma_wait3A_29 = tpu.memref_slice %arg2[%dma_wait3A, %dma_wait3A_28] : memref<10240x16xf32, #tpu.memory_space<hbm>> -> memref<10240x16xf32, #tpu.memory_space<hbm>>
      tpu.wait_indirect_dma semaphore(%arg11 : memref<!tpu.dma_semaphore, #tpu.memory_space<semaphore_mem>>) src(%dma_wait3A_29 : memref<10240x16xf32, #tpu.memory_space<hbm>>) dst(%arg8 : memref<80x16xf32, #tpu.memory_space<vmem>>)
      "tpu.region"() ({
        %run_scoped3A = tpu.sem_alloc : memref<!tpu.dma_semaphore, #tpu.memory_space<semaphore_mem>>
        %dma_start3A_30 = arith.constant 0 : i32
        %dma_start3A_31 = arith.constant 0 : i32
        %dma_start3A_32 = tpu.memref_slice %arg10[%dma_start3A_30, %dma_start3A_31] : memref<10240x16xf32, #tpu.memory_space<vmem_shared>> -> memref<10240x16xf32, #tpu.memory_space<vmem_shared>>
        tpu.enqueue_indirect_dma source(%arg8 : memref<80x16xf32, #tpu.memory_space<vmem>>) target(%dma_start3A_32 : memref<10240x16xf32, #tpu.memory_space<vmem_shared>>) offsets(%arg7 : memref<80xi32, #tpu.memory_space<vmem>>) semaphore(%run_scoped3A : memref<!tpu.dma_semaphore, #tpu.memory_space<semaphore_mem>>) {add = true}
        %dma_wait3A_33 = arith.constant 0 : i32
        %dma_wait3A_34 = arith.constant 0 : i32
        %dma_wait3A_35 = tpu.memref_slice %arg10[%dma_wait3A_33, %dma_wait3A_34] : memref<10240x16xf32, #tpu.memory_space<vmem_shared>> -> memref<10240x16xf32, #tpu.memory_space<vmem_shared>>
        tpu.wait_indirect_dma semaphore(%run_scoped3A : memref<!tpu.dma_semaphore, #tpu.memory_space<semaphore_mem>>) src(%arg8 : memref<80x16xf32, #tpu.memory_space<vmem>>) dst(%dma_wait3A_35 : memref<10240x16xf32, #tpu.memory_space<vmem_shared>>)
        tpu.yield
      }) : () -> ()
    }
    %scan3A_16 = arith.constant 125 : i32
    %barrier3A_17 = arith.constant 0 : index
    tpu.barrier barrier_id(%barrier3A_17)
    %mul3A_18 = arith.constant 640 : i32
    %mul3A_19 = arith.muli %arg1, %mul3A_18 : i32
    %mul3A_20 = arith.constant 640 : i32
    %mul3A_21 = arith.muli %arg1, %mul3A_20 : i32
    "tpu.region"() ({
      %run_scoped3A = tpu.sem_alloc : memref<!tpu.dma_semaphore, #tpu.memory_space<semaphore_mem>>
      %dma_start3A = arith.constant 0 : i32
      %dma_start3A_22 = tpu.memref_slice %arg5[%arg0, %mul3A_21, %dma_start3A] : memref<2x10240x16xf32, #tpu.memory_space<hbm>> -> memref<1x640x16xf32, #tpu.memory_space<hbm>>
      %dma_start3A_23 = tpu.memref_squeeze %dma_start3A_22 : memref<1x640x16xf32, #tpu.memory_space<hbm>> -> memref<640x16xf32, #tpu.memory_space<hbm>>
      %dma_start3A_24 = arith.constant 0 : i32
      %dma_start3A_25 = tpu.memref_slice %arg10[%mul3A_19, %dma_start3A_24] : memref<10240x16xf32, #tpu.memory_space<vmem_shared>> -> memref<640x16xf32, #tpu.memory_space<vmem_shared>>
      tpu.enqueue_dma source(%dma_start3A_25 : memref<640x16xf32, #tpu.memory_space<vmem_shared>>) target(%dma_start3A_23 : memref<640x16xf32, #tpu.memory_space<hbm>>) target_semaphore(%run_scoped3A : memref<!tpu.dma_semaphore, #tpu.memory_space<semaphore_mem>>)
      %dma_wait3A = arith.constant 0 : i32
      %dma_wait3A_26 = tpu.memref_slice %arg5[%arg0, %mul3A_21, %dma_wait3A] : memref<2x10240x16xf32, #tpu.memory_space<hbm>> -> memref<1x640x16xf32, #tpu.memory_space<hbm>>
      %dma_wait3A_27 = tpu.memref_squeeze %dma_wait3A_26 : memref<1x640x16xf32, #tpu.memory_space<hbm>> -> memref<640x16xf32, #tpu.memory_space<hbm>>
      %dma_wait3A_28 = arith.constant 0 : i32
      %dma_wait3A_29 = tpu.memref_slice %arg10[%mul3A_19, %dma_wait3A_28] : memref<10240x16xf32, #tpu.memory_space<vmem_shared>> -> memref<640x16xf32, #tpu.memory_space<vmem_shared>>
      tpu.wait_dma2 semaphore(%run_scoped3A : memref<!tpu.dma_semaphore, #tpu.memory_space<semaphore_mem>>) src(%dma_wait3A_29 : memref<640x16xf32, #tpu.memory_space<vmem_shared>>) dst(%dma_wait3A_27 : memref<640x16xf32, #tpu.memory_space<hbm>>)
      tpu.yield
    }) : () -> ()
    return
  }
}

#map = affine_map<(d0, d1) -> (0, 0)>
#map1 = affine_map<(d0, d1) -> (0)>
#map2 = affine_map<(d0, d1) -> (0, 0, 0)>
module attributes {stable_mosaic.version = 14 : i64} {
  func.func @agg_kernel(%arg0: i32, %arg1: i32, %arg2: memref<10240x16xf32, #tpu.memory_space<hbm>>, %arg3: memref<320000xi32, #tpu.memory_space<hbm>>, %arg4: memref<320000xi32, #tpu.memory_space<hbm>>, %arg5: memref<2x10240x16xf32, #tpu.memory_space<hbm>>, %arg6: memref<80xi32, #tpu.memory_space<vmem>>, %arg7: memref<80xi32, #tpu.memory_space<vmem>>, %arg8: memref<80x16xf32, #tpu.memory_space<vmem>>, %arg9: memref<640x16xf32, #tpu.memory_space<vmem>>, %arg10: memref<10240x16xf32, #tpu.memory_space<vmem_shared>>, %arg11: memref<!tpu.dma_semaphore, #tpu.memory_space<semaphore_mem>>) attributes {dimension_semantics = [#tpu.dimension_semantics<core_parallel>, #tpu.dimension_semantics<subcore_parallel>], iteration_bounds = array<i64: 2, 16>, scalar_prefetch = 0 : i64, scratch_operands = 6 : i64, tpu.core_type = #tpu.core_type<sc_vector_subcore>, window_params = [{transform_indices = #map}, {transform_indices = #map1}, {transform_indices = #map1}, {transform_indices = #map2}]} {
    %broadcast_in_dim3A = arith.constant 0.000000e+00 : f32
    %broadcast_in_dim3A_0 = vector.broadcast %broadcast_in_dim3A : f32 to vector<16xf32>
    %scan3A = arith.constant 0 : i32
    %scan3A_1 = arith.constant 0 : i32
    %scan3A_2 = arith.constant 640 : i32
    %scan3A_3 = arith.addi %scan3A_1, %scan3A_2 : i32
    %scan3A_4 = arith.constant 1 : i32
    scf.for %scan3A_22 = %scan3A_1 to %scan3A_3 step %scan3A_4  : i32 {
      %swap3A = arith.index_cast %scan3A_22 : i32 to index
      %swap3A_23 = arith.constant 0 : index
      %swap3A_24 = tpu.vector_load %arg9[%swap3A, %swap3A_23] {strides = array<i32>} : memref<640x16xf32, #tpu.memory_space<vmem>>, vector<1x16xf32>,
      %swap3A_25 = vector.shape_cast %swap3A_24 : vector<1x16xf32> to vector<16xf32>
      %swap3A_26 = vector.shape_cast %broadcast_in_dim3A_0 : vector<16xf32> to vector<1x16xf32>
      tpu.vector_store %arg9[%swap3A, %swap3A_23], %swap3A_26 {strides = array<i32>} : memref<640x16xf32, #tpu.memory_space<vmem>>, vector<1x16xf32>,
    }
    %scan3A_5 = arith.constant 640 : i32
    %mul3A = arith.constant 640 : i32
    %mul3A_6 = arith.muli %arg1, %mul3A : i32
    "tpu.region"() ({
      %run_scoped3A = tpu.sem_alloc : memref<!tpu.dma_semaphore, #tpu.memory_space<semaphore_mem>>
      %dma_start3A = arith.constant 0 : i32
      %dma_start3A_22 = tpu.memref_slice %arg10[%mul3A_6, %dma_start3A] : memref<10240x16xf32, #tpu.memory_space<vmem_shared>> -> memref<640x16xf32, #tpu.memory_space<vmem_shared>>
      %dma_start3A_23 = arith.constant 0 : i32
      %dma_start3A_24 = tpu.memref_slice %arg10[%mul3A_6, %dma_start3A_23] : memref<10240x16xf32, #tpu.memory_space<vmem_shared>> -> memref<640x16xf32, #tpu.memory_space<vmem_shared>>
      tpu.enqueue_dma source(%arg9 : memref<640x16xf32, #tpu.memory_space<vmem>>) target(%dma_start3A_24 : memref<640x16xf32, #tpu.memory_space<vmem_shared>>) target_semaphore(%run_scoped3A : memref<!tpu.dma_semaphore, #tpu.memory_space<semaphore_mem>>)
      %dma_wait3A = arith.constant 0 : i32
      %dma_wait3A_25 = tpu.memref_slice %arg10[%mul3A_6, %dma_wait3A] : memref<10240x16xf32, #tpu.memory_space<vmem_shared>> -> memref<640x16xf32, #tpu.memory_space<vmem_shared>>
      %dma_wait3A_26 = arith.constant 0 : i32
      %dma_wait3A_27 = tpu.memref_slice %arg10[%mul3A_6, %dma_wait3A_26] : memref<10240x16xf32, #tpu.memory_space<vmem_shared>> -> memref<640x16xf32, #tpu.memory_space<vmem_shared>>
      tpu.wait_dma2 semaphore(%run_scoped3A : memref<!tpu.dma_semaphore, #tpu.memory_space<semaphore_mem>>) src(%arg9 : memref<640x16xf32, #tpu.memory_space<vmem>>) dst(%dma_wait3A_27 : memref<640x16xf32, #tpu.memory_space<vmem_shared>>)
      tpu.yield
    }) : () -> ()
    %barrier3A = arith.constant 0 : index
    tpu.barrier barrier_id(%barrier3A)
    %mul3A_7 = arith.constant 2 : i32
    %mul3A_8 = arith.muli %arg1, %mul3A_7 : i32
    %add3A = arith.addi %mul3A_8, %arg0 : i32
    %mul3A_9 = arith.constant 10000 : i32
    %mul3A_10 = arith.muli %add3A, %mul3A_9 : i32
    %scan3A_11 = arith.constant 0 : i32
    %scan3A_12 = arith.constant 0 : i32
    %scan3A_13 = arith.constant 125 : i32
    %scan3A_14 = arith.addi %scan3A_12, %scan3A_13 : i32
    %scan3A_15 = arith.constant 1 : i32
    scf.for %scan3A_22 = %scan3A_12 to %scan3A_14 step %scan3A_15  : i32 {
      %mul3A_23 = arith.constant 80 : i32
      %mul3A_24 = arith.muli %scan3A_22, %mul3A_23 : i32
      %add3A_25 = arith.addi %mul3A_10, %mul3A_24 : i32
      "tpu.region"() ({
        %run_scoped3A = tpu.sem_alloc : memref<!tpu.dma_semaphore, #tpu.memory_space<semaphore_mem>>
        %dma_start3A_30 = tpu.memref_slice %arg3[%add3A_25] : memref<320000xi32, #tpu.memory_space<hbm>> -> memref<80xi32, #tpu.memory_space<hbm>>
        %dma_start3A_31 = tpu.memref_slice %arg3[%add3A_25] : memref<320000xi32, #tpu.memory_space<hbm>> -> memref<80xi32, #tpu.memory_space<hbm>>
        tpu.enqueue_dma source(%dma_start3A_31 : memref<80xi32, #tpu.memory_space<hbm>>) target(%arg6 : memref<80xi32, #tpu.memory_space<vmem>>) target_semaphore(%run_scoped3A : memref<!tpu.dma_semaphore, #tpu.memory_space<semaphore_mem>>)
        %dma_wait3A_32 = tpu.memref_slice %arg3[%add3A_25] : memref<320000xi32, #tpu.memory_space<hbm>> -> memref<80xi32, #tpu.memory_space<hbm>>
        %dma_wait3A_33 = tpu.memref_slice %arg3[%add3A_25] : memref<320000xi32, #tpu.memory_space<hbm>> -> memref<80xi32, #tpu.memory_space<hbm>>
        tpu.wait_dma2 semaphore(%run_scoped3A : memref<!tpu.dma_semaphore, #tpu.memory_space<semaphore_mem>>) src(%dma_wait3A_33 : memref<80xi32, #tpu.memory_space<hbm>>) dst(%arg6 : memref<80xi32, #tpu.memory_space<vmem>>)
        tpu.yield
      }) : () -> ()
      "tpu.region"() ({
        %run_scoped3A = tpu.sem_alloc : memref<!tpu.dma_semaphore, #tpu.memory_space<semaphore_mem>>
        %dma_start3A_30 = tpu.memref_slice %arg4[%add3A_25] : memref<320000xi32, #tpu.memory_space<hbm>> -> memref<80xi32, #tpu.memory_space<hbm>>
        %dma_start3A_31 = tpu.memref_slice %arg4[%add3A_25] : memref<320000xi32, #tpu.memory_space<hbm>> -> memref<80xi32, #tpu.memory_space<hbm>>
        tpu.enqueue_dma source(%dma_start3A_31 : memref<80xi32, #tpu.memory_space<hbm>>) target(%arg7 : memref<80xi32, #tpu.memory_space<vmem>>) target_semaphore(%run_scoped3A : memref<!tpu.dma_semaphore, #tpu.memory_space<semaphore_mem>>)
        %dma_wait3A_32 = tpu.memref_slice %arg4[%add3A_25] : memref<320000xi32, #tpu.memory_space<hbm>> -> memref<80xi32, #tpu.memory_space<hbm>>
        %dma_wait3A_33 = tpu.memref_slice %arg4[%add3A_25] : memref<320000xi32, #tpu.memory_space<hbm>> -> memref<80xi32, #tpu.memory_space<hbm>>
        tpu.wait_dma2 semaphore(%run_scoped3A : memref<!tpu.dma_semaphore, #tpu.memory_space<semaphore_mem>>) src(%dma_wait3A_33 : memref<80xi32, #tpu.memory_space<hbm>>) dst(%arg7 : memref<80xi32, #tpu.memory_space<vmem>>)
        tpu.yield
      }) : () -> ()
      %dma_start3A = arith.constant 0 : i32
      %dma_start3A_26 = arith.constant 0 : i32
      %dma_start3A_27 = tpu.memref_slice %arg2[%dma_start3A, %dma_start3A_26] : memref<10240x16xf32, #tpu.memory_space<hbm>> -> memref<10240x16xf32, #tpu.memory_space<hbm>>
      tpu.enqueue_indirect_dma source(%dma_start3A_27 : memref<10240x16xf32, #tpu.memory_space<hbm>>) target(%arg8 : memref<80x16xf32, #tpu.memory_space<vmem>>) offsets(%arg6 : memref<80xi32, #tpu.memory_space<vmem>>) semaphore(%arg11 : memref<!tpu.dma_semaphore, #tpu.memory_space<semaphore_mem>>)
      %dma_wait3A = arith.constant 0 : i32
      %dma_wait3A_28 = arith.constant 0 : i32
      %dma_wait3A_29 = tpu.memref_slice %arg2[%dma_wait3A, %dma_wait3A_28] : memref<10240x16xf32, #tpu.memory_space<hbm>> -> memref<10240x16xf32, #tpu.memory_space<hbm>>
      tpu.wait_indirect_dma semaphore(%arg11 : memref<!tpu.dma_semaphore, #tpu.memory_space<semaphore_mem>>) src(%dma_wait3A_29 : memref<10240x16xf32, #tpu.memory_space<hbm>>) dst(%arg8 : memref<80x16xf32, #tpu.memory_space<vmem>>)
      "tpu.region"() ({
        %run_scoped3A = tpu.sem_alloc : memref<!tpu.dma_semaphore, #tpu.memory_space<semaphore_mem>>
        %dma_start3A_30 = arith.constant 0 : i32
        %dma_start3A_31 = arith.constant 0 : i32
        %dma_start3A_32 = tpu.memref_slice %arg10[%dma_start3A_30, %dma_start3A_31] : memref<10240x16xf32, #tpu.memory_space<vmem_shared>> -> memref<10240x16xf32, #tpu.memory_space<vmem_shared>>
        tpu.enqueue_indirect_dma source(%arg8 : memref<80x16xf32, #tpu.memory_space<vmem>>) target(%dma_start3A_32 : memref<10240x16xf32, #tpu.memory_space<vmem_shared>>) offsets(%arg7 : memref<80xi32, #tpu.memory_space<vmem>>) semaphore(%run_scoped3A : memref<!tpu.dma_semaphore, #tpu.memory_space<semaphore_mem>>) {add = true}
        %dma_wait3A_33 = arith.constant 0 : i32
        %dma_wait3A_34 = arith.constant 0 : i32
        %dma_wait3A_35 = tpu.memref_slice %arg10[%dma_wait3A_33, %dma_wait3A_34] : memref<10240x16xf32, #tpu.memory_space<vmem_shared>> -> memref<10240x16xf32, #tpu.memory_space<vmem_shared>>
        tpu.wait_indirect_dma semaphore(%run_scoped3A : memref<!tpu.dma_semaphore, #tpu.memory_space<semaphore_mem>>) src(%arg8 : memref<80x16xf32, #tpu.memory_space<vmem>>) dst(%dma_wait3A_35 : memref<10240x16xf32, #tpu.memory_space<vmem_shared>>)
        tpu.yield
      }) : () -> ()
    }
    %scan3A_16 = arith.constant 125 : i32
    %barrier3A_17 = arith.constant 0 : index
    tpu.barrier barrier_id(%barrier3A_17)
    %mul3A_18 = arith.constant 640 : i32
    %mul3A_19 = arith.muli %arg1, %mul3A_18 : i32
    %mul3A_20 = arith.constant 640 : i32
    %mul3A_21 = arith.muli %arg1, %mul3A_20 : i32
    "tpu.region"() ({
      %run_scoped3A = tpu.sem_alloc : memref<!tpu.dma_semaphore, #tpu.memory_space<semaphore_mem>>
      %dma_start3A = arith.constant 0 : i32
      %dma_start3A_22 = tpu.memref_slice %arg5[%arg0, %mul3A_21, %dma_start3A] : memref<2x10240x16xf32, #tpu.memory_space<hbm>> -> memref<1x640x16xf32, #tpu.memory_space<hbm>>
      %dma_start3A_23 = tpu.memref_squeeze %dma_start3A_22 : memref<1x640x16xf32, #tpu.memory_space<hbm>> -> memref<640x16xf32, #tpu.memory_space<hbm>>
      %dma_start3A_24 = arith.constant 0 : i32
      %dma_start3A_25 = tpu.memref_slice %arg10[%mul3A_19, %dma_start3A_24] : memref<10240x16xf32, #tpu.memory_space<vmem_shared>> -> memref<640x16xf32, #tpu.memory_space<vmem_shared>>
      tpu.enqueue_dma source(%dma_start3A_25 : memref<640x16xf32, #tpu.memory_space<vmem_shared>>) target(%dma_start3A_23 : memref<640x16xf32, #tpu.memory_space<hbm>>) target_semaphore(%run_scoped3A : memref<!tpu.dma_semaphore, #tpu.memory_space<semaphore_mem>>)
      %dma_wait3A = arith.constant 0 : i32
      %dma_wait3A_26 = tpu.memref_slice %arg5[%arg0, %mul3A_21, %dma_wait3A] : memref<2x10240x16xf32, #tpu.memory_space<hbm>> -> memref<1x640x16xf32, #tpu.memory_space<hbm>>
      %dma_wait3A_27 = tpu.memref_squeeze %dma_wait3A_26 : memref<1x640x16xf32, #tpu.memory_space<hbm>> -> memref<640x16xf32, #tpu.memory_space<hbm>>
      %dma_wait3A_28 = arith.constant 0 : i32
      %dma_wait3A_29 = tpu.memref_slice %arg10[%mul3A_19, %dma_wait3A_28] : memref<10240x16xf32, #tpu.memory_space<vmem_shared>> -> memref<640x16xf32, #tpu.memory_space<vmem_shared>>
      tpu.wait_dma2 semaphore(%run_scoped3A : memref<!tpu.dma_semaphore, #tpu.memory_space<semaphore_mem>>) src(%dma_wait3A_29 : memref<640x16xf32, #tpu.memory_space<vmem_shared>>) dst(%dma_wait3A_27 : memref<640x16xf32, #tpu.memory_space<hbm>>)
      tpu.yield
    }) : () -> ()
    return
  }
}

module attributes {stable_mosaic.version = 14 : i64} {
  func.func @body(%arg0: i32, %arg1: memref<2x1024x1xf32, #tpu.memory_space<vmem>>, %arg2: memref<1024x128xf32, #tpu.memory_space<vmem>>, %arg3: memref<128x64xf32, #tpu.memory_space<vmem>>, %arg4: memref<1024x1xf32, #tpu.memory_space<vmem>>, %arg5: memref<1024x64xf32, #tpu.memory_space<vmem>>) attributes {dimension_semantics = [#tpu.dimension_semantics<arbitrary>], iteration_bounds = array<i64: 10>, scalar_prefetch = 0 : i64, scratch_operands = 0 : i64, tpu.core_type = #tpu.core_type<tc>, window_params = [{transform_indices = @transform_0, window_bounds = array<i64: 2, 1024, 1>}, {transform_indices = @transform_1, window_bounds = array<i64: 1024, 128>}, {pipeline_mode = #tpu.pipeline_mode<synchronous>, transform_indices = @transform_2, window_bounds = array<i64: 128, 64>}, {transform_indices = @transform_3, window_bounds = array<i64: 1024, 1>}, {transform_indices = @transform_4, window_bounds = array<i64: 1024, 64>}]} {
    %get3A = arith.constant 0 : index
    %get3A_0 = arith.constant 0 : index
    %get3A_1 = arith.constant 0 : index
    %get3A_2 = vector.load %arg1[%get3A, %get3A_0, %get3A_1] : memref<2x1024x1xf32, #tpu.memory_space<vmem>>, vector<1x1024x1xf32>
    %get3A_3 = vector.shape_cast %get3A_2 : vector<1x1024x1xf32> to vector<1024x1xf32>
    %get3A_4 = arith.constant 1 : index
    %get3A_5 = arith.constant 0 : index
    %get3A_6 = arith.constant 0 : index
    %get3A_7 = vector.load %arg1[%get3A_4, %get3A_5, %get3A_6] : memref<2x1024x1xf32, #tpu.memory_space<vmem>>, vector<1x1024x1xf32>
    %get3A_8 = vector.shape_cast %get3A_7 : vector<1x1024x1xf32> to vector<1024x1xf32>
    %add3A = arith.addf %get3A_3, %get3A_8 : vector<1024x1xf32>
    %add3A_9 = arith.constant 1.000000e+00 : f32
    %add3A_10 = vector.broadcast %add3A_9 : f32 to vector<1024x1xf32>
    %add3A_11 = arith.addf %add3A, %add3A_10 : vector<1024x1xf32>
    %gt3A = arith.constant 0.000000e+00 : f32
    %gt3A_12 = vector.broadcast %gt3A : f32 to vector<1024x1xf32>
    %gt3A_13 = arith.cmpf ogt, %add3A_11, %gt3A_12 : vector<1024x1xf32>
    %jit3A = arith.constant 1.000000e+00 : f32
    %broadcast_in_dim3A = vector.broadcast %jit3A : f32 to vector<1024x1xf32>
    %select_n3A = arith.select %gt3A_13, %add3A_11, %broadcast_in_dim3A : vector<1024x1xi1>, vector<1024x1xf32>
    %gt3A_14 = arith.constant 0.000000e+00 : f32
    %gt3A_15 = vector.broadcast %gt3A_14 : f32 to vector<1024x1xf32>
    %gt3A_16 = arith.cmpf ogt, %add3A_11, %gt3A_15 : vector<1024x1xf32>
    %rsqrt3A = math.rsqrt %select_n3A : vector<1024x1xf32>
    %jit3A_17 = arith.constant 0.000000e+00 : f32
    %broadcast_in_dim3A_18 = vector.broadcast %jit3A_17 : f32 to vector<1024x1xf32>
    %select_n3A_19 = arith.select %gt3A_16, %rsqrt3A, %broadcast_in_dim3A_18 : vector<1024x1xi1>, vector<1024x1xf32>
    %swap3A = arith.constant 0 : index
    %swap3A_20 = arith.constant 0 : index
    %swap3A_21 = vector.load %arg4[%swap3A, %swap3A_20] : memref<1024x1xf32, #tpu.memory_space<vmem>>, vector<1024x1xf32>
    tpu.vector_store %arg4[%swap3A, %swap3A_20], %select_n3A_19 {strides = array<i32>} : memref<1024x1xf32, #tpu.memory_space<vmem>>, vector<1024x1xf32>,
    %get3A_22 = arith.constant 0 : index
    %get3A_23 = arith.constant 0 : index
    %get3A_24 = vector.load %arg2[%get3A_22, %get3A_23] : memref<1024x128xf32, #tpu.memory_space<vmem>>, vector<1024x128xf32>
    %get3A_25 = arith.constant 0 : index
    %get3A_26 = arith.constant 0 : index
    %get3A_27 = vector.load %arg3[%get3A_25, %get3A_26] : memref<128x64xf32, #tpu.memory_space<vmem>>, vector<128x64xf32>
    %dot_general3A = arith.constant dense<0.000000e+00> : vector<1024x64xf32>
    %dot_general3A_28 = tpu.matmul %get3A_24, %get3A_27, %dot_general3A {dimension_numbers = #tpu.dot_dimension_numbers<[1], [0], [0], [1], [0, 0, 1, 1], [], []>, transpose_lhs_hint = false} : vector<1024x128xf32>, vector<128x64xf32>, vector<1024x64xf32> -> vector<1024x64xf32>
    %mul3A = vector.broadcast %select_n3A_19 : vector<1024x1xf32> to vector<1024x64xf32>
    %mul3A_29 = arith.mulf %dot_general3A_28, %mul3A : vector<1024x64xf32>
    %swap3A_30 = arith.constant 0 : index
    %swap3A_31 = arith.constant 0 : index
    %swap3A_32 = vector.load %arg5[%swap3A_30, %swap3A_31] : memref<1024x64xf32, #tpu.memory_space<vmem>>, vector<1024x64xf32>
    tpu.vector_store %arg5[%swap3A_30, %swap3A_31], %mul3A_29 {strides = array<i32>} : memref<1024x64xf32, #tpu.memory_space<vmem>>, vector<1024x64xf32>,
    return
  }
  func.func @transform_0(%arg0: i32) -> (i32, i32, i32) {
    %c0_i32 = arith.constant 0 : i32
    %c0_i32_0 = arith.constant 0 : i32
    %c0_i32_1 = arith.constant 0 : i32
    return %c0_i32, %arg0, %c0_i32_0 : i32, i32, i32
  }
  func.func @transform_1(%arg0: i32) -> (i32, i32) {
    %c0_i32 = arith.constant 0 : i32
    %c0_i32_0 = arith.constant 0 : i32
    return %arg0, %c0_i32 : i32, i32
  }
  func.func @transform_2(%arg0: i32) -> (i32, i32) {
    %c0_i32 = arith.constant 0 : i32
    %c0_i32_0 = arith.constant 0 : i32
    %c0_i32_1 = arith.constant 0 : i32
    return %c0_i32, %c0_i32_0 : i32, i32
  }
  func.func @transform_3(%arg0: i32) -> (i32, i32) {
    %c0_i32 = arith.constant 0 : i32
    %c0_i32_0 = arith.constant 0 : i32
    return %arg0, %c0_i32 : i32, i32
  }
  func.func @transform_4(%arg0: i32) -> (i32, i32) {
    %c0_i32 = arith.constant 0 : i32
    %c0_i32_0 = arith.constant 0 : i32
    return %arg0, %c0_i32 : i32, i32
  }
}

module attributes {stable_mosaic.version = 14 : i64} {
  func.func @body(%arg0: i32, %arg1: memref<2x1024x64xf32, #tpu.memory_space<vmem>>, %arg2: memref<1024x64xf32, #tpu.memory_space<vmem>>, %arg3: memref<1024x1xf32, #tpu.memory_space<vmem>>, %arg4: memref<1x64xf32, #tpu.memory_space<vmem>>, %arg5: memref<64x64xf32, #tpu.memory_space<vmem>>, %arg6: memref<1024x64xf32, #tpu.memory_space<vmem>>) attributes {dimension_semantics = [#tpu.dimension_semantics<arbitrary>], iteration_bounds = array<i64: 10>, scalar_prefetch = 0 : i64, scratch_operands = 0 : i64, tpu.core_type = #tpu.core_type<tc>, window_params = [{transform_indices = @transform_0, window_bounds = array<i64: 2, 1024, 64>}, {transform_indices = @transform_1, window_bounds = array<i64: 1024, 64>}, {transform_indices = @transform_2, window_bounds = array<i64: 1024, 1>}, {pipeline_mode = #tpu.pipeline_mode<synchronous>, transform_indices = @transform_3, window_bounds = array<i64: 1, 64>}, {pipeline_mode = #tpu.pipeline_mode<synchronous>, transform_indices = @transform_4, window_bounds = array<i64: 64, 64>}, {transform_indices = @transform_5, window_bounds = array<i64: 1024, 64>}]} {
    %get3A = arith.constant 0 : index
    %get3A_0 = arith.constant 0 : index
    %get3A_1 = vector.load %arg3[%get3A, %get3A_0] : memref<1024x1xf32, #tpu.memory_space<vmem>>, vector<1024x1xf32>
    %get3A_2 = arith.constant 0 : index
    %get3A_3 = arith.constant 0 : index
    %get3A_4 = arith.constant 0 : index
    %get3A_5 = vector.load %arg1[%get3A_2, %get3A_3, %get3A_4] : memref<2x1024x64xf32, #tpu.memory_space<vmem>>, vector<1x1024x64xf32>
    %get3A_6 = vector.shape_cast %get3A_5 : vector<1x1024x64xf32> to vector<1024x64xf32>
    %get3A_7 = arith.constant 1 : index
    %get3A_8 = arith.constant 0 : index
    %get3A_9 = arith.constant 0 : index
    %get3A_10 = vector.load %arg1[%get3A_7, %get3A_8, %get3A_9] : memref<2x1024x64xf32, #tpu.memory_space<vmem>>, vector<1x1024x64xf32>
    %get3A_11 = vector.shape_cast %get3A_10 : vector<1x1024x64xf32> to vector<1024x64xf32>
    %add3A = arith.addf %get3A_6, %get3A_11 : vector<1024x64xf32>
    %get3A_12 = arith.constant 0 : index
    %get3A_13 = arith.constant 0 : index
    %get3A_14 = vector.load %arg2[%get3A_12, %get3A_13] : memref<1024x64xf32, #tpu.memory_space<vmem>>, vector<1024x64xf32>
    %add3A_15 = arith.addf %add3A, %get3A_14 : vector<1024x64xf32>
    %mul3A = vector.broadcast %get3A_1 : vector<1024x1xf32> to vector<1024x64xf32>
    %mul3A_16 = arith.mulf %mul3A, %add3A_15 : vector<1024x64xf32>
    %get3A_17 = arith.constant 0 : index
    %get3A_18 = arith.constant 0 : index
    %get3A_19 = vector.load %arg4[%get3A_17, %get3A_18] : memref<1x64xf32, #tpu.memory_space<vmem>>, vector<1x64xf32>
    %add3A_20 = vector.broadcast %get3A_19 : vector<1x64xf32> to vector<1024x64xf32>
    %add3A_21 = arith.addf %mul3A_16, %add3A_20 : vector<1024x64xf32>
    %max3A = arith.constant 0.000000e+00 : f32
    %max3A_22 = vector.broadcast %max3A : f32 to vector<1024x64xf32>
    %max3A_23 = arith.maximumf %add3A_21, %max3A_22 : vector<1024x64xf32>
    %get3A_24 = arith.constant 0 : index
    %get3A_25 = arith.constant 0 : index
    %get3A_26 = vector.load %arg5[%get3A_24, %get3A_25] : memref<64x64xf32, #tpu.memory_space<vmem>>, vector<64x64xf32>
    %dot_general3A = arith.constant dense<0.000000e+00> : vector<1024x64xf32>
    %dot_general3A_27 = tpu.matmul %max3A_23, %get3A_26, %dot_general3A {dimension_numbers = #tpu.dot_dimension_numbers<[1], [0], [0], [1], [0, 0, 1, 1], [], []>, transpose_lhs_hint = false} : vector<1024x64xf32>, vector<64x64xf32>, vector<1024x64xf32> -> vector<1024x64xf32>
    %mul3A_28 = vector.broadcast %get3A_1 : vector<1024x1xf32> to vector<1024x64xf32>
    %mul3A_29 = arith.mulf %dot_general3A_27, %mul3A_28 : vector<1024x64xf32>
    %swap3A = arith.constant 0 : index
    %swap3A_30 = arith.constant 0 : index
    %swap3A_31 = vector.load %arg6[%swap3A, %swap3A_30] : memref<1024x64xf32, #tpu.memory_space<vmem>>, vector<1024x64xf32>
    tpu.vector_store %arg6[%swap3A, %swap3A_30], %mul3A_29 {strides = array<i32>} : memref<1024x64xf32, #tpu.memory_space<vmem>>, vector<1024x64xf32>,
    return
  }
  func.func @transform_0(%arg0: i32) -> (i32, i32, i32) {
    %c0_i32 = arith.constant 0 : i32
    %c0_i32_0 = arith.constant 0 : i32
    %c0_i32_1 = arith.constant 0 : i32
    return %c0_i32, %arg0, %c0_i32_0 : i32, i32, i32
  }
  func.func @transform_1(%arg0: i32) -> (i32, i32) {
    %c0_i32 = arith.constant 0 : i32
    %c0_i32_0 = arith.constant 0 : i32
    return %arg0, %c0_i32 : i32, i32
  }
  func.func @transform_2(%arg0: i32) -> (i32, i32) {
    %c0_i32 = arith.constant 0 : i32
    %c0_i32_0 = arith.constant 0 : i32
    return %arg0, %c0_i32 : i32, i32
  }
  func.func @transform_3(%arg0: i32) -> (i32, i32) {
    %c0_i32 = arith.constant 0 : i32
    %c0_i32_0 = arith.constant 0 : i32
    %c0_i32_1 = arith.constant 0 : i32
    return %c0_i32, %c0_i32_0 : i32, i32
  }
  func.func @transform_4(%arg0: i32) -> (i32, i32) {
    %c0_i32 = arith.constant 0 : i32
    %c0_i32_0 = arith.constant 0 : i32
    %c0_i32_1 = arith.constant 0 : i32
    return %c0_i32, %c0_i32_0 : i32, i32
  }
  func.func @transform_5(%arg0: i32) -> (i32, i32) {
    %c0_i32 = arith.constant 0 : i32
    %c0_i32_0 = arith.constant 0 : i32
    return %arg0, %c0_i32 : i32, i32
  }
}

module attributes {stable_mosaic.version = 14 : i64} {
  func.func @body(%arg0: i32, %arg1: memref<2x1024x64xf32, #tpu.memory_space<vmem>>, %arg2: memref<1024x64xf32, #tpu.memory_space<vmem>>, %arg3: memref<1024x1xf32, #tpu.memory_space<vmem>>, %arg4: memref<1x64xf32, #tpu.memory_space<vmem>>, %arg5: memref<64x32xf32, #tpu.memory_space<vmem>>, %arg6: memref<1024x32xf32, #tpu.memory_space<vmem>>) attributes {dimension_semantics = [#tpu.dimension_semantics<arbitrary>], iteration_bounds = array<i64: 10>, scalar_prefetch = 0 : i64, scratch_operands = 0 : i64, tpu.core_type = #tpu.core_type<tc>, window_params = [{transform_indices = @transform_0, window_bounds = array<i64: 2, 1024, 64>}, {transform_indices = @transform_1, window_bounds = array<i64: 1024, 64>}, {transform_indices = @transform_2, window_bounds = array<i64: 1024, 1>}, {pipeline_mode = #tpu.pipeline_mode<synchronous>, transform_indices = @transform_3, window_bounds = array<i64: 1, 64>}, {pipeline_mode = #tpu.pipeline_mode<synchronous>, transform_indices = @transform_4, window_bounds = array<i64: 64, 32>}, {transform_indices = @transform_5, window_bounds = array<i64: 1024, 32>}]} {
    %get3A = arith.constant 0 : index
    %get3A_0 = arith.constant 0 : index
    %get3A_1 = vector.load %arg3[%get3A, %get3A_0] : memref<1024x1xf32, #tpu.memory_space<vmem>>, vector<1024x1xf32>
    %get3A_2 = arith.constant 0 : index
    %get3A_3 = arith.constant 0 : index
    %get3A_4 = arith.constant 0 : index
    %get3A_5 = vector.load %arg1[%get3A_2, %get3A_3, %get3A_4] : memref<2x1024x64xf32, #tpu.memory_space<vmem>>, vector<1x1024x64xf32>
    %get3A_6 = vector.shape_cast %get3A_5 : vector<1x1024x64xf32> to vector<1024x64xf32>
    %get3A_7 = arith.constant 1 : index
    %get3A_8 = arith.constant 0 : index
    %get3A_9 = arith.constant 0 : index
    %get3A_10 = vector.load %arg1[%get3A_7, %get3A_8, %get3A_9] : memref<2x1024x64xf32, #tpu.memory_space<vmem>>, vector<1x1024x64xf32>
    %get3A_11 = vector.shape_cast %get3A_10 : vector<1x1024x64xf32> to vector<1024x64xf32>
    %add3A = arith.addf %get3A_6, %get3A_11 : vector<1024x64xf32>
    %get3A_12 = arith.constant 0 : index
    %get3A_13 = arith.constant 0 : index
    %get3A_14 = vector.load %arg2[%get3A_12, %get3A_13] : memref<1024x64xf32, #tpu.memory_space<vmem>>, vector<1024x64xf32>
    %add3A_15 = arith.addf %add3A, %get3A_14 : vector<1024x64xf32>
    %mul3A = vector.broadcast %get3A_1 : vector<1024x1xf32> to vector<1024x64xf32>
    %mul3A_16 = arith.mulf %mul3A, %add3A_15 : vector<1024x64xf32>
    %get3A_17 = arith.constant 0 : index
    %get3A_18 = arith.constant 0 : index
    %get3A_19 = vector.load %arg4[%get3A_17, %get3A_18] : memref<1x64xf32, #tpu.memory_space<vmem>>, vector<1x64xf32>
    %add3A_20 = vector.broadcast %get3A_19 : vector<1x64xf32> to vector<1024x64xf32>
    %add3A_21 = arith.addf %mul3A_16, %add3A_20 : vector<1024x64xf32>
    %max3A = arith.constant 0.000000e+00 : f32
    %max3A_22 = vector.broadcast %max3A : f32 to vector<1024x64xf32>
    %max3A_23 = arith.maximumf %add3A_21, %max3A_22 : vector<1024x64xf32>
    %get3A_24 = arith.constant 0 : index
    %get3A_25 = arith.constant 0 : index
    %get3A_26 = vector.load %arg5[%get3A_24, %get3A_25] : memref<64x32xf32, #tpu.memory_space<vmem>>, vector<64x32xf32>
    %dot_general3A = arith.constant dense<0.000000e+00> : vector<1024x32xf32>
    %dot_general3A_27 = tpu.matmul %max3A_23, %get3A_26, %dot_general3A {dimension_numbers = #tpu.dot_dimension_numbers<[1], [0], [0], [1], [0, 0, 1, 1], [], []>, transpose_lhs_hint = false} : vector<1024x64xf32>, vector<64x32xf32>, vector<1024x32xf32> -> vector<1024x32xf32>
    %mul3A_28 = vector.broadcast %get3A_1 : vector<1024x1xf32> to vector<1024x32xf32>
    %mul3A_29 = arith.mulf %dot_general3A_27, %mul3A_28 : vector<1024x32xf32>
    %swap3A = arith.constant 0 : index
    %swap3A_30 = arith.constant 0 : index
    %swap3A_31 = vector.load %arg6[%swap3A, %swap3A_30] : memref<1024x32xf32, #tpu.memory_space<vmem>>, vector<1024x32xf32>
    tpu.vector_store %arg6[%swap3A, %swap3A_30], %mul3A_29 {strides = array<i32>} : memref<1024x32xf32, #tpu.memory_space<vmem>>, vector<1024x32xf32>,
    return
  }
  func.func @transform_0(%arg0: i32) -> (i32, i32, i32) {
    %c0_i32 = arith.constant 0 : i32
    %c0_i32_0 = arith.constant 0 : i32
    %c0_i32_1 = arith.constant 0 : i32
    return %c0_i32, %arg0, %c0_i32_0 : i32, i32, i32
  }
  func.func @transform_1(%arg0: i32) -> (i32, i32) {
    %c0_i32 = arith.constant 0 : i32
    %c0_i32_0 = arith.constant 0 : i32
    return %arg0, %c0_i32 : i32, i32
  }
  func.func @transform_2(%arg0: i32) -> (i32, i32) {
    %c0_i32 = arith.constant 0 : i32
    %c0_i32_0 = arith.constant 0 : i32
    return %arg0, %c0_i32 : i32, i32
  }
  func.func @transform_3(%arg0: i32) -> (i32, i32) {
    %c0_i32 = arith.constant 0 : i32
    %c0_i32_0 = arith.constant 0 : i32
    %c0_i32_1 = arith.constant 0 : i32
    return %c0_i32, %c0_i32_0 : i32, i32
  }
  func.func @transform_4(%arg0: i32) -> (i32, i32) {
    %c0_i32 = arith.constant 0 : i32
    %c0_i32_0 = arith.constant 0 : i32
    %c0_i32_1 = arith.constant 0 : i32
    return %c0_i32, %c0_i32_0 : i32, i32
  }
  func.func @transform_5(%arg0: i32) -> (i32, i32) {
    %c0_i32 = arith.constant 0 : i32
    %c0_i32_0 = arith.constant 0 : i32
    return %arg0, %c0_i32 : i32, i32
  }
}

module attributes {stable_mosaic.version = 14 : i64} {
  func.func @body(%arg0: i32, %arg1: memref<2x1024x32xf32, #tpu.memory_space<vmem>>, %arg2: memref<1024x32xf32, #tpu.memory_space<vmem>>, %arg3: memref<1024x1xf32, #tpu.memory_space<vmem>>, %arg4: memref<1x32xf32, #tpu.memory_space<vmem>>, %arg5: memref<32x32xf32, #tpu.memory_space<vmem>>, %arg6: memref<1024x32xf32, #tpu.memory_space<vmem>>) attributes {dimension_semantics = [#tpu.dimension_semantics<arbitrary>], iteration_bounds = array<i64: 10>, scalar_prefetch = 0 : i64, scratch_operands = 0 : i64, tpu.core_type = #tpu.core_type<tc>, window_params = [{transform_indices = @transform_0, window_bounds = array<i64: 2, 1024, 32>}, {transform_indices = @transform_1, window_bounds = array<i64: 1024, 32>}, {transform_indices = @transform_2, window_bounds = array<i64: 1024, 1>}, {pipeline_mode = #tpu.pipeline_mode<synchronous>, transform_indices = @transform_3, window_bounds = array<i64: 1, 32>}, {pipeline_mode = #tpu.pipeline_mode<synchronous>, transform_indices = @transform_4, window_bounds = array<i64: 32, 32>}, {transform_indices = @transform_5, window_bounds = array<i64: 1024, 32>}]} {
    %get3A = arith.constant 0 : index
    %get3A_0 = arith.constant 0 : index
    %get3A_1 = vector.load %arg3[%get3A, %get3A_0] : memref<1024x1xf32, #tpu.memory_space<vmem>>, vector<1024x1xf32>
    %get3A_2 = arith.constant 0 : index
    %get3A_3 = arith.constant 0 : index
    %get3A_4 = arith.constant 0 : index
    %get3A_5 = vector.load %arg1[%get3A_2, %get3A_3, %get3A_4] : memref<2x1024x32xf32, #tpu.memory_space<vmem>>, vector<1x1024x32xf32>
    %get3A_6 = vector.shape_cast %get3A_5 : vector<1x1024x32xf32> to vector<1024x32xf32>
    %get3A_7 = arith.constant 1 : index
    %get3A_8 = arith.constant 0 : index
    %get3A_9 = arith.constant 0 : index
    %get3A_10 = vector.load %arg1[%get3A_7, %get3A_8, %get3A_9] : memref<2x1024x32xf32, #tpu.memory_space<vmem>>, vector<1x1024x32xf32>
    %get3A_11 = vector.shape_cast %get3A_10 : vector<1x1024x32xf32> to vector<1024x32xf32>
    %add3A = arith.addf %get3A_6, %get3A_11 : vector<1024x32xf32>
    %get3A_12 = arith.constant 0 : index
    %get3A_13 = arith.constant 0 : index
    %get3A_14 = vector.load %arg2[%get3A_12, %get3A_13] : memref<1024x32xf32, #tpu.memory_space<vmem>>, vector<1024x32xf32>
    %add3A_15 = arith.addf %add3A, %get3A_14 : vector<1024x32xf32>
    %mul3A = vector.broadcast %get3A_1 : vector<1024x1xf32> to vector<1024x32xf32>
    %mul3A_16 = arith.mulf %mul3A, %add3A_15 : vector<1024x32xf32>
    %get3A_17 = arith.constant 0 : index
    %get3A_18 = arith.constant 0 : index
    %get3A_19 = vector.load %arg4[%get3A_17, %get3A_18] : memref<1x32xf32, #tpu.memory_space<vmem>>, vector<1x32xf32>
    %add3A_20 = vector.broadcast %get3A_19 : vector<1x32xf32> to vector<1024x32xf32>
    %add3A_21 = arith.addf %mul3A_16, %add3A_20 : vector<1024x32xf32>
    %max3A = arith.constant 0.000000e+00 : f32
    %max3A_22 = vector.broadcast %max3A : f32 to vector<1024x32xf32>
    %max3A_23 = arith.maximumf %add3A_21, %max3A_22 : vector<1024x32xf32>
    %get3A_24 = arith.constant 0 : index
    %get3A_25 = arith.constant 0 : index
    %get3A_26 = vector.load %arg5[%get3A_24, %get3A_25] : memref<32x32xf32, #tpu.memory_space<vmem>>, vector<32x32xf32>
    %dot_general3A = arith.constant dense<0.000000e+00> : vector<1024x32xf32>
    %dot_general3A_27 = tpu.matmul %max3A_23, %get3A_26, %dot_general3A {dimension_numbers = #tpu.dot_dimension_numbers<[1], [0], [0], [1], [0, 0, 1, 1], [], []>, transpose_lhs_hint = false} : vector<1024x32xf32>, vector<32x32xf32>, vector<1024x32xf32> -> vector<1024x32xf32>
    %mul3A_28 = vector.broadcast %get3A_1 : vector<1024x1xf32> to vector<1024x32xf32>
    %mul3A_29 = arith.mulf %dot_general3A_27, %mul3A_28 : vector<1024x32xf32>
    %swap3A = arith.constant 0 : index
    %swap3A_30 = arith.constant 0 : index
    %swap3A_31 = vector.load %arg6[%swap3A, %swap3A_30] : memref<1024x32xf32, #tpu.memory_space<vmem>>, vector<1024x32xf32>
    tpu.vector_store %arg6[%swap3A, %swap3A_30], %mul3A_29 {strides = array<i32>} : memref<1024x32xf32, #tpu.memory_space<vmem>>, vector<1024x32xf32>,
    return
  }
  func.func @transform_0(%arg0: i32) -> (i32, i32, i32) {
    %c0_i32 = arith.constant 0 : i32
    %c0_i32_0 = arith.constant 0 : i32
    %c0_i32_1 = arith.constant 0 : i32
    return %c0_i32, %arg0, %c0_i32_0 : i32, i32, i32
  }
  func.func @transform_1(%arg0: i32) -> (i32, i32) {
    %c0_i32 = arith.constant 0 : i32
    %c0_i32_0 = arith.constant 0 : i32
    return %arg0, %c0_i32 : i32, i32
  }
  func.func @transform_2(%arg0: i32) -> (i32, i32) {
    %c0_i32 = arith.constant 0 : i32
    %c0_i32_0 = arith.constant 0 : i32
    return %arg0, %c0_i32 : i32, i32
  }
  func.func @transform_3(%arg0: i32) -> (i32, i32) {
    %c0_i32 = arith.constant 0 : i32
    %c0_i32_0 = arith.constant 0 : i32
    %c0_i32_1 = arith.constant 0 : i32
    return %c0_i32, %c0_i32_0 : i32, i32
  }
  func.func @transform_4(%arg0: i32) -> (i32, i32) {
    %c0_i32 = arith.constant 0 : i32
    %c0_i32_0 = arith.constant 0 : i32
    %c0_i32_1 = arith.constant 0 : i32
    return %c0_i32, %c0_i32_0 : i32, i32
  }
  func.func @transform_5(%arg0: i32) -> (i32, i32) {
    %c0_i32 = arith.constant 0 : i32
    %c0_i32_0 = arith.constant 0 : i32
    return %arg0, %c0_i32 : i32, i32
  }
}

module attributes {stable_mosaic.version = 14 : i64} {
  func.func @body(%arg0: i32, %arg1: memref<2x1024x32xf32, #tpu.memory_space<vmem>>, %arg2: memref<1024x32xf32, #tpu.memory_space<vmem>>, %arg3: memref<1024x1xf32, #tpu.memory_space<vmem>>, %arg4: memref<1x32xf32, #tpu.memory_space<vmem>>, %arg5: memref<32x16xf32, #tpu.memory_space<vmem>>, %arg6: memref<1024x16xf32, #tpu.memory_space<vmem>>) attributes {dimension_semantics = [#tpu.dimension_semantics<arbitrary>], iteration_bounds = array<i64: 10>, scalar_prefetch = 0 : i64, scratch_operands = 0 : i64, tpu.core_type = #tpu.core_type<tc>, window_params = [{transform_indices = @transform_0, window_bounds = array<i64: 2, 1024, 32>}, {transform_indices = @transform_1, window_bounds = array<i64: 1024, 32>}, {transform_indices = @transform_2, window_bounds = array<i64: 1024, 1>}, {pipeline_mode = #tpu.pipeline_mode<synchronous>, transform_indices = @transform_3, window_bounds = array<i64: 1, 32>}, {pipeline_mode = #tpu.pipeline_mode<synchronous>, transform_indices = @transform_4, window_bounds = array<i64: 32, 16>}, {transform_indices = @transform_5, window_bounds = array<i64: 1024, 16>}]} {
    %get3A = arith.constant 0 : index
    %get3A_0 = arith.constant 0 : index
    %get3A_1 = vector.load %arg3[%get3A, %get3A_0] : memref<1024x1xf32, #tpu.memory_space<vmem>>, vector<1024x1xf32>
    %get3A_2 = arith.constant 0 : index
    %get3A_3 = arith.constant 0 : index
    %get3A_4 = arith.constant 0 : index
    %get3A_5 = vector.load %arg1[%get3A_2, %get3A_3, %get3A_4] : memref<2x1024x32xf32, #tpu.memory_space<vmem>>, vector<1x1024x32xf32>
    %get3A_6 = vector.shape_cast %get3A_5 : vector<1x1024x32xf32> to vector<1024x32xf32>
    %get3A_7 = arith.constant 1 : index
    %get3A_8 = arith.constant 0 : index
    %get3A_9 = arith.constant 0 : index
    %get3A_10 = vector.load %arg1[%get3A_7, %get3A_8, %get3A_9] : memref<2x1024x32xf32, #tpu.memory_space<vmem>>, vector<1x1024x32xf32>
    %get3A_11 = vector.shape_cast %get3A_10 : vector<1x1024x32xf32> to vector<1024x32xf32>
    %add3A = arith.addf %get3A_6, %get3A_11 : vector<1024x32xf32>
    %get3A_12 = arith.constant 0 : index
    %get3A_13 = arith.constant 0 : index
    %get3A_14 = vector.load %arg2[%get3A_12, %get3A_13] : memref<1024x32xf32, #tpu.memory_space<vmem>>, vector<1024x32xf32>
    %add3A_15 = arith.addf %add3A, %get3A_14 : vector<1024x32xf32>
    %mul3A = vector.broadcast %get3A_1 : vector<1024x1xf32> to vector<1024x32xf32>
    %mul3A_16 = arith.mulf %mul3A, %add3A_15 : vector<1024x32xf32>
    %get3A_17 = arith.constant 0 : index
    %get3A_18 = arith.constant 0 : index
    %get3A_19 = vector.load %arg4[%get3A_17, %get3A_18] : memref<1x32xf32, #tpu.memory_space<vmem>>, vector<1x32xf32>
    %add3A_20 = vector.broadcast %get3A_19 : vector<1x32xf32> to vector<1024x32xf32>
    %add3A_21 = arith.addf %mul3A_16, %add3A_20 : vector<1024x32xf32>
    %max3A = arith.constant 0.000000e+00 : f32
    %max3A_22 = vector.broadcast %max3A : f32 to vector<1024x32xf32>
    %max3A_23 = arith.maximumf %add3A_21, %max3A_22 : vector<1024x32xf32>
    %get3A_24 = arith.constant 0 : index
    %get3A_25 = arith.constant 0 : index
    %get3A_26 = vector.load %arg5[%get3A_24, %get3A_25] : memref<32x16xf32, #tpu.memory_space<vmem>>, vector<32x16xf32>
    %dot_general3A = arith.constant dense<0.000000e+00> : vector<1024x16xf32>
    %dot_general3A_27 = tpu.matmul %max3A_23, %get3A_26, %dot_general3A {dimension_numbers = #tpu.dot_dimension_numbers<[1], [0], [0], [1], [0, 0, 1, 1], [], []>, transpose_lhs_hint = false} : vector<1024x32xf32>, vector<32x16xf32>, vector<1024x16xf32> -> vector<1024x16xf32>
    %mul3A_28 = vector.broadcast %get3A_1 : vector<1024x1xf32> to vector<1024x16xf32>
    %mul3A_29 = arith.mulf %dot_general3A_27, %mul3A_28 : vector<1024x16xf32>
    %swap3A = arith.constant 0 : index
    %swap3A_30 = arith.constant 0 : index
    %swap3A_31 = vector.load %arg6[%swap3A, %swap3A_30] : memref<1024x16xf32, #tpu.memory_space<vmem>>, vector<1024x16xf32>
    tpu.vector_store %arg6[%swap3A, %swap3A_30], %mul3A_29 {strides = array<i32>} : memref<1024x16xf32, #tpu.memory_space<vmem>>, vector<1024x16xf32>,
    return
  }
  func.func @transform_0(%arg0: i32) -> (i32, i32, i32) {
    %c0_i32 = arith.constant 0 : i32
    %c0_i32_0 = arith.constant 0 : i32
    %c0_i32_1 = arith.constant 0 : i32
    return %c0_i32, %arg0, %c0_i32_0 : i32, i32, i32
  }
  func.func @transform_1(%arg0: i32) -> (i32, i32) {
    %c0_i32 = arith.constant 0 : i32
    %c0_i32_0 = arith.constant 0 : i32
    return %arg0, %c0_i32 : i32, i32
  }
  func.func @transform_2(%arg0: i32) -> (i32, i32) {
    %c0_i32 = arith.constant 0 : i32
    %c0_i32_0 = arith.constant 0 : i32
    return %arg0, %c0_i32 : i32, i32
  }
  func.func @transform_3(%arg0: i32) -> (i32, i32) {
    %c0_i32 = arith.constant 0 : i32
    %c0_i32_0 = arith.constant 0 : i32
    %c0_i32_1 = arith.constant 0 : i32
    return %c0_i32, %c0_i32_0 : i32, i32
  }
  func.func @transform_4(%arg0: i32) -> (i32, i32) {
    %c0_i32 = arith.constant 0 : i32
    %c0_i32_0 = arith.constant 0 : i32
    %c0_i32_1 = arith.constant 0 : i32
    return %c0_i32, %c0_i32_0 : i32, i32
  }
  func.func @transform_5(%arg0: i32) -> (i32, i32) {
    %c0_i32 = arith.constant 0 : i32
    %c0_i32_0 = arith.constant 0 : i32
    return %arg0, %c0_i32 : i32, i32
  }
}

module attributes {stable_mosaic.version = 14 : i64} {
  func.func @body(%arg0: i32, %arg1: memref<2x1024x16xf32, #tpu.memory_space<vmem>>, %arg2: memref<1024x16xf32, #tpu.memory_space<vmem>>, %arg3: memref<1024x1xf32, #tpu.memory_space<vmem>>, %arg4: memref<1x16xf32, #tpu.memory_space<vmem>>, %arg5: memref<16x16xf32, #tpu.memory_space<vmem>>, %arg6: memref<1024x16xf32, #tpu.memory_space<vmem>>) attributes {dimension_semantics = [#tpu.dimension_semantics<arbitrary>], iteration_bounds = array<i64: 10>, scalar_prefetch = 0 : i64, scratch_operands = 0 : i64, tpu.core_type = #tpu.core_type<tc>, window_params = [{transform_indices = @transform_0, window_bounds = array<i64: 2, 1024, 16>}, {transform_indices = @transform_1, window_bounds = array<i64: 1024, 16>}, {transform_indices = @transform_2, window_bounds = array<i64: 1024, 1>}, {pipeline_mode = #tpu.pipeline_mode<synchronous>, transform_indices = @transform_3, window_bounds = array<i64: 1, 16>}, {pipeline_mode = #tpu.pipeline_mode<synchronous>, transform_indices = @transform_4, window_bounds = array<i64: 16, 16>}, {transform_indices = @transform_5, window_bounds = array<i64: 1024, 16>}]} {
    %get3A = arith.constant 0 : index
    %get3A_0 = arith.constant 0 : index
    %get3A_1 = vector.load %arg3[%get3A, %get3A_0] : memref<1024x1xf32, #tpu.memory_space<vmem>>, vector<1024x1xf32>
    %get3A_2 = arith.constant 0 : index
    %get3A_3 = arith.constant 0 : index
    %get3A_4 = arith.constant 0 : index
    %get3A_5 = vector.load %arg1[%get3A_2, %get3A_3, %get3A_4] : memref<2x1024x16xf32, #tpu.memory_space<vmem>>, vector<1x1024x16xf32>
    %get3A_6 = vector.shape_cast %get3A_5 : vector<1x1024x16xf32> to vector<1024x16xf32>
    %get3A_7 = arith.constant 1 : index
    %get3A_8 = arith.constant 0 : index
    %get3A_9 = arith.constant 0 : index
    %get3A_10 = vector.load %arg1[%get3A_7, %get3A_8, %get3A_9] : memref<2x1024x16xf32, #tpu.memory_space<vmem>>, vector<1x1024x16xf32>
    %get3A_11 = vector.shape_cast %get3A_10 : vector<1x1024x16xf32> to vector<1024x16xf32>
    %add3A = arith.addf %get3A_6, %get3A_11 : vector<1024x16xf32>
    %get3A_12 = arith.constant 0 : index
    %get3A_13 = arith.constant 0 : index
    %get3A_14 = vector.load %arg2[%get3A_12, %get3A_13] : memref<1024x16xf32, #tpu.memory_space<vmem>>, vector<1024x16xf32>
    %add3A_15 = arith.addf %add3A, %get3A_14 : vector<1024x16xf32>
    %mul3A = vector.broadcast %get3A_1 : vector<1024x1xf32> to vector<1024x16xf32>
    %mul3A_16 = arith.mulf %mul3A, %add3A_15 : vector<1024x16xf32>
    %get3A_17 = arith.constant 0 : index
    %get3A_18 = arith.constant 0 : index
    %get3A_19 = vector.load %arg4[%get3A_17, %get3A_18] : memref<1x16xf32, #tpu.memory_space<vmem>>, vector<1x16xf32>
    %add3A_20 = vector.broadcast %get3A_19 : vector<1x16xf32> to vector<1024x16xf32>
    %add3A_21 = arith.addf %mul3A_16, %add3A_20 : vector<1024x16xf32>
    %max3A = arith.constant 0.000000e+00 : f32
    %max3A_22 = vector.broadcast %max3A : f32 to vector<1024x16xf32>
    %max3A_23 = arith.maximumf %add3A_21, %max3A_22 : vector<1024x16xf32>
    %get3A_24 = arith.constant 0 : index
    %get3A_25 = arith.constant 0 : index
    %get3A_26 = vector.load %arg5[%get3A_24, %get3A_25] : memref<16x16xf32, #tpu.memory_space<vmem>>, vector<16x16xf32>
    %dot_general3A = arith.constant dense<0.000000e+00> : vector<1024x16xf32>
    %dot_general3A_27 = tpu.matmul %max3A_23, %get3A_26, %dot_general3A {dimension_numbers = #tpu.dot_dimension_numbers<[1], [0], [0], [1], [0, 0, 1, 1], [], []>, transpose_lhs_hint = false} : vector<1024x16xf32>, vector<16x16xf32>, vector<1024x16xf32> -> vector<1024x16xf32>
    %mul3A_28 = vector.broadcast %get3A_1 : vector<1024x1xf32> to vector<1024x16xf32>
    %mul3A_29 = arith.mulf %dot_general3A_27, %mul3A_28 : vector<1024x16xf32>
    %swap3A = arith.constant 0 : index
    %swap3A_30 = arith.constant 0 : index
    %swap3A_31 = vector.load %arg6[%swap3A, %swap3A_30] : memref<1024x16xf32, #tpu.memory_space<vmem>>, vector<1024x16xf32>
    tpu.vector_store %arg6[%swap3A, %swap3A_30], %mul3A_29 {strides = array<i32>} : memref<1024x16xf32, #tpu.memory_space<vmem>>, vector<1024x16xf32>,
    return
  }
  func.func @transform_0(%arg0: i32) -> (i32, i32, i32) {
    %c0_i32 = arith.constant 0 : i32
    %c0_i32_0 = arith.constant 0 : i32
    %c0_i32_1 = arith.constant 0 : i32
    return %c0_i32, %arg0, %c0_i32_0 : i32, i32, i32
  }
  func.func @transform_1(%arg0: i32) -> (i32, i32) {
    %c0_i32 = arith.constant 0 : i32
    %c0_i32_0 = arith.constant 0 : i32
    return %arg0, %c0_i32 : i32, i32
  }
  func.func @transform_2(%arg0: i32) -> (i32, i32) {
    %c0_i32 = arith.constant 0 : i32
    %c0_i32_0 = arith.constant 0 : i32
    return %arg0, %c0_i32 : i32, i32
  }
  func.func @transform_3(%arg0: i32) -> (i32, i32) {
    %c0_i32 = arith.constant 0 : i32
    %c0_i32_0 = arith.constant 0 : i32
    %c0_i32_1 = arith.constant 0 : i32
    return %c0_i32, %c0_i32_0 : i32, i32
  }
  func.func @transform_4(%arg0: i32) -> (i32, i32) {
    %c0_i32 = arith.constant 0 : i32
    %c0_i32_0 = arith.constant 0 : i32
    %c0_i32_1 = arith.constant 0 : i32
    return %c0_i32, %c0_i32_0 : i32, i32
  }
  func.func @transform_5(%arg0: i32) -> (i32, i32) {
    %c0_i32 = arith.constant 0 : i32
    %c0_i32_0 = arith.constant 0 : i32
    return %arg0, %c0_i32 : i32, i32
  }
}

module attributes {stable_mosaic.version = 14 : i64} {
  func.func @body(%arg0: i32, %arg1: memref<2x1024x16xf32, #tpu.memory_space<vmem>>, %arg2: memref<1024x16xf32, #tpu.memory_space<vmem>>, %arg3: memref<1024x1xf32, #tpu.memory_space<vmem>>, %arg4: memref<1x16xf32, #tpu.memory_space<vmem>>, %arg5: memref<1024x16xf32, #tpu.memory_space<vmem>>) attributes {dimension_semantics = [#tpu.dimension_semantics<arbitrary>], iteration_bounds = array<i64: 10>, scalar_prefetch = 0 : i64, scratch_operands = 0 : i64, tpu.core_type = #tpu.core_type<tc>, window_params = [{transform_indices = @transform_0, window_bounds = array<i64: 2, 1024, 16>}, {transform_indices = @transform_1, window_bounds = array<i64: 1024, 16>}, {transform_indices = @transform_2, window_bounds = array<i64: 1024, 1>}, {pipeline_mode = #tpu.pipeline_mode<synchronous>, transform_indices = @transform_3, window_bounds = array<i64: 1, 16>}, {transform_indices = @transform_4, window_bounds = array<i64: 1024, 16>}]} {
    %get3A = arith.constant 0 : index
    %get3A_0 = arith.constant 0 : index
    %get3A_1 = vector.load %arg3[%get3A, %get3A_0] : memref<1024x1xf32, #tpu.memory_space<vmem>>, vector<1024x1xf32>
    %get3A_2 = arith.constant 0 : index
    %get3A_3 = arith.constant 0 : index
    %get3A_4 = arith.constant 0 : index
    %get3A_5 = vector.load %arg1[%get3A_2, %get3A_3, %get3A_4] : memref<2x1024x16xf32, #tpu.memory_space<vmem>>, vector<1x1024x16xf32>
    %get3A_6 = vector.shape_cast %get3A_5 : vector<1x1024x16xf32> to vector<1024x16xf32>
    %get3A_7 = arith.constant 1 : index
    %get3A_8 = arith.constant 0 : index
    %get3A_9 = arith.constant 0 : index
    %get3A_10 = vector.load %arg1[%get3A_7, %get3A_8, %get3A_9] : memref<2x1024x16xf32, #tpu.memory_space<vmem>>, vector<1x1024x16xf32>
    %get3A_11 = vector.shape_cast %get3A_10 : vector<1x1024x16xf32> to vector<1024x16xf32>
    %add3A = arith.addf %get3A_6, %get3A_11 : vector<1024x16xf32>
    %get3A_12 = arith.constant 0 : index
    %get3A_13 = arith.constant 0 : index
    %get3A_14 = vector.load %arg2[%get3A_12, %get3A_13] : memref<1024x16xf32, #tpu.memory_space<vmem>>, vector<1024x16xf32>
    %add3A_15 = arith.addf %add3A, %get3A_14 : vector<1024x16xf32>
    %mul3A = vector.broadcast %get3A_1 : vector<1024x1xf32> to vector<1024x16xf32>
    %mul3A_16 = arith.mulf %mul3A, %add3A_15 : vector<1024x16xf32>
    %get3A_17 = arith.constant 0 : index
    %get3A_18 = arith.constant 0 : index
    %get3A_19 = vector.load %arg4[%get3A_17, %get3A_18] : memref<1x16xf32, #tpu.memory_space<vmem>>, vector<1x16xf32>
    %add3A_20 = vector.broadcast %get3A_19 : vector<1x16xf32> to vector<1024x16xf32>
    %add3A_21 = arith.addf %mul3A_16, %add3A_20 : vector<1024x16xf32>
    %swap3A = arith.constant 0 : index
    %swap3A_22 = arith.constant 0 : index
    %swap3A_23 = vector.load %arg5[%swap3A, %swap3A_22] : memref<1024x16xf32, #tpu.memory_space<vmem>>, vector<1024x16xf32>
    tpu.vector_store %arg5[%swap3A, %swap3A_22], %add3A_21 {strides = array<i32>} : memref<1024x16xf32, #tpu.memory_space<vmem>>, vector<1024x16xf32>,
    return
  }
  func.func @transform_0(%arg0: i32) -> (i32, i32, i32) {
    %c0_i32 = arith.constant 0 : i32
    %c0_i32_0 = arith.constant 0 : i32
    %c0_i32_1 = arith.constant 0 : i32
    return %c0_i32, %arg0, %c0_i32_0 : i32, i32, i32
  }
  func.func @transform_1(%arg0: i32) -> (i32, i32) {
    %c0_i32 = arith.constant 0 : i32
    %c0_i32_0 = arith.constant 0 : i32
    return %arg0, %c0_i32 : i32, i32
  }
  func.func @transform_2(%arg0: i32) -> (i32, i32) {
    %c0_i32 = arith.constant 0 : i32
    %c0_i32_0 = arith.constant 0 : i32
    return %arg0, %c0_i32 : i32, i32
  }
  func.func @transform_3(%arg0: i32) -> (i32, i32) {
    %c0_i32 = arith.constant 0 : i32
    %c0_i32_0 = arith.constant 0 : i32
    %c0_i32_1 = arith.constant 0 : i32
    return %c0_i32, %c0_i32_0 : i32, i32
  }
  func.func @transform_4(%arg0: i32) -> (i32, i32) {
    %c0_i32 = arith.constant 0 : i32
    %c0_i32_0 = arith.constant 0 : i32
    return %arg0, %c0_i32 : i32, i32
  }
}

</mosaic_0001>

<sc_bundles>
// kernel: kernel.18.cloned.1.call-start
scs
__scs_entry_jumppad:
0x0: {  	(pc) =	sbr.rel $0x88, $3  }
0x1: {  	(tag) =	ssettag $0x0;
	lr =	simm.s32 $0x1  }
0x2: {  	[smem:$0x3F90] =	sst lr;
	_ =	strace $0xD0000000  }
0x3: {  	_ = 	snop  }
0x4: {  	_ = 	snop  }
0x5: {  	_ = 	snop  }
0x6: {  	_ = 	snop  }
0x7: {  	_ = 	snop  }
__scs_overlays_trampoline_lowered:
0x8: {  	[smem:$0x3F9F] =	sst s0  }
0x9: {  	[smem:$0x3FA0] =	sst s1  }
0xa: {  	[smem:$0x3FA1] =	sst s2  }
0xb: {  	[smem:$0x3FA2] =	sst s3  }
0xc: {  	[smem:$0x3FA3] =	sst s4  }
0xd: {  	[smem:$0x3FA4] =	sst s5  }
0xe: {  	[smem:$0x3FA5] =	sst s6  }
0xf: {  	[smem:$0x3FA6] =	sst s7  }
0x10: {  	[smem:$0x3FA7] =	sst s8  }
0x11: {  	[smem:$0x3FA8] =	sst s9;
	s0 =	simm.s32 @!p0 $0x0  }
0x12: {  	s1 =	sld [smem:$0x3F8E];
	s0 =	simm.s32 @p0 $0x1  }
0x13: {  	[smem:$0x3FA9] =	sst s0;
	s0 =	simm.s32 @!p1 $0x0  }
0x14: {  	s2 =	sld [smem:$0x3F8D];
	s0 =	simm.s32 @p1 $0x1  }
0x15: {  	[smem:$0x3FAA] =	sst s0;
	s0 =	simm.s32 @!p2 $0x0  }
0x16: {  	s3 =	sld [smem:$0x3FDB];
	s0 =	simm.s32 @p2 $0x1  }
0x17: {  	s4 =	simm.s32 $0x1BF5;
	[smem:$0x3FAC] =	sst s0  }
0x18: {  	s0 =	sld [smem:$0x3F8F];
	_ =	swait.ge [sflag:s4], $0x0  }
0x19: {  	s7 =	sld [smem:$0x3F90]  }
0x1a: {  	s8 =	sadd.s32 $0xFFFFE003, lr  }
0x1b: {  	s9 =	sadd.s32 $0xFFFFFEF7, lr;
	s5 =	simm.s32 $0xFFFFFFFF;
	p2 =	slt.u32 s8, $0xFFFFF086  }
0x1c: {  	p1 =	slt.u32 s9, $0xF7A;
	s5 =	simm.s32 @!p2 $0x0  }
0x1d: {  	s5 =	simm.s32 @p1 $0x1;
	p0 =	seq.s32 s7, s2  }
0x1e: {  	s7 =	smul.u32 @!p0 $0xF7A, s2;
	p2 =	seq.s32 @!p0 s5, $0x0  }
0x1f: {  	s9 =	smul.u32 $0xF7A, s1;
	s8 =	simm.s32 @!p0 $0x1BF5;
	p2 =	por !p2, p0  }
0x20: {  	[sflag:s8] =	ssyncset.s32 @!p0 $0xFFFFF086;
	s6 =	sadd.s32 @!p0 s3, s7;
	s7 =	simm.s32 @!p0 $0x108  }
0x21: {  	s3 =	sadd.s32 s3, s9;
	s6 =	sadd.s32 @!p0 $0x88, s6;
	s7 =	simm.s32 @p2 $0x1082  }
0x22: {  	[simem:s7], [sflag:s8] =	dma.local @!p0 [hbm:s6], $0xF7A  }
0x23: {  	s9 =	sor.u32 $0xD0000000, s2;
	s6 =	simm.s32 $0x108;
	_ =	swait.ge @!p0 [sflag:s8], $0x0  }
0x24: {  	s3 =	sadd.s32 $0x88, s3;
	s6 =	simm.s32 @!p1 $0x1082;
	[sflag:s4] =	ssyncset.s32 $0xFFFFF086  }
0x25: {  	[simem:s6], [sflag:s4] =	dma.local [hbm:s3], $0xF7A  }
0x26: {  	[smem:$0x3F90] =	sst s1;
	(tag) =	ssettag s2;
	_ =	strace s9  }
0x27: {  	s1 =	sld [smem:$0x3FA0]  }
0x28: {  	s2 =	sld [smem:$0x3FA1]  }
0x29: {  	s4 =	sld [smem:$0x3FA3]  }
0x2a: {  	p0 =	seq.s32 s5, $0x0;
	s5 =	sld [smem:$0x3FA4]  }
0x2b: {  	s6 =	sld [smem:$0x3FA5]  }
0x2c: {  	s7 =	sld [smem:$0x3FA6]  }
0x2d: {  	s3 =	simm.s32 $0x108;
	s8 =	sld [smem:$0x3FA7]  }
0x2e: {  	s3 =	simm.s32 @!p0 $0x1082;
	s9 =	sld [smem:$0x3FA8]  }
0x2f: {  	lr =	sadd.s32 s0, s3;
	s0 =	sld [smem:$0x3F9F]  }
0x30: {  	s3 =	sld [smem:$0x3FA2]  }
0x31: {  	[smem:$0x3FAB] =	sst s10  }
0x32: {  	s10 =	sld [smem:$0x3FA9];
	_ =	sdelay $0x3  }
0x33: {  	p0 =	seq.s32 s10, $0x1;
	s10 =	sld [smem:$0x3FAB];
	_ =	sdelay $0x3  }
0x34: {  	[smem:$0x3FAB] =	sst s10  }
0x35: {  	s10 =	sld [smem:$0x3FAA];
	_ =	sdelay $0x3  }
0x36: {  	p1 =	seq.s32 s10, $0x1;
	s10 =	sld [smem:$0x3FAB];
	_ =	sdelay $0x3  }
0x37: {  	[smem:$0x3FAB] =	sst s10  }
0x38: {  	s10 =	sld [smem:$0x3FAC]  }
0x39: {  	_ = 	snop;
	(pc) =	sbr.ind lr, $3  }
0x3a: {  	_ = 	snop  }
0x3b: {  	_ = 	snop  }
0x3c: {  	p2 =	seq.s32 s10, $0x1;
	s10 =	sld [smem:$0x3FAB]  }
0x3d: {  	_ =	shalt  }
0x3e: {  	_ =	shalt  }
0x3f: {  	_ =	shalt  }
0x40: {  	_ =	shalt  }
0x41: {  	_ =	shalt  }
0x42: {  	_ =	shalt  }
0x43: {  	_ =	shalt  }
0x44: {  	_ =	shalt  }
0x45: {  	_ =	shalt  }
0x46: {  	_ =	shalt  }
0x47: {  	_ =	shalt  }
0x48: {  	_ =	shalt  }
0x49: {  	_ =	shalt  }
0x4a: {  	_ =	shalt  }
0x4b: {  	_ =	shalt  }
0x4c: {  	_ =	shalt  }
0x4d: {  	_ =	shalt  }
0x4e: {  	_ =	shalt  }
0x4f: {  	_ =	shalt  }
0x50: {  	_ =	shalt  }
0x51: {  	_ =	shalt  }
0x52: {  	_ =	shalt  }
0x53: {  	_ =	shalt  }
0x54: {  	_ =	shalt  }
0x55: {  	_ =	shalt  }
0x56: {  	_ =	shalt  }
0x57: {  	_ =	shalt  }
0x58: {  	_ =	shalt  }
0x59: {  	_ =	shalt  }
0x5a: {  	_ =	shalt  }
0x5b: {  	_ =	shalt  }
0x5c: {  	_ =	shalt  }
0x5d: {  	_ =	shalt  }
0x5e: {  	_ =	shalt  }
0x5f: {  	_ =	shalt  }
0x60: {  	_ =	shalt  }
0x61: {  	_ =	shalt  }
0x62: {  	_ =	shalt  }
0x63: {  	_ =	shalt  }
0x64: {  	_ =	shalt  }
0x65: {  	_ =	shalt  }
0x66: {  	_ =	shalt  }
0x67: {  	_ =	shalt  }
0x68: {  	_ =	shalt  }
0x69: {  	_ =	shalt  }
0x6a: {  	_ =	shalt  }
0x6b: {  	_ =	shalt  }
0x6c: {  	_ =	shalt  }
0x6d: {  	_ =	shalt  }
0x6e: {  	_ =	shalt  }
0x6f: {  	_ =	shalt  }
0x70: {  	_ =	shalt  }
0x71: {  	_ =	shalt  }
0x72: {  	_ =	shalt  }
0x73: {  	_ =	shalt  }
0x74: {  	_ =	shalt  }
0x75: {  	_ =	shalt  }
0x76: {  	_ =	shalt  }
0x77: {  	_ =	shalt  }
0x78: {  	_ =	shalt  }
0x79: {  	_ =	shalt  }
0x7a: {  	_ =	shalt  }
0x7b: {  	_ =	shalt  }
0x7c: {  	_ =	shalt  }
0x7d: {  	_ =	shalt  }
0x7e: {  	_ =	shalt  }
0x7f: {  	_ =	shalt  }
0x80: {  	_ =	shalt  }
0x81: {  	_ =	shalt  }
0x82: {  	_ =	shalt  }
0x83: {  	_ =	shalt  }
0x84: {  	_ =	shalt  }
0x85: {  	_ =	shalt  }
0x86: {  	_ =	shalt  }
0x87: {  	_ =	shalt  }
.Lfunc_end0:
.L_simem_size_0:
called_computation_lowered:
.L_overlay_start_0:
0x88: {  	s2 =	sld [smem:$0x3FD9]  }
0x89: {  	s3 =	sld [smem:$0x3FFE];
	_ =	sdelay $0x1  }
0x8a: {  	s1 =	srdreg.scid  }
0x8b: {  	s0 =	sand.u32 $0x1, s1  }
0x8c: {  	s17 =	sshll.u32 s0, $0xA;
	s2 =	sadd.s32 s3, s2  }
0x8d: {  	s2 =	sadd.s32 s2, s17  }
0x8e: {  	[smem:$0x3FB7] =	sst s2  }
0x8f: {  	_ = 	snop  }
0x90: {  	s2 =	sld [smem:$0x3FC7];
	(tm) =	ssettm $0x1  }
0x91: {  	s18 =	sld [smem:$0x3FFB];
	_ =	sdelay $0x3  }
0x92: {  	_ =	strace s18  }
0x93: {  	s3 =	sld [smem:$0x3FFC];
	_ =	sdelay $0x3  }
0x94: {  	_ =	strace s3  }
0x95: {  	s3 =	sld [smem:$0x3FFD];
	_ =	sdelay $0x3  }
0x96: {  	_ =	strace s3  }
0x97: {  	_ =	strace $0x8FFFFFFF  }
0x98: {  	s19 =	sld [smem:$0x3FDB];
	_ =	sdelay $0x1  }
0x99: {  	s4 =	simm.s32 $_scs_section_size  }
0x9a: {  	s5 =	simm.s32 $_size__tile_overlayer_lowered;
	s6 =	simm.s32 $_tile_overlayer_lowered  }
0x9b: {  	s22 =	simm.s32 $0x1BFF;
	s21 =	sshll.u32 s6, $0x1;
	s3 =	sadd.s32 s4, s19  }
0x9c: {  	s7 =	simm.s32 $0x0;
	s20 =	sshll.u32 s5, $0x1;
	s5 =	sadd.s32 s21, s3  }
0x9d: {  	[timem:s7], [sflag:s22] =	dma.local [hbm:s5], s20  }
0x9e: {  	_ =	swait.ge [sflag:s22], s20  }
0x9f: {  	s4 =	ssub.s32 $0x0, s20;
	[sflag:s22] =	ssyncset.done $0x0  }
0xa0: {  	[sflag:s22] =	ssyncadd.s32 s4;
	_ =	sdelay $0x1  }
0xa1: {  	s23 =	simm.s32 $0x1B8B  }
0xa2: {  	_ =	swait.ge [sflag:s23], $0x1  }
0xa3: {  	[sflag:s23] =	ssyncset.done $0x0  }
0xa4: {  	s25 =	simm.s32 $0x1B8E;
	s24 =	sld [smem:$0x3FFE];
	[sflag:s23] =	ssyncadd.s32 $0xFFFFFFFF  }
0xa5: {  	s26 =	simm.s32 $execute0_lowered;
	[smem:$0x3FD2] =	sst s25  }
0xa6: {  	s5 =	sshll.u32 s26, $0x1;
	_ =	strace $0x80000046;
	[dreg:$0x1] =	wrdreg $0xFFFFFFFF  }
0xa7: {  	s28 =	simm.s32 $_size_execute0_lowered;
	s3 =	sadd.s32 s3, s5;
	[dreg:$0x0] =	wrdreg $0x0  }
0xa8: {  	s5 =	sshll.u32 s28, $0x1;
	[dreg:$0x2] =	wrdreg s3  }
0xa9: {  	[dreg:$0x3] =	wrdreg s5  }
0xaa: {  	[dreg:$0x4] =	wrdreg $0xC0  }
0xab: {  	_ =	task [dreg:s7], $0x5FFFF  }
0xac: {  	[dreg:$0x1] =	wrdreg $0xFFFFFFFF  }
0xad: {  	[dreg:$0x0] =	wrdreg $0x60  }
0xae: {  	[dreg:$0x2] =	wrdreg s24  }
0xaf: {  	[dreg:$0x3] =	wrdreg s2  }
0xb0: {  	[dreg:$0x4] =	wrdreg $0x3200  }
0xb1: {  	[dreg:$0x5] =	wrdreg $0x9  }
0xb2: {  	_ =	task.clear_ibuf [dreg:s7], $0x6FFFF;
	_ =	strace $0x90000046  }
0xb3: {  	s29 =	simm.s32 $0x9;
	_ =	strace $0x80000048  }
0xb4: {  	_ =	swait.ge [sflag:s29], $0x1  }
0xb5: {  	[sflag:s29] =	ssyncadd.s32 $0xFFFFFFFF  }
0xb6: {  	_ =	strace $0x90000048  }
0xb7: {  	_ =	sfence  }
0xb8: {  	s30 =	sld [smem:$0x0];
	_ =	sdelay $0x2  }
0xb9: {  	s31 =	sshll.u32 s1, $0xD;
	s1 =	sshrl.u32 s1, $0x2  }
0xba: {  	s3 =	sand.u32 $0x4000, s31;
	s1 =	sadd.s32 s1, s30  }
0xbb: {  	s0 =	sor.u32 s3, s0;
	s1 =	sshll.u32 s1, $0x11  }
0xbc: {  	s0 =	sor.u32 s1, s0  }
0xbd: {  	s0 =	sadd.s32 $0x8F2B, s0  }
0xbe: {  	[sflag:s0] =	ssyncadd.remote.s32 $0x1  }
0xbf: {  	_ =	sfence.sel $0xFFFF  }
0xc0: {  	[dreg:$0x0] =	wrdreg $0xFFFFFFFF;
	(pc) =	sbr.abs _section_cstart, $3  }
0xc1: {  	[dreg:$0x1] =	wrdreg $0xFFFFFFFF  }
0xc2: {  	_ =	task.clear_ibuf [dreg:s7], $0x2FFFF;
	_ =	strace $0x9FFFFFFF  }
0xc3: {  	(tm) =	ssettm $0x7FFFFFFF  }
tec
execute0_lowered:
.L_overlay_start_1:
0x0: {  	(tag) =	ssettag $0x1  }
0x1: {  	s4 =	rddreg [dreg:$0x0]  }
0x2: {  	s1 =	srdreg.scid;
	s7 =	rddreg [dreg:$0x1]  }
0x3: {  	s0 =	stileid.u32;
	s2 =	rddreg [dreg:$0x2]  }
0x4: {  	s3 =	simm.s32 $0x0;
	s14 =	simm.s32 $0x0;
	s6 =	smul.u32 $0x4E20, s0  }
0x5: {  	s5 =	sand.u32 $0x1, s1;
	s1 =	rddreg [dreg:$0x3];
	s9 =	smul.u32 $0x280, s0  }
0x6: {  	[smem:$0x7FF] =	sst s3;
	s12 =	sshll.u32 s0, $0x6;
	s8 =	smul.u32 $0x2710, s5  }
0x7: {  	s10 =	smul.u32 $0x2800, s5;
	_ =	strace $0x80000047;
	s5 =	ssub.s32 $0x2, s5  }
0x8: {  	s12 =	sor.u32 $0x1C01, s12;
	s31 =	sshrl.u32 s5, $0x1;
	s6 =	sadd.s32 s8, s6  }
0x9: {  	s28 =	sadd.s32 s9, s10;
	s8 =	ssub.s32 s5, s31;
	s29 =	sshrl.u32 s6, $0x3  }
0xa: {  	s10 =	simm.s32 $0x1;
	s30 =	sshrl.u32 s28, $0x3;
	s11 =	sadd.s32 s29, s4  }
0xb: {  	s6 =	sadd.s32 s30, s4;
	s4 =	sadd.s32 s9, s2;
	s7 =	sadd.s32 s29, s7  }
0xc: {  	s9 =	simm.s32 $0xA0;
	s5 =	sadd.s32 $0x17800, s6;
	s6 =	smax.u32 s8, $0x1  }
0xd: {  	v0 =	vimm.f32 $0.0e+00;
	s8 =	sadd.s32 $0xDA00, s11;
	s11 =	simm.s32 $0x50;
	s13 =	sshrl.u32 s4, $0x3  }
.LBB2_1:
0xe: {  	[tilespmem:$0xA0] =	vst v0  }
0xf: {  	[tilespmem:$0xB0] =	vst v0  }
0x10: {  	[tilespmem:$0xC0] =	vst v0  }
0x11: {  	[tilespmem:$0xD0] =	vst v0  }
0x12: {  	[tilespmem:$0xE0] =	vst v0  }
0x13: {  	[tilespmem:$0xF0] =	vst v0  }
0x14: {  	[tilespmem:$0x100] =	vst v0  }
0x15: {  	[tilespmem:$0x110] =	vst v0  }
0x16: {  	[tilespmem:$0x120] =	vst v0  }
0x17: {  	[tilespmem:$0x130] =	vst v0  }
0x18: {  	[tilespmem:$0x140] =	vst v0  }
0x19: {  	[tilespmem:$0x150] =	vst v0  }
0x1a: {  	[tilespmem:$0x160] =	vst v0  }
0x1b: {  	[tilespmem:$0x170] =	vst v0  }
0x1c: {  	[tilespmem:$0x180] =	vst v0  }
0x1d: {  	[tilespmem:$0x190] =	vst v0  }
0x1e: {  	[tilespmem:$0x1A0] =	vst v0  }
0x1f: {  	[tilespmem:$0x1B0] =	vst v0  }
0x20: {  	[tilespmem:$0x1C0] =	vst v0  }
0x21: {  	[tilespmem:$0x1D0] =	vst v0  }
0x22: {  	[tilespmem:$0x1E0] =	vst v0  }
0x23: {  	[tilespmem:$0x1F0] =	vst v0  }
0x24: {  	[tilespmem:$0x200] =	vst v0  }
0x25: {  	[tilespmem:$0x210] =	vst v0  }
0x26: {  	[tilespmem:$0x220] =	vst v0  }
0x27: {  	[tilespmem:$0x230] =	vst v0  }
0x28: {  	[tilespmem:$0x240] =	vst v0  }
0x29: {  	[tilespmem:$0x250] =	vst v0  }
0x2a: {  	[tilespmem:$0x260] =	vst v0  }
0x2b: {  	[tilespmem:$0x270] =	vst v0  }
0x2c: {  	[tilespmem:$0x280] =	vst v0  }
0x2d: {  	[tilespmem:$0x290] =	vst v0  }
0x2e: {  	[tilespmem:$0x2A0] =	vst v0  }
0x2f: {  	[tilespmem:$0x2B0] =	vst v0  }
0x30: {  	[tilespmem:$0x2C0] =	vst v0  }
0x31: {  	[tilespmem:$0x2D0] =	vst v0  }
0x32: {  	[tilespmem:$0x2E0] =	vst v0  }
0x33: {  	[tilespmem:$0x2F0] =	vst v0  }
0x34: {  	[tilespmem:$0x300] =	vst v0  }
0x35: {  	[tilespmem:$0x310] =	vst v0  }
0x36: {  	[spmem:s4] =	stream.linear.scatter [tilespmem:s9], [sflag:$0x1], $0x280, $0x38;
	[tilespmem:$0x5A0] =	vst v63  }
0x37: {  	_ =	swait.ge [sflag:s10], $0x280  }
0x38: {  	[sflag:s10] =	ssyncset.done $0x0  }
0x39: {  	[sflag:s10] =	ssyncadd.s32 $0xFFFFFD80  }
0x3a: {  	s15 =	sadd.s32 $0x0, s8;
	[bflag:$0x0] =	sbarrier.arrive $0xFFFF  }
0x3b: {  	[tilespmem:s3], [sflag:$0x1] =	stream.linear.gather [hbm4b:s15+s3], $0x50, $0x38;
	[tilespmem:$0x5A0] =	vst v63  }
0x3c: {  	_ =	swait.ge [sflag:s10], $0x50  }
0x3d: {  	[sflag:s10] =	ssyncset.done $0x0  }
0x3e: {  	s31 =	sadd.s32 $0x0, s7;
	[sflag:s10] =	ssyncadd.s32 $0xFFFFFFB0  }
0x3f: {  	[tilespmem:s11], [sflag:$0x1] =	stream.linear.gather [hbm4b:s31+s3], $0x50, $0x38;
	[tilespmem:$0x5A0] =	vst v63  }
0x40: {  	_ =	swait.ge [sflag:s10], $0x50  }
0x41: {  	[sflag:s10] =	ssyncset.done $0x0  }
0x42: {  	[sflag:s10] =	ssyncadd.s32 $0xFFFFFFB0  }
0x43: {  	[spmem:s2] =	stream.indirect.scatter.add.f32 [tilespmem:s11], [sflag:$0x1], $0x1, s3, s11, $0xb8;
	[tilespmem:$0x5A0] =	vst v63  }
0x44: {  	_ =	swait.ge [sflag:s10], $0x50  }
0x45: {  	s16 =	simm.s32 $0x14;
	s15 =	simm.s32 $0xA;
	[sflag:s10] =	ssyncset.done $0x0  }
.LBB2_2:
0x46: {  	s17 =	sadd.s32 s15, s8  }
0x47: {  	[sflag:s10] =	ssyncadd.s32 $0xFFFFFFB0;
	s18 =	smov.u32 s16;
	s19 =	sadd.s32 $0xA, s16  }
0x48: {  	[tilespmem:s3], [sflag:$0x1] =	stream.linear.gather [hbm4b:s17+s3], $0x50, $0x38;
	[tilespmem:$0x5A0] =	vst v63  }
0x49: {  	p0 =	sne.s32 s16, $0x4D8;
	_ =	swait.ge [sflag:s10], $0x50  }
0x4a: {  	[sflag:s10] =	ssyncset.done $0x0  }
0x4b: {  	s16 =	sadd.s32 s15, s7;
	s15 =	smov.u32 s18;
	[sflag:s10] =	ssyncadd.s32 $0xFFFFFFB0  }
0x4c: {  	[tilespmem:s11], [sflag:$0x1] =	stream.linear.gather [hbm4b:s16+s3], $0x50, $0x38;
	[tilespmem:$0x5A0] =	vst v63  }
0x4d: {  	_ =	swait.ge [sflag:s10], $0x50  }
.Ltmp0:
0x4e: {  	[sflag:s10] =	ssyncset.done $0x0;
	(pc) =	sbr.rel @p0 .LBB2_2-.Ltmp0, $4  }
0x4f: {  	[sflag:s10] =	ssyncadd.s32 $0xFFFFFFB0  }
0x50: {  	[spmem:s2] =	stream.indirect.scatter.add.f32 [tilespmem:s11], [sflag:$0x1], $0x1, s3, s11, $0xb8;
	[tilespmem:$0x5A0] =	vst v63  }
0x51: {  	_ =	swait.ge [sflag:s10], $0x50  }
0x52: {  	s16 =	smov.u32 s19;
	[sflag:s10] =	ssyncset.done $0x0  }
0x53: {  	s16 =	sadd.s32 s15, s8;
	[sflag:s10] =	ssyncadd.s32 $0xFFFFFFB0  }
0x54: {  	[tilespmem:s3], [sflag:$0x1] =	stream.linear.gather [hbm4b:s16+s3], $0x50, $0x38;
	[tilespmem:$0x5A0] =	vst v63  }
0x55: {  	_ =	swait.ge [sflag:s10], $0x50  }
0x56: {  	[sflag:s10] =	ssyncset.done $0x0  }
0x57: {  	s31 =	sadd.s32 s15, s7;
	[sflag:s10] =	ssyncadd.s32 $0xFFFFFFB0  }
0x58: {  	[tilespmem:s11], [sflag:$0x1] =	stream.linear.gather [hbm4b:s31+s3], $0x50, $0x38;
	[tilespmem:$0x5A0] =	vst v63  }
0x59: {  	_ =	swait.ge [sflag:s10], $0x50  }
0x5a: {  	[sflag:s10] =	ssyncset.done $0x0  }
0x5b: {  	[sflag:s10] =	ssyncadd.s32 $0xFFFFFFB0  }
0x5c: {  	[spmem:s2] =	stream.indirect.scatter.add.f32 [tilespmem:s11], [sflag:$0x1], $0x1, s3, s11, $0xb8;
	[tilespmem:$0x5A0] =	vst v63  }
0x5d: {  	_ =	swait.ge [sflag:s10], $0x50  }
0x5e: {  	s14 =	sadd.s32 $0x1, s14;
	[sflag:s10] =	ssyncset.done $0x0  }
0x5f: {  	p0 =	sne.s32 s14, s6;
	[sflag:s10] =	ssyncadd.s32 $0xFFFFFFB0  }
.Ltmp1:
0x60: {  	[bflag:$0x0] =	sbarrier.arrive $0xFFFF;
	(pc) =	sbr.rel @p0 .LBB2_1-.Ltmp1, $4  }
0x61: {  	[hbm:s5], [sflag:s12] =	dma.local [spmem:s13], $0x50  }
0x62: {  	_ =	swait.ge [sflag:s10], $0x50  }
0x63: {  	[sflag:s10] =	ssyncset.done $0x0  }
0x64: {  	[sflag:s10] =	ssyncadd.s32 $0xFFFFFFB0  }
0x65: {  	_ =	sfence.sel $0x180000  }
0x66: {  	[bflag:$0x0] =	sbarrier.arrive $0xFFFF  }
0x67: {  	p0 =	sne.s32 s0, $0x0;
	_ =	strace $0x90000047  }
0x68: {  	s0 =	sadd.s32 @!p0 $0x100000, s1;
	[bflag:$0x2] =	sbarrier.arrive $0xFFFF  }
0x69: {  	[sflag:s0] =	ssyncadd.tile.s32 @!p0 $0x1;
	_ =	shalt  }
.Lfunc_end2:
_tile_overlayer_lowered:
.L_overlay_start_2:
0x6a: {  	(tag) =	ssettag $0x2  }
0x6b: {  	s0 =	rddreg [dreg:$0x0];
	s2 =	stileid.u32  }
0x6c: {  	s1 =	rddreg [dreg:$0x1];
	p0 =	sne.s32 s2, $0x0  }
0x6d: {  	s3 =	rddreg [dreg:$0x2];
	[bflag:$0x3] =	sbarrier.arrive $0xFFFF;
	s2 =	simm.s32 @!p0 $0x1C01  }
0x6e: {  	[timem:s3], [sflag:s2] =	dma.local @!p0 [hbm:s0], s1  }
0x6f: {  	s0 =	simm.s32 @!p0 $0x1  }
0x70: {  	_ =	swait.ge @!p0 [sflag:s0], s1  }
0x71: {  	s1 =	ssub.s32 @!p0 $0x0, s1;
	[sflag:s0] =	ssyncset.done @!p0 $0x0  }
0x72: {  	[sflag:s0] =	ssyncadd.s32 @!p0 s1  }
0x73: {  	[bflag:$0x3] =	sbarrier.arrive $0xFFFF  }
0x74: {  	_ =	shalt  }

// kernel: kernel.21.cloned.1.call-start
scs
__scs_entry_jumppad:
0x0: {  	(pc) =	sbr.rel $0x88, $3  }
0x1: {  	(tag) =	ssettag $0x0;
	lr =	simm.s32 $0x1  }
0x2: {  	[smem:$0x3F90] =	sst lr;
	_ =	strace $0xD0000000  }
0x3: {  	_ = 	snop  }
0x4: {  	_ = 	snop  }
0x5: {  	_ = 	snop  }
0x6: {  	_ = 	snop  }
0x7: {  	_ = 	snop  }
__scs_overlays_trampoline_lowered:
0x8: {  	[smem:$0x3F9F] =	sst s0  }
0x9: {  	[smem:$0x3FA0] =	sst s1  }
0xa: {  	[smem:$0x3FA1] =	sst s2  }
0xb: {  	[smem:$0x3FA2] =	sst s3  }
0xc: {  	[smem:$0x3FA3] =	sst s4  }
0xd: {  	[smem:$0x3FA4] =	sst s5  }
0xe: {  	[smem:$0x3FA5] =	sst s6  }
0xf: {  	[smem:$0x3FA6] =	sst s7  }
0x10: {  	[smem:$0x3FA7] =	sst s8  }
0x11: {  	[smem:$0x3FA8] =	sst s9;
	s0 =	simm.s32 @!p0 $0x0  }
0x12: {  	s1 =	sld [smem:$0x3F8E];
	s0 =	simm.s32 @p0 $0x1  }
0x13: {  	[smem:$0x3FA9] =	sst s0;
	s0 =	simm.s32 @!p1 $0x0  }
0x14: {  	s2 =	sld [smem:$0x3F8D];
	s0 =	simm.s32 @p1 $0x1  }
0x15: {  	[smem:$0x3FAA] =	sst s0;
	s0 =	simm.s32 @!p2 $0x0  }
0x16: {  	s3 =	sld [smem:$0x3FDB];
	s0 =	simm.s32 @p2 $0x1  }
0x17: {  	s4 =	simm.s32 $0x1BF5;
	[smem:$0x3FAC] =	sst s0  }
0x18: {  	s0 =	sld [smem:$0x3F8F];
	_ =	swait.ge [sflag:s4], $0x0  }
0x19: {  	s7 =	sld [smem:$0x3F90]  }
0x1a: {  	s8 =	sadd.s32 $0xFFFFE003, lr  }
0x1b: {  	s9 =	sadd.s32 $0xFFFFFEF7, lr;
	s5 =	simm.s32 $0xFFFFFFFF;
	p2 =	slt.u32 s8, $0xFFFFF086  }
0x1c: {  	p1 =	slt.u32 s9, $0xF7A;
	s5 =	simm.s32 @!p2 $0x0  }
0x1d: {  	s5 =	simm.s32 @p1 $0x1;
	p0 =	seq.s32 s7, s2  }
0x1e: {  	s7 =	smul.u32 @!p0 $0xF7A, s2;
	p2 =	seq.s32 @!p0 s5, $0x0  }
0x1f: {  	s9 =	smul.u32 $0xF7A, s1;
	s8 =	simm.s32 @!p0 $0x1BF5;
	p2 =	por !p2, p0  }
0x20: {  	[sflag:s8] =	ssyncset.s32 @!p0 $0xFFFFF086;
	s6 =	sadd.s32 @!p0 s3, s7;
	s7 =	simm.s32 @!p0 $0x108  }
0x21: {  	s3 =	sadd.s32 s3, s9;
	s6 =	sadd.s32 @!p0 $0x88, s6;
	s7 =	simm.s32 @p2 $0x1082  }
0x22: {  	[simem:s7], [sflag:s8] =	dma.local @!p0 [hbm:s6], $0xF7A  }
0x23: {  	s9 =	sor.u32 $0xD0000000, s2;
	s6 =	simm.s32 $0x108;
	_ =	swait.ge @!p0 [sflag:s8], $0x0  }
0x24: {  	s3 =	sadd.s32 $0x88, s3;
	s6 =	simm.s32 @!p1 $0x1082;
	[sflag:s4] =	ssyncset.s32 $0xFFFFF086  }
0x25: {  	[simem:s6], [sflag:s4] =	dma.local [hbm:s3], $0xF7A  }
0x26: {  	[smem:$0x3F90] =	sst s1;
	(tag) =	ssettag s2;
	_ =	strace s9  }
0x27: {  	s1 =	sld [smem:$0x3FA0]  }
0x28: {  	s2 =	sld [smem:$0x3FA1]  }
0x29: {  	s4 =	sld [smem:$0x3FA3]  }
0x2a: {  	p0 =	seq.s32 s5, $0x0;
	s5 =	sld [smem:$0x3FA4]  }
0x2b: {  	s6 =	sld [smem:$0x3FA5]  }
0x2c: {  	s7 =	sld [smem:$0x3FA6]  }
0x2d: {  	s3 =	simm.s32 $0x108;
	s8 =	sld [smem:$0x3FA7]  }
0x2e: {  	s3 =	simm.s32 @!p0 $0x1082;
	s9 =	sld [smem:$0x3FA8]  }
0x2f: {  	lr =	sadd.s32 s0, s3;
	s0 =	sld [smem:$0x3F9F]  }
0x30: {  	s3 =	sld [smem:$0x3FA2]  }
0x31: {  	[smem:$0x3FAB] =	sst s10  }
0x32: {  	s10 =	sld [smem:$0x3FA9];
	_ =	sdelay $0x3  }
0x33: {  	p0 =	seq.s32 s10, $0x1;
	s10 =	sld [smem:$0x3FAB];
	_ =	sdelay $0x3  }
0x34: {  	[smem:$0x3FAB] =	sst s10  }
0x35: {  	s10 =	sld [smem:$0x3FAA];
	_ =	sdelay $0x3  }
0x36: {  	p1 =	seq.s32 s10, $0x1;
	s10 =	sld [smem:$0x3FAB];
	_ =	sdelay $0x3  }
0x37: {  	[smem:$0x3FAB] =	sst s10  }
0x38: {  	s10 =	sld [smem:$0x3FAC]  }
0x39: {  	_ = 	snop;
	(pc) =	sbr.ind lr, $3  }
0x3a: {  	_ = 	snop  }
0x3b: {  	_ = 	snop  }
0x3c: {  	p2 =	seq.s32 s10, $0x1;
	s10 =	sld [smem:$0x3FAB]  }
0x3d: {  	_ =	shalt  }
0x3e: {  	_ =	shalt  }
0x3f: {  	_ =	shalt  }
0x40: {  	_ =	shalt  }
0x41: {  	_ =	shalt  }
0x42: {  	_ =	shalt  }
0x43: {  	_ =	shalt  }
0x44: {  	_ =	shalt  }
0x45: {  	_ =	shalt  }
0x46: {  	_ =	shalt  }
0x47: {  	_ =	shalt  }
0x48: {  	_ =	shalt  }
0x49: {  	_ =	shalt  }
0x4a: {  	_ =	shalt  }
0x4b: {  	_ =	shalt  }
0x4c: {  	_ =	shalt  }
0x4d: {  	_ =	shalt  }
0x4e: {  	_ =	shalt  }
0x4f: {  	_ =	shalt  }
0x50: {  	_ =	shalt  }
0x51: {  	_ =	shalt  }
0x52: {  	_ =	shalt  }
0x53: {  	_ =	shalt  }
0x54: {  	_ =	shalt  }
0x55: {  	_ =	shalt  }
0x56: {  	_ =	shalt  }
0x57: {  	_ =	shalt  }
0x58: {  	_ =	shalt  }
0x59: {  	_ =	shalt  }
0x5a: {  	_ =	shalt  }
0x5b: {  	_ =	shalt  }
0x5c: {  	_ =	shalt  }
0x5d: {  	_ =	shalt  }
0x5e: {  	_ =	shalt  }
0x5f: {  	_ =	shalt  }
0x60: {  	_ =	shalt  }
0x61: {  	_ =	shalt  }
0x62: {  	_ =	shalt  }
0x63: {  	_ =	shalt  }
0x64: {  	_ =	shalt  }
0x65: {  	_ =	shalt  }
0x66: {  	_ =	shalt  }
0x67: {  	_ =	shalt  }
0x68: {  	_ =	shalt  }
0x69: {  	_ =	shalt  }
0x6a: {  	_ =	shalt  }
0x6b: {  	_ =	shalt  }
0x6c: {  	_ =	shalt  }
0x6d: {  	_ =	shalt  }
0x6e: {  	_ =	shalt  }
0x6f: {  	_ =	shalt  }
0x70: {  	_ =	shalt  }
0x71: {  	_ =	shalt  }
0x72: {  	_ =	shalt  }
0x73: {  	_ =	shalt  }
0x74: {  	_ =	shalt  }
0x75: {  	_ =	shalt  }
0x76: {  	_ =	shalt  }
0x77: {  	_ =	shalt  }
0x78: {  	_ =	shalt  }
0x79: {  	_ =	shalt  }
0x7a: {  	_ =	shalt  }
0x7b: {  	_ =	shalt  }
0x7c: {  	_ =	shalt  }
0x7d: {  	_ =	shalt  }
0x7e: {  	_ =	shalt  }
0x7f: {  	_ =	shalt  }
0x80: {  	_ =	shalt  }
0x81: {  	_ =	shalt  }
0x82: {  	_ =	shalt  }
0x83: {  	_ =	shalt  }
0x84: {  	_ =	shalt  }
0x85: {  	_ =	shalt  }
0x86: {  	_ =	shalt  }
0x87: {  	_ =	shalt  }
.Lfunc_end0:
.L_simem_size_0:
called_computation.1_lowered:
.L_overlay_start_0:
0x88: {  	s2 =	sld [smem:$0x3FD9]  }
0x89: {  	s3 =	sld [smem:$0x3FFE];
	_ =	sdelay $0x1  }
0x8a: {  	s1 =	srdreg.scid  }
0x8b: {  	s0 =	sand.u32 $0x1, s1  }
0x8c: {  	s16 =	sshll.u32 s0, $0xA;
	s2 =	sadd.s32 s3, s2  }
0x8d: {  	s2 =	sadd.s32 s2, s16  }
0x8e: {  	[smem:$0x3FB7] =	sst s2  }
0x8f: {  	_ = 	snop  }
0x90: {  	(tm) =	ssettm $0x1  }
0x91: {  	s17 =	sld [smem:$0x3FFB];
	_ =	sdelay $0x3  }
0x92: {  	_ =	strace s17  }
0x93: {  	s2 =	sld [smem:$0x3FFC];
	_ =	sdelay $0x3  }
0x94: {  	_ =	strace s2  }
0x95: {  	s2 =	sld [smem:$0x3FFD];
	_ =	sdelay $0x3  }
0x96: {  	_ =	strace s2  }
0x97: {  	_ =	strace $0x8FFFFFFF  }
0x98: {  	s18 =	sld [smem:$0x3FDB];
	_ =	sdelay $0x1  }
0x99: {  	s19 =	simm.s32 $_scs_section_size  }
0x9a: {  	s4 =	simm.s32 $_size__tile_overlayer_lowered;
	s5 =	simm.s32 $_tile_overlayer_lowered  }
0x9b: {  	s22 =	simm.s32 $0x1BFF;
	s21 =	sshll.u32 s5, $0x1;
	s2 =	sadd.s32 s19, s18  }
0x9c: {  	s6 =	simm.s32 $0x0;
	s20 =	sshll.u32 s4, $0x1;
	s4 =	sadd.s32 s21, s2  }
0x9d: {  	[timem:s6], [sflag:s22] =	dma.local [hbm:s4], s20  }
0x9e: {  	_ =	swait.ge [sflag:s22], s20  }
0x9f: {  	s3 =	ssub.s32 $0x0, s20;
	[sflag:s22] =	ssyncset.done $0x0  }
0xa0: {  	[sflag:s22] =	ssyncadd.s32 s3;
	_ =	sdelay $0x1  }
0xa1: {  	s23 =	simm.s32 $0x1B8B  }
0xa2: {  	_ =	swait.ge [sflag:s23], $0x1  }
0xa3: {  	[sflag:s23] =	ssyncset.done $0x0  }
0xa4: {  	s25 =	simm.s32 $0x1B8E;
	s24 =	sld [smem:$0x3FFE];
	[sflag:s23] =	ssyncadd.s32 $0xFFFFFFFF  }
0xa5: {  	s26 =	simm.s32 $execute0_lowered;
	[smem:$0x3FD2] =	sst s25  }
0xa6: {  	s4 =	sshll.u32 s26, $0x1;
	_ =	strace $0x80000049;
	[dreg:$0x1] =	wrdreg $0xFFFFFFFF  }
0xa7: {  	s28 =	simm.s32 $_size_execute0_lowered;
	s2 =	sadd.s32 s2, s4;
	[dreg:$0x0] =	wrdreg $0x0  }
0xa8: {  	s4 =	sshll.u32 s28, $0x1;
	[dreg:$0x2] =	wrdreg s2  }
0xa9: {  	[dreg:$0x3] =	wrdreg s4  }
0xaa: {  	[dreg:$0x4] =	wrdreg $0xC0  }
0xab: {  	_ =	task [dreg:s6], $0x5FFFF  }
0xac: {  	[dreg:$0x1] =	wrdreg $0xFFFFFFFF  }
0xad: {  	[dreg:$0x0] =	wrdreg $0x60  }
0xae: {  	[dreg:$0x2] =	wrdreg s24  }
0xaf: {  	[dreg:$0x3] =	wrdreg $0xB4A00  }
0xb0: {  	[dreg:$0x4] =	wrdreg $0x9  }
0xb1: {  	_ =	task.clear_ibuf [dreg:s6], $0x5FFFF;
	_ =	strace $0x90000049  }
0xb2: {  	s29 =	simm.s32 $0x9;
	_ =	strace $0x8000004B  }
0xb3: {  	_ =	swait.ge [sflag:s29], $0x1  }
0xb4: {  	[sflag:s29] =	ssyncadd.s32 $0xFFFFFFFF  }
0xb5: {  	_ =	strace $0x9000004B  }
0xb6: {  	_ =	sfence  }
0xb7: {  	s30 =	sld [smem:$0x0];
	_ =	sdelay $0x2  }
0xb8: {  	s31 =	sshll.u32 s1, $0xD;
	s1 =	sshrl.u32 s1, $0x2  }
0xb9: {  	s3 =	sand.u32 $0x4000, s31;
	s1 =	sadd.s32 s1, s30  }
0xba: {  	s0 =	sor.u32 s3, s0;
	s1 =	sshll.u32 s1, $0x11  }
0xbb: {  	s0 =	sor.u32 s1, s0  }
0xbc: {  	s0 =	sadd.s32 $0x8F2B, s0  }
0xbd: {  	[sflag:s0] =	ssyncadd.remote.s32 $0x1  }
0xbe: {  	_ =	sfence.sel $0xFFFF  }
0xbf: {  	[dreg:$0x0] =	wrdreg $0xFFFFFFFF;
	(pc) =	sbr.abs _section_cstart, $3  }
0xc0: {  	[dreg:$0x1] =	wrdreg $0xFFFFFFFF  }
0xc1: {  	_ =	task.clear_ibuf [dreg:s6], $0x2FFFF;
	_ =	strace $0x9FFFFFFF  }
0xc2: {  	(tm) =	ssettm $0x7FFFFFFF  }
0xc3: {  	_ =	shalt  }
tec
execute0_lowered:
.L_overlay_start_1:
0x0: {  	(tag) =	ssettag $0x1  }
0x1: {  	s1 =	srdreg.scid;
	s5 =	rddreg [dreg:$0x0]  }
0x2: {  	s0 =	stileid.u32;
	s2 =	rddreg [dreg:$0x1]  }
0x3: {  	s3 =	simm.s32 $0x0;
	s11 =	simm.s32 $0x2;
	s12 =	simm.s32 $0x50  }
0x4: {  	s13 =	simm.s32 $0xA0;
	s14 =	simm.s32 $0x1;
	s7 =	smul.u32 $0x4E20, s0  }
0x5: {  	s6 =	sand.u32 $0x1, s1;
	s1 =	rddreg [dreg:$0x2];
	s9 =	smul.u32 $0xA000, s0  }
0x6: {  	s17 =	simm.s32 $0x0;
	[smem:$0x7FF] =	sst s3;
	s8 =	smul.u32 $0x2710, s6  }
0x7: {  	s4 =	sadd.s32 $0x17800, s5;
	s15 =	sshll.u32 s0, $0x6;
	s10 =	smul.u32 $0xA0000, s6  }
0x8: {  	_ =	strace $0x8000004A;
	s6 =	ssub.s32 $0x2, s6;
	s15 =	sor.u32 $0x1C02, s15  }
0x9: {  	s30 =	sshrl.u32 s6, $0x1;
	s7 =	sadd.s32 s8, s7;
	s26 =	sadd.s32 s9, s10  }
0xa: {  	s31 =	ssub.s32 s6, s30;
	s7 =	sshrl.u32 s7, $0x3;
	s8 =	sshrl.u32 s26, $0x3  }
0xb: {  	s10 =	simm.s32 $0x14A0;
	s28 =	sadd.s32 s7, s5;
	s29 =	sadd.s32 s8, s5  }
0xc: {  	s5 =	sadd.s32 s9, s2;
	s7 =	smax.u32 s31, $0x1;
	s6 =	sadd.s32 $0x2B800, s29  }
0xd: {  	v0 =	vimm.f32 $0.0e+00;
	s8 =	sadd.s32 $0xDA00, s28;
	s9 =	sadd.s32 $0x3C00, s28;
	s16 =	sshrl.u32 s5, $0x3  }
.LBB2_1:
0xe: {  	s19 =	simm.s32 $0x100;
	s18 =	simm.s32 $0x0  }
.LBB2_2:
0xf: {  	p0 =	sne.s32 s19, $0x27F00;
	[tilespmem:s18+$0x14D0] =	vst v0;
	s20 =	smov.u32 s19;
	s19 =	sadd.s32 $0x100, s19  }
.Ltmp0:
0x10: {  	[tilespmem:s18+$0x14C0] =	vst v0;
	(pc) =	sbr.rel @p0 .LBB2_2-.Ltmp0, $3  }
0x11: {  	[tilespmem:s18+$0x14A0] =	vst v0  }
0x12: {  	[tilespmem:s18+$0x14B0] =	vst v0;
	_ =	sdelay $0x1  }
0x13: {  	s18 =	sshra.s32 s20, $0x2  }
0x14: {  	[tilespmem:s18+$0x14D0] =	vst v0  }
0x15: {  	[tilespmem:s18+$0x14C0] =	vst v0  }
0x16: {  	[tilespmem:s18+$0x14A0] =	vst v0  }
0x17: {  	[tilespmem:s18+$0x14B0] =	vst v0  }
0x18: {  	[spmem:s5] =	stream.linear.scatter [tilespmem:s10], [sflag:$0x2], $0xA000, $0x38;
	[tilespmem:$0x154A0] =	vst v63  }
0x19: {  	_ =	swait.ge [sflag:s11], $0xA000  }
0x1a: {  	[sflag:s11] =	ssyncset.done $0x0  }
0x1b: {  	[sflag:s11] =	ssyncadd.s32 $0xFFFF6000  }
0x1c: {  	s30 =	sadd.s32 $0x0, s9;
	[bflag:$0x0] =	sbarrier.arrive $0xFFFF  }
0x1d: {  	[tilespmem:s3], [sflag:$0x2] =	stream.linear.gather [hbm4b:s30+s3], $0x50, $0x38;
	[tilespmem:$0x154A0] =	vst v63  }
0x1e: {  	_ =	swait.ge [sflag:s11], $0x50  }
0x1f: {  	[sflag:s11] =	ssyncset.done $0x0  }
0x20: {  	s31 =	sadd.s32 $0x0, s8;
	[sflag:s11] =	ssyncadd.s32 $0xFFFFFFB0  }
0x21: {  	[tilespmem:s12], [sflag:$0x2] =	stream.linear.gather [hbm4b:s31+s3], $0x50, $0x38;
	[tilespmem:$0x154A0] =	vst v63  }
0x22: {  	_ =	swait.ge [sflag:s11], $0x50  }
0x23: {  	[sflag:s11] =	ssyncset.done $0x0  }
0x24: {  	[sflag:s11] =	ssyncadd.s32 $0xFFFFFFB0  }
0x25: {  	[tilespmem:s13], [sflag:$0x1] =	stream.indirect.gather [hbm4b:s4+s12], $0x40, s3, s12, $0xb8;
	[tilespmem:$0x154A0] =	vst v63  }
0x26: {  	_ =	swait.ge [sflag:s14], $0x1400  }
0x27: {  	[sflag:s14] =	ssyncset.done $0x0  }
0x28: {  	[sflag:s14] =	ssyncadd.s32 $0xFFFFEC00  }
0x29: {  	[spmem:s2] =	stream.indirect.scatter.add.f32 [tilespmem:s13], [sflag:$0x2], $0x40, s12, s12, $0xb8;
	[tilespmem:$0x154A0] =	vst v63  }
0x2a: {  	_ =	swait.ge [sflag:s11], $0x1400  }
0x2b: {  	s18 =	simm.s32 $0xA;
	s19 =	simm.s32 $0x14;
	[sflag:s11] =	ssyncset.done $0x0  }
.LBB2_4:
0x2c: {  	s20 =	sadd.s32 s18, s9  }
0x2d: {  	[sflag:s11] =	ssyncadd.s32 $0xFFFFEC00;
	s21 =	smov.u32 s19;
	s22 =	sadd.s32 $0xA, s19  }
0x2e: {  	[tilespmem:s3], [sflag:$0x2] =	stream.linear.gather [hbm4b:s20+s3], $0x50, $0x38;
	[tilespmem:$0x154A0] =	vst v63  }
0x2f: {  	p0 =	sne.s32 s19, $0x4D8;
	_ =	swait.ge [sflag:s11], $0x50  }
0x30: {  	[sflag:s11] =	ssyncset.done $0x0  }
0x31: {  	s19 =	sadd.s32 s18, s8;
	s18 =	smov.u32 s21;
	[sflag:s11] =	ssyncadd.s32 $0xFFFFFFB0  }
0x32: {  	[tilespmem:s12], [sflag:$0x2] =	stream.linear.gather [hbm4b:s19+s3], $0x50, $0x38;
	[tilespmem:$0x154A0] =	vst v63  }
0x33: {  	_ =	swait.ge [sflag:s11], $0x50  }
0x34: {  	[sflag:s11] =	ssyncset.done $0x0  }
0x35: {  	[sflag:s11] =	ssyncadd.s32 $0xFFFFFFB0  }
0x36: {  	[tilespmem:s13], [sflag:$0x1] =	stream.indirect.gather [hbm4b:s4+s12], $0x40, s3, s12, $0xb8;
	[tilespmem:$0x154A0] =	vst v63  }
0x37: {  	_ =	swait.ge [sflag:s14], $0x1400  }
.Ltmp1:
0x38: {  	[sflag:s14] =	ssyncset.done $0x0;
	(pc) =	sbr.rel @p0 .LBB2_4-.Ltmp1, $4  }
0x39: {  	[sflag:s14] =	ssyncadd.s32 $0xFFFFEC00  }
0x3a: {  	[spmem:s2] =	stream.indirect.scatter.add.f32 [tilespmem:s13], [sflag:$0x2], $0x40, s12, s12, $0xb8;
	[tilespmem:$0x154A0] =	vst v63  }
0x3b: {  	_ =	swait.ge [sflag:s11], $0x1400  }
0x3c: {  	s19 =	smov.u32 s22;
	[sflag:s11] =	ssyncset.done $0x0  }
0x3d: {  	s19 =	sadd.s32 s18, s9;
	[sflag:s11] =	ssyncadd.s32 $0xFFFFEC00  }
0x3e: {  	[tilespmem:s3], [sflag:$0x2] =	stream.linear.gather [hbm4b:s19+s3], $0x50, $0x38;
	[tilespmem:$0x154A0] =	vst v63  }
0x3f: {  	_ =	swait.ge [sflag:s11], $0x50  }
0x40: {  	[sflag:s11] =	ssyncset.done $0x0  }
0x41: {  	s31 =	sadd.s32 s18, s8;
	[sflag:s11] =	ssyncadd.s32 $0xFFFFFFB0  }
0x42: {  	[tilespmem:s12], [sflag:$0x2] =	stream.linear.gather [hbm4b:s31+s3], $0x50, $0x38;
	[tilespmem:$0x154A0] =	vst v63  }
0x43: {  	_ =	swait.ge [sflag:s11], $0x50  }
0x44: {  	[sflag:s11] =	ssyncset.done $0x0  }
0x45: {  	[sflag:s11] =	ssyncadd.s32 $0xFFFFFFB0  }
0x46: {  	[tilespmem:s13], [sflag:$0x1] =	stream.indirect.gather [hbm4b:s4+s12], $0x40, s3, s12, $0xb8;
	[tilespmem:$0x154A0] =	vst v63  }
0x47: {  	_ =	swait.ge [sflag:s14], $0x1400  }
0x48: {  	[sflag:s14] =	ssyncset.done $0x0  }
0x49: {  	[sflag:s14] =	ssyncadd.s32 $0xFFFFEC00  }
0x4a: {  	[spmem:s2] =	stream.indirect.scatter.add.f32 [tilespmem:s13], [sflag:$0x2], $0x40, s12, s12, $0xb8;
	[tilespmem:$0x154A0] =	vst v63  }
0x4b: {  	_ =	swait.ge [sflag:s11], $0x1400  }
0x4c: {  	s17 =	sadd.s32 $0x1, s17;
	[sflag:s11] =	ssyncset.done $0x0  }
0x4d: {  	p0 =	sne.s32 s17, s7;
	[sflag:s11] =	ssyncadd.s32 $0xFFFFEC00  }
.Ltmp2:
0x4e: {  	[bflag:$0x0] =	sbarrier.arrive $0xFFFF;
	(pc) =	sbr.rel @p0 .LBB2_1-.Ltmp2, $4  }
0x4f: {  	[hbm:s6], [sflag:s15] =	dma.local [spmem:s16], $0x1400  }
0x50: {  	_ =	swait.ge [sflag:s11], $0x1400  }
0x51: {  	[sflag:s11] =	ssyncset.done $0x0  }
0x52: {  	[sflag:s11] =	ssyncadd.s32 $0xFFFFEC00  }
0x53: {  	_ =	sfence.sel $0x180000  }
0x54: {  	[bflag:$0x0] =	sbarrier.arrive $0xFFFF  }
0x55: {  	p0 =	sne.s32 s0, $0x0;
	_ =	strace $0x9000004A  }
0x56: {  	s0 =	sadd.s32 @!p0 $0x100000, s1;
	[bflag:$0x2] =	sbarrier.arrive $0xFFFF  }
0x57: {  	[sflag:s0] =	ssyncadd.tile.s32 @!p0 $0x1;
	_ =	shalt  }
.Lfunc_end2:
_tile_overlayer_lowered:
.L_overlay_start_2:
0x58: {  	(tag) =	ssettag $0x2  }
0x59: {  	s0 =	rddreg [dreg:$0x0];
	s2 =	stileid.u32  }
0x5a: {  	s1 =	rddreg [dreg:$0x1];
	p0 =	sne.s32 s2, $0x0  }
0x5b: {  	s3 =	rddreg [dreg:$0x2];
	[bflag:$0x3] =	sbarrier.arrive $0xFFFF;
	s2 =	simm.s32 @!p0 $0x1C02  }
0x5c: {  	[timem:s3], [sflag:s2] =	dma.local @!p0 [hbm:s0], s1  }
0x5d: {  	s0 =	simm.s32 @!p0 $0x2  }
0x5e: {  	_ =	swait.ge @!p0 [sflag:s0], s1  }
0x5f: {  	s1 =	ssub.s32 @!p0 $0x0, s1;
	[sflag:s0] =	ssyncset.done @!p0 $0x0  }
0x60: {  	[sflag:s0] =	ssyncadd.s32 @!p0 s1  }
0x61: {  	[bflag:$0x3] =	sbarrier.arrive $0xFFFF  }
0x62: {  	_ =	shalt  }

// kernel: kernel.24.cloned.1.call-start
scs
__scs_entry_jumppad:
0x0: {  	(pc) =	sbr.rel $0x88, $3  }
0x1: {  	(tag) =	ssettag $0x0;
	lr =	simm.s32 $0x1  }
0x2: {  	[smem:$0x3F90] =	sst lr;
	_ =	strace $0xD0000000  }
0x3: {  	_ = 	snop  }
0x4: {  	_ = 	snop  }
0x5: {  	_ = 	snop  }
0x6: {  	_ = 	snop  }
0x7: {  	_ = 	snop  }
__scs_overlays_trampoline_lowered:
0x8: {  	[smem:$0x3F9F] =	sst s0  }
0x9: {  	[smem:$0x3FA0] =	sst s1  }
0xa: {  	[smem:$0x3FA1] =	sst s2  }
0xb: {  	[smem:$0x3FA2] =	sst s3  }
0xc: {  	[smem:$0x3FA3] =	sst s4  }
0xd: {  	[smem:$0x3FA4] =	sst s5  }
0xe: {  	[smem:$0x3FA5] =	sst s6  }
0xf: {  	[smem:$0x3FA6] =	sst s7  }
0x10: {  	[smem:$0x3FA7] =	sst s8  }
0x11: {  	[smem:$0x3FA8] =	sst s9;
	s0 =	simm.s32 @!p0 $0x0  }
0x12: {  	s1 =	sld [smem:$0x3F8E];
	s0 =	simm.s32 @p0 $0x1  }
0x13: {  	[smem:$0x3FA9] =	sst s0;
	s0 =	simm.s32 @!p1 $0x0  }
0x14: {  	s2 =	sld [smem:$0x3F8D];
	s0 =	simm.s32 @p1 $0x1  }
0x15: {  	[smem:$0x3FAA] =	sst s0;
	s0 =	simm.s32 @!p2 $0x0  }
0x16: {  	s3 =	sld [smem:$0x3FDB];
	s0 =	simm.s32 @p2 $0x1  }
0x17: {  	s4 =	simm.s32 $0x1BF5;
	[smem:$0x3FAC] =	sst s0  }
0x18: {  	s0 =	sld [smem:$0x3F8F];
	_ =	swait.ge [sflag:s4], $0x0  }
0x19: {  	s7 =	sld [smem:$0x3F90]  }
0x1a: {  	s8 =	sadd.s32 $0xFFFFE003, lr  }
0x1b: {  	s9 =	sadd.s32 $0xFFFFFEF7, lr;
	s5 =	simm.s32 $0xFFFFFFFF;
	p2 =	slt.u32 s8, $0xFFFFF086  }
0x1c: {  	p1 =	slt.u32 s9, $0xF7A;
	s5 =	simm.s32 @!p2 $0x0  }
0x1d: {  	s5 =	simm.s32 @p1 $0x1;
	p0 =	seq.s32 s7, s2  }
0x1e: {  	s7 =	smul.u32 @!p0 $0xF7A, s2;
	p2 =	seq.s32 @!p0 s5, $0x0  }
0x1f: {  	s9 =	smul.u32 $0xF7A, s1;
	s8 =	simm.s32 @!p0 $0x1BF5;
	p2 =	por !p2, p0  }
0x20: {  	[sflag:s8] =	ssyncset.s32 @!p0 $0xFFFFF086;
	s6 =	sadd.s32 @!p0 s3, s7;
	s7 =	simm.s32 @!p0 $0x108  }
0x21: {  	s3 =	sadd.s32 s3, s9;
	s6 =	sadd.s32 @!p0 $0x88, s6;
	s7 =	simm.s32 @p2 $0x1082  }
0x22: {  	[simem:s7], [sflag:s8] =	dma.local @!p0 [hbm:s6], $0xF7A  }
0x23: {  	s9 =	sor.u32 $0xD0000000, s2;
	s6 =	simm.s32 $0x108;
	_ =	swait.ge @!p0 [sflag:s8], $0x0  }
0x24: {  	s3 =	sadd.s32 $0x88, s3;
	s6 =	simm.s32 @!p1 $0x1082;
	[sflag:s4] =	ssyncset.s32 $0xFFFFF086  }
0x25: {  	[simem:s6], [sflag:s4] =	dma.local [hbm:s3], $0xF7A  }
0x26: {  	[smem:$0x3F90] =	sst s1;
	(tag) =	ssettag s2;
	_ =	strace s9  }
0x27: {  	s1 =	sld [smem:$0x3FA0]  }
0x28: {  	s2 =	sld [smem:$0x3FA1]  }
0x29: {  	s4 =	sld [smem:$0x3FA3]  }
0x2a: {  	p0 =	seq.s32 s5, $0x0;
	s5 =	sld [smem:$0x3FA4]  }
0x2b: {  	s6 =	sld [smem:$0x3FA5]  }
0x2c: {  	s7 =	sld [smem:$0x3FA6]  }
0x2d: {  	s3 =	simm.s32 $0x108;
	s8 =	sld [smem:$0x3FA7]  }
0x2e: {  	s3 =	simm.s32 @!p0 $0x1082;
	s9 =	sld [smem:$0x3FA8]  }
0x2f: {  	lr =	sadd.s32 s0, s3;
	s0 =	sld [smem:$0x3F9F]  }
0x30: {  	s3 =	sld [smem:$0x3FA2]  }
0x31: {  	[smem:$0x3FAB] =	sst s10  }
0x32: {  	s10 =	sld [smem:$0x3FA9];
	_ =	sdelay $0x3  }
0x33: {  	p0 =	seq.s32 s10, $0x1;
	s10 =	sld [smem:$0x3FAB];
	_ =	sdelay $0x3  }
0x34: {  	[smem:$0x3FAB] =	sst s10  }
0x35: {  	s10 =	sld [smem:$0x3FAA];
	_ =	sdelay $0x3  }
0x36: {  	p1 =	seq.s32 s10, $0x1;
	s10 =	sld [smem:$0x3FAB];
	_ =	sdelay $0x3  }
0x37: {  	[smem:$0x3FAB] =	sst s10  }
0x38: {  	s10 =	sld [smem:$0x3FAC]  }
0x39: {  	_ = 	snop;
	(pc) =	sbr.ind lr, $3  }
0x3a: {  	_ = 	snop  }
0x3b: {  	_ = 	snop  }
0x3c: {  	p2 =	seq.s32 s10, $0x1;
	s10 =	sld [smem:$0x3FAB]  }
0x3d: {  	_ =	shalt  }
0x3e: {  	_ =	shalt  }
0x3f: {  	_ =	shalt  }
0x40: {  	_ =	shalt  }
0x41: {  	_ =	shalt  }
0x42: {  	_ =	shalt  }
0x43: {  	_ =	shalt  }
0x44: {  	_ =	shalt  }
0x45: {  	_ =	shalt  }
0x46: {  	_ =	shalt  }
0x47: {  	_ =	shalt  }
0x48: {  	_ =	shalt  }
0x49: {  	_ =	shalt  }
0x4a: {  	_ =	shalt  }
0x4b: {  	_ =	shalt  }
0x4c: {  	_ =	shalt  }
0x4d: {  	_ =	shalt  }
0x4e: {  	_ =	shalt  }
0x4f: {  	_ =	shalt  }
0x50: {  	_ =	shalt  }
0x51: {  	_ =	shalt  }
0x52: {  	_ =	shalt  }
0x53: {  	_ =	shalt  }
0x54: {  	_ =	shalt  }
0x55: {  	_ =	shalt  }
0x56: {  	_ =	shalt  }
0x57: {  	_ =	shalt  }
0x58: {  	_ =	shalt  }
0x59: {  	_ =	shalt  }
0x5a: {  	_ =	shalt  }
0x5b: {  	_ =	shalt  }
0x5c: {  	_ =	shalt  }
0x5d: {  	_ =	shalt  }
0x5e: {  	_ =	shalt  }
0x5f: {  	_ =	shalt  }
0x60: {  	_ =	shalt  }
0x61: {  	_ =	shalt  }
0x62: {  	_ =	shalt  }
0x63: {  	_ =	shalt  }
0x64: {  	_ =	shalt  }
0x65: {  	_ =	shalt  }
0x66: {  	_ =	shalt  }
0x67: {  	_ =	shalt  }
0x68: {  	_ =	shalt  }
0x69: {  	_ =	shalt  }
0x6a: {  	_ =	shalt  }
0x6b: {  	_ =	shalt  }
0x6c: {  	_ =	shalt  }
0x6d: {  	_ =	shalt  }
0x6e: {  	_ =	shalt  }
0x6f: {  	_ =	shalt  }
0x70: {  	_ =	shalt  }
0x71: {  	_ =	shalt  }
0x72: {  	_ =	shalt  }
0x73: {  	_ =	shalt  }
0x74: {  	_ =	shalt  }
0x75: {  	_ =	shalt  }
0x76: {  	_ =	shalt  }
0x77: {  	_ =	shalt  }
0x78: {  	_ =	shalt  }
0x79: {  	_ =	shalt  }
0x7a: {  	_ =	shalt  }
0x7b: {  	_ =	shalt  }
0x7c: {  	_ =	shalt  }
0x7d: {  	_ =	shalt  }
0x7e: {  	_ =	shalt  }
0x7f: {  	_ =	shalt  }
0x80: {  	_ =	shalt  }
0x81: {  	_ =	shalt  }
0x82: {  	_ =	shalt  }
0x83: {  	_ =	shalt  }
0x84: {  	_ =	shalt  }
0x85: {  	_ =	shalt  }
0x86: {  	_ =	shalt  }
0x87: {  	_ =	shalt  }
.Lfunc_end0:
.L_simem_size_0:
called_computation.2_lowered:
.L_overlay_start_0:
0x88: {  	s2 =	sld [smem:$0x3FD9]  }
0x89: {  	s3 =	sld [smem:$0x3FFE];
	_ =	sdelay $0x1  }
0x8a: {  	s1 =	srdreg.scid  }
0x8b: {  	s0 =	sand.u32 $0x1, s1  }
0x8c: {  	s16 =	sshll.u32 s0, $0xA;
	s2 =	sadd.s32 s3, s2  }
0x8d: {  	s2 =	sadd.s32 s2, s16  }
0x8e: {  	[smem:$0x3FB7] =	sst s2  }
0x8f: {  	_ = 	snop  }
0x90: {  	(tm) =	ssettm $0x1  }
0x91: {  	s17 =	sld [smem:$0x3FFB];
	_ =	sdelay $0x3  }
0x92: {  	_ =	strace s17  }
0x93: {  	s2 =	sld [smem:$0x3FFC];
	_ =	sdelay $0x3  }
0x94: {  	_ =	strace s2  }
0x95: {  	s2 =	sld [smem:$0x3FFD];
	_ =	sdelay $0x3  }
0x96: {  	_ =	strace s2  }
0x97: {  	_ =	strace $0x8FFFFFFF  }
0x98: {  	s18 =	sld [smem:$0x3FDB];
	_ =	sdelay $0x1  }
0x99: {  	s19 =	simm.s32 $_scs_section_size  }
0x9a: {  	s4 =	simm.s32 $_size__tile_overlayer_lowered;
	s5 =	simm.s32 $_tile_overlayer_lowered  }
0x9b: {  	s22 =	simm.s32 $0x1BFF;
	s21 =	sshll.u32 s5, $0x1;
	s2 =	sadd.s32 s19, s18  }
0x9c: {  	s6 =	simm.s32 $0x0;
	s20 =	sshll.u32 s4, $0x1;
	s4 =	sadd.s32 s21, s2  }
0x9d: {  	[timem:s6], [sflag:s22] =	dma.local [hbm:s4], s20  }
0x9e: {  	_ =	swait.ge [sflag:s22], s20  }
0x9f: {  	s3 =	ssub.s32 $0x0, s20;
	[sflag:s22] =	ssyncset.done $0x0  }
0xa0: {  	[sflag:s22] =	ssyncadd.s32 s3;
	_ =	sdelay $0x1  }
0xa1: {  	s23 =	simm.s32 $0x1B8B  }
0xa2: {  	_ =	swait.ge [sflag:s23], $0x1  }
0xa3: {  	[sflag:s23] =	ssyncset.done $0x0  }
0xa4: {  	s25 =	simm.s32 $0x1B8E;
	s24 =	sld [smem:$0x3FFE];
	[sflag:s23] =	ssyncadd.s32 $0xFFFFFFFF  }
0xa5: {  	s26 =	simm.s32 $execute0_lowered;
	[smem:$0x3FD2] =	sst s25  }
0xa6: {  	s4 =	sshll.u32 s26, $0x1;
	_ =	strace $0x8000004C;
	[dreg:$0x1] =	wrdreg $0xFFFFFFFF  }
0xa7: {  	s28 =	simm.s32 $_size_execute0_lowered;
	s2 =	sadd.s32 s2, s4;
	[dreg:$0x0] =	wrdreg $0x0  }
0xa8: {  	s4 =	sshll.u32 s28, $0x1;
	[dreg:$0x2] =	wrdreg s2  }
0xa9: {  	[dreg:$0x3] =	wrdreg s4  }
0xaa: {  	[dreg:$0x4] =	wrdreg $0xC0  }
0xab: {  	_ =	task [dreg:s6], $0x5FFFF  }
0xac: {  	[dreg:$0x1] =	wrdreg $0xFFFFFFFF  }
0xad: {  	[dreg:$0x0] =	wrdreg $0x60  }
0xae: {  	[dreg:$0x2] =	wrdreg s24  }
0xaf: {  	[dreg:$0x3] =	wrdreg $0xB4A00  }
0xb0: {  	[dreg:$0x4] =	wrdreg $0x9  }
0xb1: {  	_ =	task.clear_ibuf [dreg:s6], $0x5FFFF;
	_ =	strace $0x9000004C  }
0xb2: {  	s29 =	simm.s32 $0x9;
	_ =	strace $0x8000004E  }
0xb3: {  	_ =	swait.ge [sflag:s29], $0x1  }
0xb4: {  	[sflag:s29] =	ssyncadd.s32 $0xFFFFFFFF  }
0xb5: {  	_ =	strace $0x9000004E  }
0xb6: {  	_ =	sfence  }
0xb7: {  	s30 =	sld [smem:$0x0];
	_ =	sdelay $0x2  }
0xb8: {  	s31 =	sshll.u32 s1, $0xD;
	s1 =	sshrl.u32 s1, $0x2  }
0xb9: {  	s3 =	sand.u32 $0x4000, s31;
	s1 =	sadd.s32 s1, s30  }
0xba: {  	s0 =	sor.u32 s3, s0;
	s1 =	sshll.u32 s1, $0x11  }
0xbb: {  	s0 =	sor.u32 s1, s0  }
0xbc: {  	s0 =	sadd.s32 $0x8F2B, s0  }
0xbd: {  	[sflag:s0] =	ssyncadd.remote.s32 $0x1  }
0xbe: {  	_ =	sfence.sel $0xFFFF  }
0xbf: {  	[dreg:$0x0] =	wrdreg $0xFFFFFFFF;
	(pc) =	sbr.abs _section_cstart, $3  }
0xc0: {  	[dreg:$0x1] =	wrdreg $0xFFFFFFFF  }
0xc1: {  	_ =	task.clear_ibuf [dreg:s6], $0x2FFFF;
	_ =	strace $0x9FFFFFFF  }
0xc2: {  	(tm) =	ssettm $0x7FFFFFFF  }
0xc3: {  	_ =	shalt  }
tec
execute0_lowered:
.L_overlay_start_1:
0x0: {  	(tag) =	ssettag $0x1  }
0x1: {  	s1 =	srdreg.scid;
	s5 =	rddreg [dreg:$0x0]  }
0x2: {  	s0 =	stileid.u32;
	s2 =	rddreg [dreg:$0x1]  }
0x3: {  	s3 =	simm.s32 $0x0;
	s11 =	simm.s32 $0x2;
	s12 =	simm.s32 $0x50  }
0x4: {  	s13 =	simm.s32 $0xA0;
	s14 =	simm.s32 $0x1;
	s7 =	smul.u32 $0x4E20, s0  }
0x5: {  	s6 =	sand.u32 $0x1, s1;
	s1 =	rddreg [dreg:$0x2];
	s9 =	smul.u32 $0xA000, s0  }
0x6: {  	s17 =	simm.s32 $0x0;
	[smem:$0x7FF] =	sst s3;
	s8 =	smul.u32 $0x2710, s6  }
0x7: {  	s4 =	sadd.s32 $0x17800, s5;
	s15 =	sshll.u32 s0, $0x6;
	s10 =	smul.u32 $0xA0000, s6  }
0x8: {  	_ =	strace $0x8000004D;
	s6 =	ssub.s32 $0x2, s6;
	s15 =	sor.u32 $0x1C02, s15  }
0x9: {  	s30 =	sshrl.u32 s6, $0x1;
	s7 =	sadd.s32 s8, s7;
	s26 =	sadd.s32 s9, s10  }
0xa: {  	s31 =	ssub.s32 s6, s30;
	s7 =	sshrl.u32 s7, $0x3;
	s8 =	sshrl.u32 s26, $0x3  }
0xb: {  	s10 =	simm.s32 $0x14A0;
	s28 =	sadd.s32 s7, s5;
	s29 =	sadd.s32 s8, s5  }
0xc: {  	s5 =	sadd.s32 s9, s2;
	s7 =	smax.u32 s31, $0x1;
	s6 =	sadd.s32 $0x2B800, s29  }
0xd: {  	v0 =	vimm.f32 $0.0e+00;
	s8 =	sadd.s32 $0xDA00, s28;
	s9 =	sadd.s32 $0x3C00, s28;
	s16 =	sshrl.u32 s5, $0x3  }
.LBB2_1:
0xe: {  	s19 =	simm.s32 $0x100;
	s18 =	simm.s32 $0x0  }
.LBB2_2:
0xf: {  	p0 =	sne.s32 s19, $0x27F00;
	[tilespmem:s18+$0x14D0] =	vst v0;
	s20 =	smov.u32 s19;
	s19 =	sadd.s32 $0x100, s19  }
.Ltmp0:
0x10: {  	[tilespmem:s18+$0x14C0] =	vst v0;
	(pc) =	sbr.rel @p0 .LBB2_2-.Ltmp0, $3  }
0x11: {  	[tilespmem:s18+$0x14A0] =	vst v0  }
0x12: {  	[tilespmem:s18+$0x14B0] =	vst v0;
	_ =	sdelay $0x1  }
0x13: {  	s18 =	sshra.s32 s20, $0x2  }
0x14: {  	[tilespmem:s18+$0x14D0] =	vst v0  }
0x15: {  	[tilespmem:s18+$0x14C0] =	vst v0  }
0x16: {  	[tilespmem:s18+$0x14A0] =	vst v0  }
0x17: {  	[tilespmem:s18+$0x14B0] =	vst v0  }
0x18: {  	[spmem:s5] =	stream.linear.scatter [tilespmem:s10], [sflag:$0x2], $0xA000, $0x38;
	[tilespmem:$0x154A0] =	vst v63  }
0x19: {  	_ =	swait.ge [sflag:s11], $0xA000  }
0x1a: {  	[sflag:s11] =	ssyncset.done $0x0  }
0x1b: {  	[sflag:s11] =	ssyncadd.s32 $0xFFFF6000  }
0x1c: {  	s30 =	sadd.s32 $0x0, s9;
	[bflag:$0x0] =	sbarrier.arrive $0xFFFF  }
0x1d: {  	[tilespmem:s3], [sflag:$0x2] =	stream.linear.gather [hbm4b:s30+s3], $0x50, $0x38;
	[tilespmem:$0x154A0] =	vst v63  }
0x1e: {  	_ =	swait.ge [sflag:s11], $0x50  }
0x1f: {  	[sflag:s11] =	ssyncset.done $0x0  }
0x20: {  	s31 =	sadd.s32 $0x0, s8;
	[sflag:s11] =	ssyncadd.s32 $0xFFFFFFB0  }
0x21: {  	[tilespmem:s12], [sflag:$0x2] =	stream.linear.gather [hbm4b:s31+s3], $0x50, $0x38;
	[tilespmem:$0x154A0] =	vst v63  }
0x22: {  	_ =	swait.ge [sflag:s11], $0x50  }
0x23: {  	[sflag:s11] =	ssyncset.done $0x0  }
0x24: {  	[sflag:s11] =	ssyncadd.s32 $0xFFFFFFB0  }
0x25: {  	[tilespmem:s13], [sflag:$0x1] =	stream.indirect.gather [hbm4b:s4+s12], $0x40, s3, s12, $0xb8;
	[tilespmem:$0x154A0] =	vst v63  }
0x26: {  	_ =	swait.ge [sflag:s14], $0x1400  }
0x27: {  	[sflag:s14] =	ssyncset.done $0x0  }
0x28: {  	[sflag:s14] =	ssyncadd.s32 $0xFFFFEC00  }
0x29: {  	[spmem:s2] =	stream.indirect.scatter.add.f32 [tilespmem:s13], [sflag:$0x2], $0x40, s12, s12, $0xb8;
	[tilespmem:$0x154A0] =	vst v63  }
0x2a: {  	_ =	swait.ge [sflag:s11], $0x1400  }
0x2b: {  	s18 =	simm.s32 $0xA;
	s19 =	simm.s32 $0x14;
	[sflag:s11] =	ssyncset.done $0x0  }
.LBB2_4:
0x2c: {  	s20 =	sadd.s32 s18, s9  }
0x2d: {  	[sflag:s11] =	ssyncadd.s32 $0xFFFFEC00;
	s21 =	smov.u32 s19;
	s22 =	sadd.s32 $0xA, s19  }
0x2e: {  	[tilespmem:s3], [sflag:$0x2] =	stream.linear.gather [hbm4b:s20+s3], $0x50, $0x38;
	[tilespmem:$0x154A0] =	vst v63  }
0x2f: {  	p0 =	sne.s32 s19, $0x4D8;
	_ =	swait.ge [sflag:s11], $0x50  }
0x30: {  	[sflag:s11] =	ssyncset.done $0x0  }
0x31: {  	s19 =	sadd.s32 s18, s8;
	s18 =	smov.u32 s21;
	[sflag:s11] =	ssyncadd.s32 $0xFFFFFFB0  }
0x32: {  	[tilespmem:s12], [sflag:$0x2] =	stream.linear.gather [hbm4b:s19+s3], $0x50, $0x38;
	[tilespmem:$0x154A0] =	vst v63  }
0x33: {  	_ =	swait.ge [sflag:s11], $0x50  }
0x34: {  	[sflag:s11] =	ssyncset.done $0x0  }
0x35: {  	[sflag:s11] =	ssyncadd.s32 $0xFFFFFFB0  }
0x36: {  	[tilespmem:s13], [sflag:$0x1] =	stream.indirect.gather [hbm4b:s4+s12], $0x40, s3, s12, $0xb8;
	[tilespmem:$0x154A0] =	vst v63  }
0x37: {  	_ =	swait.ge [sflag:s14], $0x1400  }
.Ltmp1:
0x38: {  	[sflag:s14] =	ssyncset.done $0x0;
	(pc) =	sbr.rel @p0 .LBB2_4-.Ltmp1, $4  }
0x39: {  	[sflag:s14] =	ssyncadd.s32 $0xFFFFEC00  }
0x3a: {  	[spmem:s2] =	stream.indirect.scatter.add.f32 [tilespmem:s13], [sflag:$0x2], $0x40, s12, s12, $0xb8;
	[tilespmem:$0x154A0] =	vst v63  }
0x3b: {  	_ =	swait.ge [sflag:s11], $0x1400  }
0x3c: {  	s19 =	smov.u32 s22;
	[sflag:s11] =	ssyncset.done $0x0  }
0x3d: {  	s19 =	sadd.s32 s18, s9;
	[sflag:s11] =	ssyncadd.s32 $0xFFFFEC00  }
0x3e: {  	[tilespmem:s3], [sflag:$0x2] =	stream.linear.gather [hbm4b:s19+s3], $0x50, $0x38;
	[tilespmem:$0x154A0] =	vst v63  }
0x3f: {  	_ =	swait.ge [sflag:s11], $0x50  }
0x40: {  	[sflag:s11] =	ssyncset.done $0x0  }
0x41: {  	s31 =	sadd.s32 s18, s8;
	[sflag:s11] =	ssyncadd.s32 $0xFFFFFFB0  }
0x42: {  	[tilespmem:s12], [sflag:$0x2] =	stream.linear.gather [hbm4b:s31+s3], $0x50, $0x38;
	[tilespmem:$0x154A0] =	vst v63  }
0x43: {  	_ =	swait.ge [sflag:s11], $0x50  }
0x44: {  	[sflag:s11] =	ssyncset.done $0x0  }
0x45: {  	[sflag:s11] =	ssyncadd.s32 $0xFFFFFFB0  }
0x46: {  	[tilespmem:s13], [sflag:$0x1] =	stream.indirect.gather [hbm4b:s4+s12], $0x40, s3, s12, $0xb8;
	[tilespmem:$0x154A0] =	vst v63  }
0x47: {  	_ =	swait.ge [sflag:s14], $0x1400  }
0x48: {  	[sflag:s14] =	ssyncset.done $0x0  }
0x49: {  	[sflag:s14] =	ssyncadd.s32 $0xFFFFEC00  }
0x4a: {  	[spmem:s2] =	stream.indirect.scatter.add.f32 [tilespmem:s13], [sflag:$0x2], $0x40, s12, s12, $0xb8;
	[tilespmem:$0x154A0] =	vst v63  }
0x4b: {  	_ =	swait.ge [sflag:s11], $0x1400  }
0x4c: {  	s17 =	sadd.s32 $0x1, s17;
	[sflag:s11] =	ssyncset.done $0x0  }
0x4d: {  	p0 =	sne.s32 s17, s7;
	[sflag:s11] =	ssyncadd.s32 $0xFFFFEC00  }
.Ltmp2:
0x4e: {  	[bflag:$0x0] =	sbarrier.arrive $0xFFFF;
	(pc) =	sbr.rel @p0 .LBB2_1-.Ltmp2, $4  }
0x4f: {  	[hbm:s6], [sflag:s15] =	dma.local [spmem:s16], $0x1400  }
0x50: {  	_ =	swait.ge [sflag:s11], $0x1400  }
0x51: {  	[sflag:s11] =	ssyncset.done $0x0  }
0x52: {  	[sflag:s11] =	ssyncadd.s32 $0xFFFFEC00  }
0x53: {  	_ =	sfence.sel $0x180000  }
0x54: {  	[bflag:$0x0] =	sbarrier.arrive $0xFFFF  }
0x55: {  	p0 =	sne.s32 s0, $0x0;
	_ =	strace $0x9000004D  }
0x56: {  	s0 =	sadd.s32 @!p0 $0x100000, s1;
	[bflag:$0x2] =	sbarrier.arrive $0xFFFF  }
0x57: {  	[sflag:s0] =	ssyncadd.tile.s32 @!p0 $0x1;
	_ =	shalt  }
.Lfunc_end2:
_tile_overlayer_lowered:
.L_overlay_start_2:
0x58: {  	(tag) =	ssettag $0x2  }
0x59: {  	s0 =	rddreg [dreg:$0x0];
	s2 =	stileid.u32  }
0x5a: {  	s1 =	rddreg [dreg:$0x1];
	p0 =	sne.s32 s2, $0x0  }
0x5b: {  	s3 =	rddreg [dreg:$0x2];
	[bflag:$0x3] =	sbarrier.arrive $0xFFFF;
	s2 =	simm.s32 @!p0 $0x1C02  }
0x5c: {  	[timem:s3], [sflag:s2] =	dma.local @!p0 [hbm:s0], s1  }
0x5d: {  	s0 =	simm.s32 @!p0 $0x2  }
0x5e: {  	_ =	swait.ge @!p0 [sflag:s0], s1  }
0x5f: {  	s1 =	ssub.s32 @!p0 $0x0, s1;
	[sflag:s0] =	ssyncset.done @!p0 $0x0  }
0x60: {  	[sflag:s0] =	ssyncadd.s32 @!p0 s1  }
0x61: {  	[bflag:$0x3] =	sbarrier.arrive $0xFFFF  }
0x62: {  	_ =	shalt  }

// kernel: kernel.27.cloned.1.call-start
scs
__scs_entry_jumppad:
0x0: {  	(pc) =	sbr.rel $0x88, $3  }
0x1: {  	(tag) =	ssettag $0x0;
	lr =	simm.s32 $0x1  }
0x2: {  	[smem:$0x3F90] =	sst lr;
	_ =	strace $0xD0000000  }
0x3: {  	_ = 	snop  }
0x4: {  	_ = 	snop  }
0x5: {  	_ = 	snop  }
0x6: {  	_ = 	snop  }
0x7: {  	_ = 	snop  }
__scs_overlays_trampoline_lowered:
0x8: {  	[smem:$0x3F9F] =	sst s0  }
0x9: {  	[smem:$0x3FA0] =	sst s1  }
0xa: {  	[smem:$0x3FA1] =	sst s2  }
0xb: {  	[smem:$0x3FA2] =	sst s3  }
0xc: {  	[smem:$0x3FA3] =	sst s4  }
0xd: {  	[smem:$0x3FA4] =	sst s5  }
0xe: {  	[smem:$0x3FA5] =	sst s6  }
0xf: {  	[smem:$0x3FA6] =	sst s7  }
0x10: {  	[smem:$0x3FA7] =	sst s8  }
0x11: {  	[smem:$0x3FA8] =	sst s9;
	s0 =	simm.s32 @!p0 $0x0  }
0x12: {  	s1 =	sld [smem:$0x3F8E];
	s0 =	simm.s32 @p0 $0x1  }
0x13: {  	[smem:$0x3FA9] =	sst s0;
	s0 =	simm.s32 @!p1 $0x0  }
0x14: {  	s2 =	sld [smem:$0x3F8D];
	s0 =	simm.s32 @p1 $0x1  }
0x15: {  	[smem:$0x3FAA] =	sst s0;
	s0 =	simm.s32 @!p2 $0x0  }
0x16: {  	s3 =	sld [smem:$0x3FDB];
	s0 =	simm.s32 @p2 $0x1  }
0x17: {  	s4 =	simm.s32 $0x1BF5;
	[smem:$0x3FAC] =	sst s0  }
0x18: {  	s0 =	sld [smem:$0x3F8F];
	_ =	swait.ge [sflag:s4], $0x0  }
0x19: {  	s7 =	sld [smem:$0x3F90]  }
0x1a: {  	s8 =	sadd.s32 $0xFFFFE003, lr  }
0x1b: {  	s9 =	sadd.s32 $0xFFFFFEF7, lr;
	s5 =	simm.s32 $0xFFFFFFFF;
	p2 =	slt.u32 s8, $0xFFFFF086  }
0x1c: {  	p1 =	slt.u32 s9, $0xF7A;
	s5 =	simm.s32 @!p2 $0x0  }
0x1d: {  	s5 =	simm.s32 @p1 $0x1;
	p0 =	seq.s32 s7, s2  }
0x1e: {  	s7 =	smul.u32 @!p0 $0xF7A, s2;
	p2 =	seq.s32 @!p0 s5, $0x0  }
0x1f: {  	s9 =	smul.u32 $0xF7A, s1;
	s8 =	simm.s32 @!p0 $0x1BF5;
	p2 =	por !p2, p0  }
0x20: {  	[sflag:s8] =	ssyncset.s32 @!p0 $0xFFFFF086;
	s6 =	sadd.s32 @!p0 s3, s7;
	s7 =	simm.s32 @!p0 $0x108  }
0x21: {  	s3 =	sadd.s32 s3, s9;
	s6 =	sadd.s32 @!p0 $0x88, s6;
	s7 =	simm.s32 @p2 $0x1082  }
0x22: {  	[simem:s7], [sflag:s8] =	dma.local @!p0 [hbm:s6], $0xF7A  }
0x23: {  	s9 =	sor.u32 $0xD0000000, s2;
	s6 =	simm.s32 $0x108;
	_ =	swait.ge @!p0 [sflag:s8], $0x0  }
0x24: {  	s3 =	sadd.s32 $0x88, s3;
	s6 =	simm.s32 @!p1 $0x1082;
	[sflag:s4] =	ssyncset.s32 $0xFFFFF086  }
0x25: {  	[simem:s6], [sflag:s4] =	dma.local [hbm:s3], $0xF7A  }
0x26: {  	[smem:$0x3F90] =	sst s1;
	(tag) =	ssettag s2;
	_ =	strace s9  }
0x27: {  	s1 =	sld [smem:$0x3FA0]  }
0x28: {  	s2 =	sld [smem:$0x3FA1]  }
0x29: {  	s4 =	sld [smem:$0x3FA3]  }
0x2a: {  	p0 =	seq.s32 s5, $0x0;
	s5 =	sld [smem:$0x3FA4]  }
0x2b: {  	s6 =	sld [smem:$0x3FA5]  }
0x2c: {  	s7 =	sld [smem:$0x3FA6]  }
0x2d: {  	s3 =	simm.s32 $0x108;
	s8 =	sld [smem:$0x3FA7]  }
0x2e: {  	s3 =	simm.s32 @!p0 $0x1082;
	s9 =	sld [smem:$0x3FA8]  }
0x2f: {  	lr =	sadd.s32 s0, s3;
	s0 =	sld [smem:$0x3F9F]  }
0x30: {  	s3 =	sld [smem:$0x3FA2]  }
0x31: {  	[smem:$0x3FAB] =	sst s10  }
0x32: {  	s10 =	sld [smem:$0x3FA9];
	_ =	sdelay $0x3  }
0x33: {  	p0 =	seq.s32 s10, $0x1;
	s10 =	sld [smem:$0x3FAB];
	_ =	sdelay $0x3  }
0x34: {  	[smem:$0x3FAB] =	sst s10  }
0x35: {  	s10 =	sld [smem:$0x3FAA];
	_ =	sdelay $0x3  }
0x36: {  	p1 =	seq.s32 s10, $0x1;
	s10 =	sld [smem:$0x3FAB];
	_ =	sdelay $0x3  }
0x37: {  	[smem:$0x3FAB] =	sst s10  }
0x38: {  	s10 =	sld [smem:$0x3FAC]  }
0x39: {  	_ = 	snop;
	(pc) =	sbr.ind lr, $3  }
0x3a: {  	_ = 	snop  }
0x3b: {  	_ = 	snop  }
0x3c: {  	p2 =	seq.s32 s10, $0x1;
	s10 =	sld [smem:$0x3FAB]  }
0x3d: {  	_ =	shalt  }
0x3e: {  	_ =	shalt  }
0x3f: {  	_ =	shalt  }
0x40: {  	_ =	shalt  }
0x41: {  	_ =	shalt  }
0x42: {  	_ =	shalt  }
0x43: {  	_ =	shalt  }
0x44: {  	_ =	shalt  }
0x45: {  	_ =	shalt  }
0x46: {  	_ =	shalt  }
0x47: {  	_ =	shalt  }
0x48: {  	_ =	shalt  }
0x49: {  	_ =	shalt  }
0x4a: {  	_ =	shalt  }
0x4b: {  	_ =	shalt  }
0x4c: {  	_ =	shalt  }
0x4d: {  	_ =	shalt  }
0x4e: {  	_ =	shalt  }
0x4f: {  	_ =	shalt  }
0x50: {  	_ =	shalt  }
0x51: {  	_ =	shalt  }
0x52: {  	_ =	shalt  }
0x53: {  	_ =	shalt  }
0x54: {  	_ =	shalt  }
0x55: {  	_ =	shalt  }
0x56: {  	_ =	shalt  }
0x57: {  	_ =	shalt  }
0x58: {  	_ =	shalt  }
0x59: {  	_ =	shalt  }
0x5a: {  	_ =	shalt  }
0x5b: {  	_ =	shalt  }
0x5c: {  	_ =	shalt  }
0x5d: {  	_ =	shalt  }
0x5e: {  	_ =	shalt  }
0x5f: {  	_ =	shalt  }
0x60: {  	_ =	shalt  }
0x61: {  	_ =	shalt  }
0x62: {  	_ =	shalt  }
0x63: {  	_ =	shalt  }
0x64: {  	_ =	shalt  }
0x65: {  	_ =	shalt  }
0x66: {  	_ =	shalt  }
0x67: {  	_ =	shalt  }
0x68: {  	_ =	shalt  }
0x69: {  	_ =	shalt  }
0x6a: {  	_ =	shalt  }
0x6b: {  	_ =	shalt  }
0x6c: {  	_ =	shalt  }
0x6d: {  	_ =	shalt  }
0x6e: {  	_ =	shalt  }
0x6f: {  	_ =	shalt  }
0x70: {  	_ =	shalt  }
0x71: {  	_ =	shalt  }
0x72: {  	_ =	shalt  }
0x73: {  	_ =	shalt  }
0x74: {  	_ =	shalt  }
0x75: {  	_ =	shalt  }
0x76: {  	_ =	shalt  }
0x77: {  	_ =	shalt  }
0x78: {  	_ =	shalt  }
0x79: {  	_ =	shalt  }
0x7a: {  	_ =	shalt  }
0x7b: {  	_ =	shalt  }
0x7c: {  	_ =	shalt  }
0x7d: {  	_ =	shalt  }
0x7e: {  	_ =	shalt  }
0x7f: {  	_ =	shalt  }
0x80: {  	_ =	shalt  }
0x81: {  	_ =	shalt  }
0x82: {  	_ =	shalt  }
0x83: {  	_ =	shalt  }
0x84: {  	_ =	shalt  }
0x85: {  	_ =	shalt  }
0x86: {  	_ =	shalt  }
0x87: {  	_ =	shalt  }
.Lfunc_end0:
.L_simem_size_0:
called_computation.3_lowered:
.L_overlay_start_0:
0x88: {  	s2 =	sld [smem:$0x3FD9]  }
0x89: {  	s3 =	sld [smem:$0x3FFE];
	_ =	sdelay $0x1  }
0x8a: {  	s1 =	srdreg.scid  }
0x8b: {  	s0 =	sand.u32 $0x1, s1  }
0x8c: {  	s16 =	sshll.u32 s0, $0xA;
	s2 =	sadd.s32 s3, s2  }
0x8d: {  	s2 =	sadd.s32 s2, s16  }
0x8e: {  	[smem:$0x3FB7] =	sst s2  }
0x8f: {  	_ = 	snop  }
0x90: {  	(tm) =	ssettm $0x1  }
0x91: {  	s17 =	sld [smem:$0x3FFB];
	_ =	sdelay $0x3  }
0x92: {  	_ =	strace s17  }
0x93: {  	s2 =	sld [smem:$0x3FFC];
	_ =	sdelay $0x3  }
0x94: {  	_ =	strace s2  }
0x95: {  	s2 =	sld [smem:$0x3FFD];
	_ =	sdelay $0x3  }
0x96: {  	_ =	strace s2  }
0x97: {  	_ =	strace $0x8FFFFFFF  }
0x98: {  	s18 =	sld [smem:$0x3FDB];
	_ =	sdelay $0x1  }
0x99: {  	s19 =	simm.s32 $_scs_section_size  }
0x9a: {  	s4 =	simm.s32 $_size__tile_overlayer_lowered;
	s5 =	simm.s32 $_tile_overlayer_lowered  }
0x9b: {  	s22 =	simm.s32 $0x1BFF;
	s21 =	sshll.u32 s5, $0x1;
	s2 =	sadd.s32 s19, s18  }
0x9c: {  	s6 =	simm.s32 $0x0;
	s20 =	sshll.u32 s4, $0x1;
	s4 =	sadd.s32 s21, s2  }
0x9d: {  	[timem:s6], [sflag:s22] =	dma.local [hbm:s4], s20  }
0x9e: {  	_ =	swait.ge [sflag:s22], s20  }
0x9f: {  	s3 =	ssub.s32 $0x0, s20;
	[sflag:s22] =	ssyncset.done $0x0  }
0xa0: {  	[sflag:s22] =	ssyncadd.s32 s3;
	_ =	sdelay $0x1  }
0xa1: {  	s23 =	simm.s32 $0x1B8B  }
0xa2: {  	_ =	swait.ge [sflag:s23], $0x1  }
0xa3: {  	[sflag:s23] =	ssyncset.done $0x0  }
0xa4: {  	s25 =	simm.s32 $0x1B8E;
	s24 =	sld [smem:$0x3FFE];
	[sflag:s23] =	ssyncadd.s32 $0xFFFFFFFF  }
0xa5: {  	s26 =	simm.s32 $execute0_lowered;
	[smem:$0x3FD2] =	sst s25  }
0xa6: {  	s4 =	sshll.u32 s26, $0x1;
	_ =	strace $0x8000004F;
	[dreg:$0x1] =	wrdreg $0xFFFFFFFF  }
0xa7: {  	s28 =	simm.s32 $_size_execute0_lowered;
	s2 =	sadd.s32 s2, s4;
	[dreg:$0x0] =	wrdreg $0x0  }
0xa8: {  	s4 =	sshll.u32 s28, $0x1;
	[dreg:$0x2] =	wrdreg s2  }
0xa9: {  	[dreg:$0x3] =	wrdreg s4  }
0xaa: {  	[dreg:$0x4] =	wrdreg $0xC0  }
0xab: {  	_ =	task [dreg:s6], $0x5FFFF  }
0xac: {  	[dreg:$0x1] =	wrdreg $0xFFFFFFFF  }
0xad: {  	[dreg:$0x0] =	wrdreg $0x60  }
0xae: {  	[dreg:$0x2] =	wrdreg s24  }
0xaf: {  	[dreg:$0x3] =	wrdreg $0x5AA00  }
0xb0: {  	[dreg:$0x4] =	wrdreg $0x9  }
0xb1: {  	_ =	task.clear_ibuf [dreg:s6], $0x5FFFF;
	_ =	strace $0x9000004F  }
0xb2: {  	s29 =	simm.s32 $0x9;
	_ =	strace $0x80000051  }
0xb3: {  	_ =	swait.ge [sflag:s29], $0x1  }
0xb4: {  	[sflag:s29] =	ssyncadd.s32 $0xFFFFFFFF  }
0xb5: {  	_ =	strace $0x90000051  }
0xb6: {  	_ =	sfence  }
0xb7: {  	s30 =	sld [smem:$0x0];
	_ =	sdelay $0x2  }
0xb8: {  	s31 =	sshll.u32 s1, $0xD;
	s1 =	sshrl.u32 s1, $0x2  }
0xb9: {  	s3 =	sand.u32 $0x4000, s31;
	s1 =	sadd.s32 s1, s30  }
0xba: {  	s0 =	sor.u32 s3, s0;
	s1 =	sshll.u32 s1, $0x11  }
0xbb: {  	s0 =	sor.u32 s1, s0  }
0xbc: {  	s0 =	sadd.s32 $0x8F2B, s0  }
0xbd: {  	[sflag:s0] =	ssyncadd.remote.s32 $0x1  }
0xbe: {  	_ =	sfence.sel $0xFFFF  }
0xbf: {  	[dreg:$0x0] =	wrdreg $0xFFFFFFFF;
	(pc) =	sbr.abs _section_cstart, $3  }
0xc0: {  	[dreg:$0x1] =	wrdreg $0xFFFFFFFF  }
0xc1: {  	_ =	task.clear_ibuf [dreg:s6], $0x2FFFF;
	_ =	strace $0x9FFFFFFF  }
0xc2: {  	(tm) =	ssettm $0x7FFFFFFF  }
0xc3: {  	_ =	shalt  }
tec
execute0_lowered:
.L_overlay_start_1:
0x0: {  	(tag) =	ssettag $0x1  }
0x1: {  	s1 =	srdreg.scid;
	s5 =	rddreg [dreg:$0x0]  }
0x2: {  	s0 =	stileid.u32;
	s2 =	rddreg [dreg:$0x1]  }
0x3: {  	s3 =	simm.s32 $0x0;
	s11 =	simm.s32 $0x2;
	s12 =	simm.s32 $0x50  }
0x4: {  	s13 =	simm.s32 $0xA0;
	s14 =	simm.s32 $0x1;
	s7 =	smul.u32 $0x4E20, s0  }
0x5: {  	s6 =	sand.u32 $0x1, s1;
	s1 =	rddreg [dreg:$0x2];
	s9 =	smul.u32 $0x5000, s0  }
0x6: {  	s17 =	simm.s32 $0x0;
	[smem:$0x7FF] =	sst s3;
	s8 =	smul.u32 $0x2710, s6  }
0x7: {  	s4 =	sadd.s32 $0x17800, s5;
	s15 =	sshll.u32 s0, $0x6;
	s10 =	smul.u32 $0x50000, s6  }
0x8: {  	_ =	strace $0x80000050;
	s6 =	ssub.s32 $0x2, s6;
	s15 =	sor.u32 $0x1C02, s15  }
0x9: {  	s30 =	sshrl.u32 s6, $0x1;
	s7 =	sadd.s32 s8, s7;
	s26 =	sadd.s32 s9, s10  }
0xa: {  	s31 =	ssub.s32 s6, s30;
	s7 =	sshrl.u32 s7, $0x3;
	s8 =	sshrl.u32 s26, $0x3  }
0xb: {  	s10 =	simm.s32 $0xAA0;
	s28 =	sadd.s32 s7, s5;
	s29 =	sadd.s32 s8, s5  }
0xc: {  	s5 =	sadd.s32 s9, s2;
	s7 =	smax.u32 s31, $0x1;
	s6 =	sadd.s32 $0x21800, s29  }
0xd: {  	v0 =	vimm.f32 $0.0e+00;
	s8 =	sadd.s32 $0xDA00, s28;
	s9 =	sadd.s32 $0x3C00, s28;
	s16 =	sshrl.u32 s5, $0x3  }
.LBB2_1:
0xe: {  	s18 =	simm.s32 $0x80;
	s19 =	simm.s32 $0x0  }
.LBB2_2:
0xf: {  	p0 =	sne.s32 s18, $0x13F80;
	[tilespmem:s19+$0xAA0] =	vst v0;
	s20 =	smov.u32 s18;
	s18 =	sadd.s32 $0x80, s18  }
.Ltmp0:
0x10: {  	[tilespmem:s19+$0xAB0] =	vst v0;
	(pc) =	sbr.rel @p0 .LBB2_2-.Ltmp0, $2  }
0x11: {  	_ =	sdelay $0x2  }
0x12: {  	s19 =	sshra.s32 s20, $0x2  }
0x13: {  	[tilespmem:s19+$0xAA0] =	vst v0  }
0x14: {  	[tilespmem:s19+$0xAB0] =	vst v0  }
0x15: {  	[spmem:s5] =	stream.linear.scatter [tilespmem:s10], [sflag:$0x2], $0x5000, $0x38;
	[tilespmem:$0xAAA0] =	vst v63  }
0x16: {  	_ =	swait.ge [sflag:s11], $0x5000  }
0x17: {  	[sflag:s11] =	ssyncset.done $0x0  }
0x18: {  	[sflag:s11] =	ssyncadd.s32 $0xFFFFB000  }
0x19: {  	s18 =	sadd.s32 $0x0, s9;
	[bflag:$0x0] =	sbarrier.arrive $0xFFFF  }
0x1a: {  	[tilespmem:s3], [sflag:$0x2] =	stream.linear.gather [hbm4b:s18+s3], $0x50, $0x38;
	[tilespmem:$0xAAA0] =	vst v63  }
0x1b: {  	_ =	swait.ge [sflag:s11], $0x50  }
0x1c: {  	[sflag:s11] =	ssyncset.done $0x0  }
0x1d: {  	s31 =	sadd.s32 $0x0, s8;
	[sflag:s11] =	ssyncadd.s32 $0xFFFFFFB0  }
0x1e: {  	[tilespmem:s12], [sflag:$0x2] =	stream.linear.gather [hbm4b:s31+s3], $0x50, $0x38;
	[tilespmem:$0xAAA0] =	vst v63  }
0x1f: {  	_ =	swait.ge [sflag:s11], $0x50  }
0x20: {  	[sflag:s11] =	ssyncset.done $0x0  }
0x21: {  	[sflag:s11] =	ssyncadd.s32 $0xFFFFFFB0  }
0x22: {  	[tilespmem:s13], [sflag:$0x1] =	stream.indirect.gather [hbm4b:s4+s12], $0x20, s3, s12, $0xb8;
	[tilespmem:$0xAAA0] =	vst v63  }
0x23: {  	_ =	swait.ge [sflag:s14], $0xA00  }
0x24: {  	[sflag:s14] =	ssyncset.done $0x0  }
0x25: {  	[sflag:s14] =	ssyncadd.s32 $0xFFFFF600  }
0x26: {  	[spmem:s2] =	stream.indirect.scatter.add.f32 [tilespmem:s13], [sflag:$0x2], $0x20, s12, s12, $0xb8;
	[tilespmem:$0xAAA0] =	vst v63  }
0x27: {  	_ =	swait.ge [sflag:s11], $0xA00  }
0x28: {  	s19 =	simm.s32 $0x14;
	s18 =	simm.s32 $0xA;
	[sflag:s11] =	ssyncset.done $0x0  }
.LBB2_4:
0x29: {  	s20 =	sadd.s32 s18, s9  }
0x2a: {  	[sflag:s11] =	ssyncadd.s32 $0xFFFFF600;
	s21 =	smov.u32 s19;
	s22 =	sadd.s32 $0xA, s19  }
0x2b: {  	[tilespmem:s3], [sflag:$0x2] =	stream.linear.gather [hbm4b:s20+s3], $0x50, $0x38;
	[tilespmem:$0xAAA0] =	vst v63  }
0x2c: {  	p0 =	sne.s32 s19, $0x4D8;
	_ =	swait.ge [sflag:s11], $0x50  }
0x2d: {  	[sflag:s11] =	ssyncset.done $0x0  }
0x2e: {  	s19 =	sadd.s32 s18, s8;
	s18 =	smov.u32 s21;
	[sflag:s11] =	ssyncadd.s32 $0xFFFFFFB0  }
0x2f: {  	[tilespmem:s12], [sflag:$0x2] =	stream.linear.gather [hbm4b:s19+s3], $0x50, $0x38;
	[tilespmem:$0xAAA0] =	vst v63  }
0x30: {  	_ =	swait.ge [sflag:s11], $0x50  }
0x31: {  	[sflag:s11] =	ssyncset.done $0x0  }
0x32: {  	[sflag:s11] =	ssyncadd.s32 $0xFFFFFFB0  }
0x33: {  	[tilespmem:s13], [sflag:$0x1] =	stream.indirect.gather [hbm4b:s4+s12], $0x20, s3, s12, $0xb8;
	[tilespmem:$0xAAA0] =	vst v63  }
0x34: {  	_ =	swait.ge [sflag:s14], $0xA00  }
.Ltmp1:
0x35: {  	[sflag:s14] =	ssyncset.done $0x0;
	(pc) =	sbr.rel @p0 .LBB2_4-.Ltmp1, $4  }
0x36: {  	[sflag:s14] =	ssyncadd.s32 $0xFFFFF600  }
0x37: {  	[spmem:s2] =	stream.indirect.scatter.add.f32 [tilespmem:s13], [sflag:$0x2], $0x20, s12, s12, $0xb8;
	[tilespmem:$0xAAA0] =	vst v63  }
0x38: {  	_ =	swait.ge [sflag:s11], $0xA00  }
0x39: {  	s19 =	smov.u32 s22;
	[sflag:s11] =	ssyncset.done $0x0  }
0x3a: {  	s19 =	sadd.s32 s18, s9;
	[sflag:s11] =	ssyncadd.s32 $0xFFFFF600  }
0x3b: {  	[tilespmem:s3], [sflag:$0x2] =	stream.linear.gather [hbm4b:s19+s3], $0x50, $0x38;
	[tilespmem:$0xAAA0] =	vst v63  }
0x3c: {  	_ =	swait.ge [sflag:s11], $0x50  }
0x3d: {  	[sflag:s11] =	ssyncset.done $0x0  }
0x3e: {  	s31 =	sadd.s32 s18, s8;
	[sflag:s11] =	ssyncadd.s32 $0xFFFFFFB0  }
0x3f: {  	[tilespmem:s12], [sflag:$0x2] =	stream.linear.gather [hbm4b:s31+s3], $0x50, $0x38;
	[tilespmem:$0xAAA0] =	vst v63  }
0x40: {  	_ =	swait.ge [sflag:s11], $0x50  }
0x41: {  	[sflag:s11] =	ssyncset.done $0x0  }
0x42: {  	[sflag:s11] =	ssyncadd.s32 $0xFFFFFFB0  }
0x43: {  	[tilespmem:s13], [sflag:$0x1] =	stream.indirect.gather [hbm4b:s4+s12], $0x20, s3, s12, $0xb8;
	[tilespmem:$0xAAA0] =	vst v63  }
0x44: {  	_ =	swait.ge [sflag:s14], $0xA00  }
0x45: {  	[sflag:s14] =	ssyncset.done $0x0  }
0x46: {  	[sflag:s14] =	ssyncadd.s32 $0xFFFFF600  }
0x47: {  	[spmem:s2] =	stream.indirect.scatter.add.f32 [tilespmem:s13], [sflag:$0x2], $0x20, s12, s12, $0xb8;
	[tilespmem:$0xAAA0] =	vst v63  }
0x48: {  	_ =	swait.ge [sflag:s11], $0xA00  }
0x49: {  	s17 =	sadd.s32 $0x1, s17;
	[sflag:s11] =	ssyncset.done $0x0  }
0x4a: {  	p0 =	sne.s32 s17, s7;
	[sflag:s11] =	ssyncadd.s32 $0xFFFFF600  }
.Ltmp2:
0x4b: {  	[bflag:$0x0] =	sbarrier.arrive $0xFFFF;
	(pc) =	sbr.rel @p0 .LBB2_1-.Ltmp2, $4  }
0x4c: {  	[hbm:s6], [sflag:s15] =	dma.local [spmem:s16], $0xA00  }
0x4d: {  	_ =	swait.ge [sflag:s11], $0xA00  }
0x4e: {  	[sflag:s11] =	ssyncset.done $0x0  }
0x4f: {  	[sflag:s11] =	ssyncadd.s32 $0xFFFFF600  }
0x50: {  	_ =	sfence.sel $0x180000  }
0x51: {  	[bflag:$0x0] =	sbarrier.arrive $0xFFFF  }
0x52: {  	p0 =	sne.s32 s0, $0x0;
	_ =	strace $0x90000050  }
0x53: {  	s0 =	sadd.s32 @!p0 $0x100000, s1;
	[bflag:$0x2] =	sbarrier.arrive $0xFFFF  }
0x54: {  	[sflag:s0] =	ssyncadd.tile.s32 @!p0 $0x1;
	_ =	shalt  }
.Lfunc_end2:
_tile_overlayer_lowered:
.L_overlay_start_2:
0x55: {  	(tag) =	ssettag $0x2  }
0x56: {  	s0 =	rddreg [dreg:$0x0];
	s2 =	stileid.u32  }
0x57: {  	s1 =	rddreg [dreg:$0x1];
	p0 =	sne.s32 s2, $0x0  }
0x58: {  	s3 =	rddreg [dreg:$0x2];
	[bflag:$0x3] =	sbarrier.arrive $0xFFFF;
	s2 =	simm.s32 @!p0 $0x1C02  }
0x59: {  	[timem:s3], [sflag:s2] =	dma.local @!p0 [hbm:s0], s1  }
0x5a: {  	s0 =	simm.s32 @!p0 $0x2  }
0x5b: {  	_ =	swait.ge @!p0 [sflag:s0], s1  }
0x5c: {  	s1 =	ssub.s32 @!p0 $0x0, s1;
	[sflag:s0] =	ssyncset.done @!p0 $0x0  }
0x5d: {  	[sflag:s0] =	ssyncadd.s32 @!p0 s1  }
0x5e: {  	[bflag:$0x3] =	sbarrier.arrive $0xFFFF  }
0x5f: {  	_ =	shalt  }

// kernel: kernel.30.cloned.1.call-start
scs
__scs_entry_jumppad:
0x0: {  	(pc) =	sbr.rel $0x88, $3  }
0x1: {  	(tag) =	ssettag $0x0;
	lr =	simm.s32 $0x1  }
0x2: {  	[smem:$0x3F90] =	sst lr;
	_ =	strace $0xD0000000  }
0x3: {  	_ = 	snop  }
0x4: {  	_ = 	snop  }
0x5: {  	_ = 	snop  }
0x6: {  	_ = 	snop  }
0x7: {  	_ = 	snop  }
__scs_overlays_trampoline_lowered:
0x8: {  	[smem:$0x3F9F] =	sst s0  }
0x9: {  	[smem:$0x3FA0] =	sst s1  }
0xa: {  	[smem:$0x3FA1] =	sst s2  }
0xb: {  	[smem:$0x3FA2] =	sst s3  }
0xc: {  	[smem:$0x3FA3] =	sst s4  }
0xd: {  	[smem:$0x3FA4] =	sst s5  }
0xe: {  	[smem:$0x3FA5] =	sst s6  }
0xf: {  	[smem:$0x3FA6] =	sst s7  }
0x10: {  	[smem:$0x3FA7] =	sst s8  }
0x11: {  	[smem:$0x3FA8] =	sst s9;
	s0 =	simm.s32 @!p0 $0x0  }
0x12: {  	s1 =	sld [smem:$0x3F8E];
	s0 =	simm.s32 @p0 $0x1  }
0x13: {  	[smem:$0x3FA9] =	sst s0;
	s0 =	simm.s32 @!p1 $0x0  }
0x14: {  	s2 =	sld [smem:$0x3F8D];
	s0 =	simm.s32 @p1 $0x1  }
0x15: {  	[smem:$0x3FAA] =	sst s0;
	s0 =	simm.s32 @!p2 $0x0  }
0x16: {  	s3 =	sld [smem:$0x3FDB];
	s0 =	simm.s32 @p2 $0x1  }
0x17: {  	s4 =	simm.s32 $0x1BF5;
	[smem:$0x3FAC] =	sst s0  }
0x18: {  	s0 =	sld [smem:$0x3F8F];
	_ =	swait.ge [sflag:s4], $0x0  }
0x19: {  	s7 =	sld [smem:$0x3F90]  }
0x1a: {  	s8 =	sadd.s32 $0xFFFFE003, lr  }
0x1b: {  	s9 =	sadd.s32 $0xFFFFFEF7, lr;
	s5 =	simm.s32 $0xFFFFFFFF;
	p2 =	slt.u32 s8, $0xFFFFF086  }
0x1c: {  	p1 =	slt.u32 s9, $0xF7A;
	s5 =	simm.s32 @!p2 $0x0  }
0x1d: {  	s5 =	simm.s32 @p1 $0x1;
	p0 =	seq.s32 s7, s2  }
0x1e: {  	s7 =	smul.u32 @!p0 $0xF7A, s2;
	p2 =	seq.s32 @!p0 s5, $0x0  }
0x1f: {  	s9 =	smul.u32 $0xF7A, s1;
	s8 =	simm.s32 @!p0 $0x1BF5;
	p2 =	por !p2, p0  }
0x20: {  	[sflag:s8] =	ssyncset.s32 @!p0 $0xFFFFF086;
	s6 =	sadd.s32 @!p0 s3, s7;
	s7 =	simm.s32 @!p0 $0x108  }
0x21: {  	s3 =	sadd.s32 s3, s9;
	s6 =	sadd.s32 @!p0 $0x88, s6;
	s7 =	simm.s32 @p2 $0x1082  }
0x22: {  	[simem:s7], [sflag:s8] =	dma.local @!p0 [hbm:s6], $0xF7A  }
0x23: {  	s9 =	sor.u32 $0xD0000000, s2;
	s6 =	simm.s32 $0x108;
	_ =	swait.ge @!p0 [sflag:s8], $0x0  }
0x24: {  	s3 =	sadd.s32 $0x88, s3;
	s6 =	simm.s32 @!p1 $0x1082;
	[sflag:s4] =	ssyncset.s32 $0xFFFFF086  }
0x25: {  	[simem:s6], [sflag:s4] =	dma.local [hbm:s3], $0xF7A  }
0x26: {  	[smem:$0x3F90] =	sst s1;
	(tag) =	ssettag s2;
	_ =	strace s9  }
0x27: {  	s1 =	sld [smem:$0x3FA0]  }
0x28: {  	s2 =	sld [smem:$0x3FA1]  }
0x29: {  	s4 =	sld [smem:$0x3FA3]  }
0x2a: {  	p0 =	seq.s32 s5, $0x0;
	s5 =	sld [smem:$0x3FA4]  }
0x2b: {  	s6 =	sld [smem:$0x3FA5]  }
0x2c: {  	s7 =	sld [smem:$0x3FA6]  }
0x2d: {  	s3 =	simm.s32 $0x108;
	s8 =	sld [smem:$0x3FA7]  }
0x2e: {  	s3 =	simm.s32 @!p0 $0x1082;
	s9 =	sld [smem:$0x3FA8]  }
0x2f: {  	lr =	sadd.s32 s0, s3;
	s0 =	sld [smem:$0x3F9F]  }
0x30: {  	s3 =	sld [smem:$0x3FA2]  }
0x31: {  	[smem:$0x3FAB] =	sst s10  }
0x32: {  	s10 =	sld [smem:$0x3FA9];
	_ =	sdelay $0x3  }
0x33: {  	p0 =	seq.s32 s10, $0x1;
	s10 =	sld [smem:$0x3FAB];
	_ =	sdelay $0x3  }
0x34: {  	[smem:$0x3FAB] =	sst s10  }
0x35: {  	s10 =	sld [smem:$0x3FAA];
	_ =	sdelay $0x3  }
0x36: {  	p1 =	seq.s32 s10, $0x1;
	s10 =	sld [smem:$0x3FAB];
	_ =	sdelay $0x3  }
0x37: {  	[smem:$0x3FAB] =	sst s10  }
0x38: {  	s10 =	sld [smem:$0x3FAC]  }
0x39: {  	_ = 	snop;
	(pc) =	sbr.ind lr, $3  }
0x3a: {  	_ = 	snop  }
0x3b: {  	_ = 	snop  }
0x3c: {  	p2 =	seq.s32 s10, $0x1;
	s10 =	sld [smem:$0x3FAB]  }
0x3d: {  	_ =	shalt  }
0x3e: {  	_ =	shalt  }
0x3f: {  	_ =	shalt  }
0x40: {  	_ =	shalt  }
0x41: {  	_ =	shalt  }
0x42: {  	_ =	shalt  }
0x43: {  	_ =	shalt  }
0x44: {  	_ =	shalt  }
0x45: {  	_ =	shalt  }
0x46: {  	_ =	shalt  }
0x47: {  	_ =	shalt  }
0x48: {  	_ =	shalt  }
0x49: {  	_ =	shalt  }
0x4a: {  	_ =	shalt  }
0x4b: {  	_ =	shalt  }
0x4c: {  	_ =	shalt  }
0x4d: {  	_ =	shalt  }
0x4e: {  	_ =	shalt  }
0x4f: {  	_ =	shalt  }
0x50: {  	_ =	shalt  }
0x51: {  	_ =	shalt  }
0x52: {  	_ =	shalt  }
0x53: {  	_ =	shalt  }
0x54: {  	_ =	shalt  }
0x55: {  	_ =	shalt  }
0x56: {  	_ =	shalt  }
0x57: {  	_ =	shalt  }
0x58: {  	_ =	shalt  }
0x59: {  	_ =	shalt  }
0x5a: {  	_ =	shalt  }
0x5b: {  	_ =	shalt  }
0x5c: {  	_ =	shalt  }
0x5d: {  	_ =	shalt  }
0x5e: {  	_ =	shalt  }
0x5f: {  	_ =	shalt  }
0x60: {  	_ =	shalt  }
0x61: {  	_ =	shalt  }
0x62: {  	_ =	shalt  }
0x63: {  	_ =	shalt  }
0x64: {  	_ =	shalt  }
0x65: {  	_ =	shalt  }
0x66: {  	_ =	shalt  }
0x67: {  	_ =	shalt  }
0x68: {  	_ =	shalt  }
0x69: {  	_ =	shalt  }
0x6a: {  	_ =	shalt  }
0x6b: {  	_ =	shalt  }
0x6c: {  	_ =	shalt  }
0x6d: {  	_ =	shalt  }
0x6e: {  	_ =	shalt  }
0x6f: {  	_ =	shalt  }
0x70: {  	_ =	shalt  }
0x71: {  	_ =	shalt  }
0x72: {  	_ =	shalt  }
0x73: {  	_ =	shalt  }
0x74: {  	_ =	shalt  }
0x75: {  	_ =	shalt  }
0x76: {  	_ =	shalt  }
0x77: {  	_ =	shalt  }
0x78: {  	_ =	shalt  }
0x79: {  	_ =	shalt  }
0x7a: {  	_ =	shalt  }
0x7b: {  	_ =	shalt  }
0x7c: {  	_ =	shalt  }
0x7d: {  	_ =	shalt  }
0x7e: {  	_ =	shalt  }
0x7f: {  	_ =	shalt  }
0x80: {  	_ =	shalt  }
0x81: {  	_ =	shalt  }
0x82: {  	_ =	shalt  }
0x83: {  	_ =	shalt  }
0x84: {  	_ =	shalt  }
0x85: {  	_ =	shalt  }
0x86: {  	_ =	shalt  }
0x87: {  	_ =	shalt  }
.Lfunc_end0:
.L_simem_size_0:
called_computation.4_lowered:
.L_overlay_start_0:
0x88: {  	s2 =	sld [smem:$0x3FD9]  }
0x89: {  	s3 =	sld [smem:$0x3FFE];
	_ =	sdelay $0x1  }
0x8a: {  	s1 =	srdreg.scid  }
0x8b: {  	s0 =	sand.u32 $0x1, s1  }
0x8c: {  	s16 =	sshll.u32 s0, $0xA;
	s2 =	sadd.s32 s3, s2  }
0x8d: {  	s2 =	sadd.s32 s2, s16  }
0x8e: {  	[smem:$0x3FB7] =	sst s2  }
0x8f: {  	_ = 	snop  }
0x90: {  	(tm) =	ssettm $0x1  }
0x91: {  	s17 =	sld [smem:$0x3FFB];
	_ =	sdelay $0x3  }
0x92: {  	_ =	strace s17  }
0x93: {  	s2 =	sld [smem:$0x3FFC];
	_ =	sdelay $0x3  }
0x94: {  	_ =	strace s2  }
0x95: {  	s2 =	sld [smem:$0x3FFD];
	_ =	sdelay $0x3  }
0x96: {  	_ =	strace s2  }
0x97: {  	_ =	strace $0x8FFFFFFF  }
0x98: {  	s18 =	sld [smem:$0x3FDB];
	_ =	sdelay $0x1  }
0x99: {  	s19 =	simm.s32 $_scs_section_size  }
0x9a: {  	s4 =	simm.s32 $_size__tile_overlayer_lowered;
	s5 =	simm.s32 $_tile_overlayer_lowered  }
0x9b: {  	s22 =	simm.s32 $0x1BFF;
	s21 =	sshll.u32 s5, $0x1;
	s2 =	sadd.s32 s19, s18  }
0x9c: {  	s6 =	simm.s32 $0x0;
	s20 =	sshll.u32 s4, $0x1;
	s4 =	sadd.s32 s21, s2  }
0x9d: {  	[timem:s6], [sflag:s22] =	dma.local [hbm:s4], s20  }
0x9e: {  	_ =	swait.ge [sflag:s22], s20  }
0x9f: {  	s3 =	ssub.s32 $0x0, s20;
	[sflag:s22] =	ssyncset.done $0x0  }
0xa0: {  	[sflag:s22] =	ssyncadd.s32 s3;
	_ =	sdelay $0x1  }
0xa1: {  	s23 =	simm.s32 $0x1B8B  }
0xa2: {  	_ =	swait.ge [sflag:s23], $0x1  }
0xa3: {  	[sflag:s23] =	ssyncset.done $0x0  }
0xa4: {  	s25 =	simm.s32 $0x1B8E;
	s24 =	sld [smem:$0x3FFE];
	[sflag:s23] =	ssyncadd.s32 $0xFFFFFFFF  }
0xa5: {  	s26 =	simm.s32 $execute0_lowered;
	[smem:$0x3FD2] =	sst s25  }
0xa6: {  	s4 =	sshll.u32 s26, $0x1;
	_ =	strace $0x80000052;
	[dreg:$0x1] =	wrdreg $0xFFFFFFFF  }
0xa7: {  	s28 =	simm.s32 $_size_execute0_lowered;
	s2 =	sadd.s32 s2, s4;
	[dreg:$0x0] =	wrdreg $0x0  }
0xa8: {  	s4 =	sshll.u32 s28, $0x1;
	[dreg:$0x2] =	wrdreg s2  }
0xa9: {  	[dreg:$0x3] =	wrdreg s4  }
0xaa: {  	[dreg:$0x4] =	wrdreg $0xC0  }
0xab: {  	_ =	task [dreg:s6], $0x5FFFF  }
0xac: {  	[dreg:$0x1] =	wrdreg $0xFFFFFFFF  }
0xad: {  	[dreg:$0x0] =	wrdreg $0x60  }
0xae: {  	[dreg:$0x2] =	wrdreg s24  }
0xaf: {  	[dreg:$0x3] =	wrdreg $0x5AA00  }
0xb0: {  	[dreg:$0x4] =	wrdreg $0x9  }
0xb1: {  	_ =	task.clear_ibuf [dreg:s6], $0x5FFFF;
	_ =	strace $0x90000052  }
0xb2: {  	s29 =	simm.s32 $0x9;
	_ =	strace $0x80000054  }
0xb3: {  	_ =	swait.ge [sflag:s29], $0x1  }
0xb4: {  	[sflag:s29] =	ssyncadd.s32 $0xFFFFFFFF  }
0xb5: {  	_ =	strace $0x90000054  }
0xb6: {  	_ =	sfence  }
0xb7: {  	s30 =	sld [smem:$0x0];
	_ =	sdelay $0x2  }
0xb8: {  	s31 =	sshll.u32 s1, $0xD;
	s1 =	sshrl.u32 s1, $0x2  }
0xb9: {  	s3 =	sand.u32 $0x4000, s31;
	s1 =	sadd.s32 s1, s30  }
0xba: {  	s0 =	sor.u32 s3, s0;
	s1 =	sshll.u32 s1, $0x11  }
0xbb: {  	s0 =	sor.u32 s1, s0  }
0xbc: {  	s0 =	sadd.s32 $0x8F2B, s0  }
0xbd: {  	[sflag:s0] =	ssyncadd.remote.s32 $0x1  }
0xbe: {  	_ =	sfence.sel $0xFFFF  }
0xbf: {  	[dreg:$0x0] =	wrdreg $0xFFFFFFFF;
	(pc) =	sbr.abs _section_cstart, $3  }
0xc0: {  	[dreg:$0x1] =	wrdreg $0xFFFFFFFF  }
0xc1: {  	_ =	task.clear_ibuf [dreg:s6], $0x2FFFF;
	_ =	strace $0x9FFFFFFF  }
0xc2: {  	(tm) =	ssettm $0x7FFFFFFF  }
0xc3: {  	_ =	shalt  }
tec
execute0_lowered:
.L_overlay_start_1:
0x0: {  	(tag) =	ssettag $0x1  }
0x1: {  	s1 =	srdreg.scid;
	s5 =	rddreg [dreg:$0x0]  }
0x2: {  	s0 =	stileid.u32;
	s2 =	rddreg [dreg:$0x1]  }
0x3: {  	s3 =	simm.s32 $0x0;
	s11 =	simm.s32 $0x2;
	s12 =	simm.s32 $0x50  }
0x4: {  	s13 =	simm.s32 $0xA0;
	s14 =	simm.s32 $0x1;
	s7 =	smul.u32 $0x4E20, s0  }
0x5: {  	s6 =	sand.u32 $0x1, s1;
	s1 =	rddreg [dreg:$0x2];
	s9 =	smul.u32 $0x5000, s0  }
0x6: {  	s17 =	simm.s32 $0x0;
	[smem:$0x7FF] =	sst s3;
	s8 =	smul.u32 $0x2710, s6  }
0x7: {  	s4 =	sadd.s32 $0x17800, s5;
	s15 =	sshll.u32 s0, $0x6;
	s10 =	smul.u32 $0x50000, s6  }
0x8: {  	_ =	strace $0x80000053;
	s6 =	ssub.s32 $0x2, s6;
	s15 =	sor.u32 $0x1C02, s15  }
0x9: {  	s30 =	sshrl.u32 s6, $0x1;
	s7 =	sadd.s32 s8, s7;
	s26 =	sadd.s32 s9, s10  }
0xa: {  	s31 =	ssub.s32 s6, s30;
	s7 =	sshrl.u32 s7, $0x3;
	s8 =	sshrl.u32 s26, $0x3  }
0xb: {  	s10 =	simm.s32 $0xAA0;
	s28 =	sadd.s32 s7, s5;
	s29 =	sadd.s32 s8, s5  }
0xc: {  	s5 =	sadd.s32 s9, s2;
	s7 =	smax.u32 s31, $0x1;
	s6 =	sadd.s32 $0x21800, s29  }
0xd: {  	v0 =	vimm.f32 $0.0e+00;
	s8 =	sadd.s32 $0xDA00, s28;
	s9 =	sadd.s32 $0x3C00, s28;
	s16 =	sshrl.u32 s5, $0x3  }
.LBB2_1:
0xe: {  	s18 =	simm.s32 $0x80;
	s19 =	simm.s32 $0x0  }
.LBB2_2:
0xf: {  	p0 =	sne.s32 s18, $0x13F80;
	[tilespmem:s19+$0xAA0] =	vst v0;
	s20 =	smov.u32 s18;
	s18 =	sadd.s32 $0x80, s18  }
.Ltmp0:
0x10: {  	[tilespmem:s19+$0xAB0] =	vst v0;
	(pc) =	sbr.rel @p0 .LBB2_2-.Ltmp0, $2  }
0x11: {  	_ =	sdelay $0x2  }
0x12: {  	s19 =	sshra.s32 s20, $0x2  }
0x13: {  	[tilespmem:s19+$0xAA0] =	vst v0  }
0x14: {  	[tilespmem:s19+$0xAB0] =	vst v0  }
0x15: {  	[spmem:s5] =	stream.linear.scatter [tilespmem:s10], [sflag:$0x2], $0x5000, $0x38;
	[tilespmem:$0xAAA0] =	vst v63  }
0x16: {  	_ =	swait.ge [sflag:s11], $0x5000  }
0x17: {  	[sflag:s11] =	ssyncset.done $0x0  }
0x18: {  	[sflag:s11] =	ssyncadd.s32 $0xFFFFB000  }
0x19: {  	s18 =	sadd.s32 $0x0, s9;
	[bflag:$0x0] =	sbarrier.arrive $0xFFFF  }
0x1a: {  	[tilespmem:s3], [sflag:$0x2] =	stream.linear.gather [hbm4b:s18+s3], $0x50, $0x38;
	[tilespmem:$0xAAA0] =	vst v63  }
0x1b: {  	_ =	swait.ge [sflag:s11], $0x50  }
0x1c: {  	[sflag:s11] =	ssyncset.done $0x0  }
0x1d: {  	s31 =	sadd.s32 $0x0, s8;
	[sflag:s11] =	ssyncadd.s32 $0xFFFFFFB0  }
0x1e: {  	[tilespmem:s12], [sflag:$0x2] =	stream.linear.gather [hbm4b:s31+s3], $0x50, $0x38;
	[tilespmem:$0xAAA0] =	vst v63  }
0x1f: {  	_ =	swait.ge [sflag:s11], $0x50  }
0x20: {  	[sflag:s11] =	ssyncset.done $0x0  }
0x21: {  	[sflag:s11] =	ssyncadd.s32 $0xFFFFFFB0  }
0x22: {  	[tilespmem:s13], [sflag:$0x1] =	stream.indirect.gather [hbm4b:s4+s12], $0x20, s3, s12, $0xb8;
	[tilespmem:$0xAAA0] =	vst v63  }
0x23: {  	_ =	swait.ge [sflag:s14], $0xA00  }
0x24: {  	[sflag:s14] =	ssyncset.done $0x0  }
0x25: {  	[sflag:s14] =	ssyncadd.s32 $0xFFFFF600  }
0x26: {  	[spmem:s2] =	stream.indirect.scatter.add.f32 [tilespmem:s13], [sflag:$0x2], $0x20, s12, s12, $0xb8;
	[tilespmem:$0xAAA0] =	vst v63  }
0x27: {  	_ =	swait.ge [sflag:s11], $0xA00  }
0x28: {  	s19 =	simm.s32 $0x14;
	s18 =	simm.s32 $0xA;
	[sflag:s11] =	ssyncset.done $0x0  }
.LBB2_4:
0x29: {  	s20 =	sadd.s32 s18, s9  }
0x2a: {  	[sflag:s11] =	ssyncadd.s32 $0xFFFFF600;
	s21 =	smov.u32 s19;
	s22 =	sadd.s32 $0xA, s19  }
0x2b: {  	[tilespmem:s3], [sflag:$0x2] =	stream.linear.gather [hbm4b:s20+s3], $0x50, $0x38;
	[tilespmem:$0xAAA0] =	vst v63  }
0x2c: {  	p0 =	sne.s32 s19, $0x4D8;
	_ =	swait.ge [sflag:s11], $0x50  }
0x2d: {  	[sflag:s11] =	ssyncset.done $0x0  }
0x2e: {  	s19 =	sadd.s32 s18, s8;
	s18 =	smov.u32 s21;
	[sflag:s11] =	ssyncadd.s32 $0xFFFFFFB0  }
0x2f: {  	[tilespmem:s12], [sflag:$0x2] =	stream.linear.gather [hbm4b:s19+s3], $0x50, $0x38;
	[tilespmem:$0xAAA0] =	vst v63  }
0x30: {  	_ =	swait.ge [sflag:s11], $0x50  }
0x31: {  	[sflag:s11] =	ssyncset.done $0x0  }
0x32: {  	[sflag:s11] =	ssyncadd.s32 $0xFFFFFFB0  }
0x33: {  	[tilespmem:s13], [sflag:$0x1] =	stream.indirect.gather [hbm4b:s4+s12], $0x20, s3, s12, $0xb8;
	[tilespmem:$0xAAA0] =	vst v63  }
0x34: {  	_ =	swait.ge [sflag:s14], $0xA00  }
.Ltmp1:
0x35: {  	[sflag:s14] =	ssyncset.done $0x0;
	(pc) =	sbr.rel @p0 .LBB2_4-.Ltmp1, $4  }
0x36: {  	[sflag:s14] =	ssyncadd.s32 $0xFFFFF600  }
0x37: {  	[spmem:s2] =	stream.indirect.scatter.add.f32 [tilespmem:s13], [sflag:$0x2], $0x20, s12, s12, $0xb8;
	[tilespmem:$0xAAA0] =	vst v63  }
0x38: {  	_ =	swait.ge [sflag:s11], $0xA00  }
0x39: {  	s19 =	smov.u32 s22;
	[sflag:s11] =	ssyncset.done $0x0  }
0x3a: {  	s19 =	sadd.s32 s18, s9;
	[sflag:s11] =	ssyncadd.s32 $0xFFFFF600  }
0x3b: {  	[tilespmem:s3], [sflag:$0x2] =	stream.linear.gather [hbm4b:s19+s3], $0x50, $0x38;
	[tilespmem:$0xAAA0] =	vst v63  }
0x3c: {  	_ =	swait.ge [sflag:s11], $0x50  }
0x3d: {  	[sflag:s11] =	ssyncset.done $0x0  }
0x3e: {  	s31 =	sadd.s32 s18, s8;
	[sflag:s11] =	ssyncadd.s32 $0xFFFFFFB0  }
0x3f: {  	[tilespmem:s12], [sflag:$0x2] =	stream.linear.gather [hbm4b:s31+s3], $0x50, $0x38;
	[tilespmem:$0xAAA0] =	vst v63  }
0x40: {  	_ =	swait.ge [sflag:s11], $0x50  }
0x41: {  	[sflag:s11] =	ssyncset.done $0x0  }
0x42: {  	[sflag:s11] =	ssyncadd.s32 $0xFFFFFFB0  }
0x43: {  	[tilespmem:s13], [sflag:$0x1] =	stream.indirect.gather [hbm4b:s4+s12], $0x20, s3, s12, $0xb8;
	[tilespmem:$0xAAA0] =	vst v63  }
0x44: {  	_ =	swait.ge [sflag:s14], $0xA00  }
0x45: {  	[sflag:s14] =	ssyncset.done $0x0  }
0x46: {  	[sflag:s14] =	ssyncadd.s32 $0xFFFFF600  }
0x47: {  	[spmem:s2] =	stream.indirect.scatter.add.f32 [tilespmem:s13], [sflag:$0x2], $0x20, s12, s12, $0xb8;
	[tilespmem:$0xAAA0] =	vst v63  }
0x48: {  	_ =	swait.ge [sflag:s11], $0xA00  }
0x49: {  	s17 =	sadd.s32 $0x1, s17;
	[sflag:s11] =	ssyncset.done $0x0  }
0x4a: {  	p0 =	sne.s32 s17, s7;
	[sflag:s11] =	ssyncadd.s32 $0xFFFFF600  }
.Ltmp2:
0x4b: {  	[bflag:$0x0] =	sbarrier.arrive $0xFFFF;
	(pc) =	sbr.rel @p0 .LBB2_1-.Ltmp2, $4  }
0x4c: {  	[hbm:s6], [sflag:s15] =	dma.local [spmem:s16], $0xA00  }
0x4d: {  	_ =	swait.ge [sflag:s11], $0xA00  }
0x4e: {  	[sflag:s11] =	ssyncset.done $0x0  }
0x4f: {  	[sflag:s11] =	ssyncadd.s32 $0xFFFFF600  }
0x50: {  	_ =	sfence.sel $0x180000  }
0x51: {  	[bflag:$0x0] =	sbarrier.arrive $0xFFFF  }
0x52: {  	p0 =	sne.s32 s0, $0x0;
	_ =	strace $0x90000053  }
0x53: {  	s0 =	sadd.s32 @!p0 $0x100000, s1;
	[bflag:$0x2] =	sbarrier.arrive $0xFFFF  }
0x54: {  	[sflag:s0] =	ssyncadd.tile.s32 @!p0 $0x1;
	_ =	shalt  }
.Lfunc_end2:
_tile_overlayer_lowered:
.L_overlay_start_2:
0x55: {  	(tag) =	ssettag $0x2  }
0x56: {  	s0 =	rddreg [dreg:$0x0];
	s2 =	stileid.u32  }
0x57: {  	s1 =	rddreg [dreg:$0x1];
	p0 =	sne.s32 s2, $0x0  }
0x58: {  	s3 =	rddreg [dreg:$0x2];
	[bflag:$0x3] =	sbarrier.arrive $0xFFFF;
	s2 =	simm.s32 @!p0 $0x1C02  }
0x59: {  	[timem:s3], [sflag:s2] =	dma.local @!p0 [hbm:s0], s1  }
0x5a: {  	s0 =	simm.s32 @!p0 $0x2  }
0x5b: {  	_ =	swait.ge @!p0 [sflag:s0], s1  }
0x5c: {  	s1 =	ssub.s32 @!p0 $0x0, s1;
	[sflag:s0] =	ssyncset.done @!p0 $0x0  }
0x5d: {  	[sflag:s0] =	ssyncadd.s32 @!p0 s1  }
0x5e: {  	[bflag:$0x3] =	sbarrier.arrive $0xFFFF  }
0x5f: {  	_ =	shalt  }

// kernel: kernel.33.cloned.1.call-start
scs
__scs_entry_jumppad:
0x0: {  	(pc) =	sbr.rel $0x88, $3  }
0x1: {  	(tag) =	ssettag $0x0;
	lr =	simm.s32 $0x1  }
0x2: {  	[smem:$0x3F90] =	sst lr;
	_ =	strace $0xD0000000  }
0x3: {  	_ = 	snop  }
0x4: {  	_ = 	snop  }
0x5: {  	_ = 	snop  }
0x6: {  	_ = 	snop  }
0x7: {  	_ = 	snop  }
__scs_overlays_trampoline_lowered:
0x8: {  	[smem:$0x3F9F] =	sst s0  }
0x9: {  	[smem:$0x3FA0] =	sst s1  }
0xa: {  	[smem:$0x3FA1] =	sst s2  }
0xb: {  	[smem:$0x3FA2] =	sst s3  }
0xc: {  	[smem:$0x3FA3] =	sst s4  }
0xd: {  	[smem:$0x3FA4] =	sst s5  }
0xe: {  	[smem:$0x3FA5] =	sst s6  }
0xf: {  	[smem:$0x3FA6] =	sst s7  }
0x10: {  	[smem:$0x3FA7] =	sst s8  }
0x11: {  	[smem:$0x3FA8] =	sst s9;
	s0 =	simm.s32 @!p0 $0x0  }
0x12: {  	s1 =	sld [smem:$0x3F8E];
	s0 =	simm.s32 @p0 $0x1  }
0x13: {  	[smem:$0x3FA9] =	sst s0;
	s0 =	simm.s32 @!p1 $0x0  }
0x14: {  	s2 =	sld [smem:$0x3F8D];
	s0 =	simm.s32 @p1 $0x1  }
0x15: {  	[smem:$0x3FAA] =	sst s0;
	s0 =	simm.s32 @!p2 $0x0  }
0x16: {  	s3 =	sld [smem:$0x3FDB];
	s0 =	simm.s32 @p2 $0x1  }
0x17: {  	s4 =	simm.s32 $0x1BF5;
	[smem:$0x3FAC] =	sst s0  }
0x18: {  	s0 =	sld [smem:$0x3F8F];
	_ =	swait.ge [sflag:s4], $0x0  }
0x19: {  	s7 =	sld [smem:$0x3F90]  }
0x1a: {  	s8 =	sadd.s32 $0xFFFFE003, lr  }
0x1b: {  	s9 =	sadd.s32 $0xFFFFFEF7, lr;
	s5 =	simm.s32 $0xFFFFFFFF;
	p2 =	slt.u32 s8, $0xFFFFF086  }
0x1c: {  	p1 =	slt.u32 s9, $0xF7A;
	s5 =	simm.s32 @!p2 $0x0  }
0x1d: {  	s5 =	simm.s32 @p1 $0x1;
	p0 =	seq.s32 s7, s2  }
0x1e: {  	s7 =	smul.u32 @!p0 $0xF7A, s2;
	p2 =	seq.s32 @!p0 s5, $0x0  }
0x1f: {  	s9 =	smul.u32 $0xF7A, s1;
	s8 =	simm.s32 @!p0 $0x1BF5;
	p2 =	por !p2, p0  }
0x20: {  	[sflag:s8] =	ssyncset.s32 @!p0 $0xFFFFF086;
	s6 =	sadd.s32 @!p0 s3, s7;
	s7 =	simm.s32 @!p0 $0x108  }
0x21: {  	s3 =	sadd.s32 s3, s9;
	s6 =	sadd.s32 @!p0 $0x88, s6;
	s7 =	simm.s32 @p2 $0x1082  }
0x22: {  	[simem:s7], [sflag:s8] =	dma.local @!p0 [hbm:s6], $0xF7A  }
0x23: {  	s9 =	sor.u32 $0xD0000000, s2;
	s6 =	simm.s32 $0x108;
	_ =	swait.ge @!p0 [sflag:s8], $0x0  }
0x24: {  	s3 =	sadd.s32 $0x88, s3;
	s6 =	simm.s32 @!p1 $0x1082;
	[sflag:s4] =	ssyncset.s32 $0xFFFFF086  }
0x25: {  	[simem:s6], [sflag:s4] =	dma.local [hbm:s3], $0xF7A  }
0x26: {  	[smem:$0x3F90] =	sst s1;
	(tag) =	ssettag s2;
	_ =	strace s9  }
0x27: {  	s1 =	sld [smem:$0x3FA0]  }
0x28: {  	s2 =	sld [smem:$0x3FA1]  }
0x29: {  	s4 =	sld [smem:$0x3FA3]  }
0x2a: {  	p0 =	seq.s32 s5, $0x0;
	s5 =	sld [smem:$0x3FA4]  }
0x2b: {  	s6 =	sld [smem:$0x3FA5]  }
0x2c: {  	s7 =	sld [smem:$0x3FA6]  }
0x2d: {  	s3 =	simm.s32 $0x108;
	s8 =	sld [smem:$0x3FA7]  }
0x2e: {  	s3 =	simm.s32 @!p0 $0x1082;
	s9 =	sld [smem:$0x3FA8]  }
0x2f: {  	lr =	sadd.s32 s0, s3;
	s0 =	sld [smem:$0x3F9F]  }
0x30: {  	s3 =	sld [smem:$0x3FA2]  }
0x31: {  	[smem:$0x3FAB] =	sst s10  }
0x32: {  	s10 =	sld [smem:$0x3FA9];
	_ =	sdelay $0x3  }
0x33: {  	p0 =	seq.s32 s10, $0x1;
	s10 =	sld [smem:$0x3FAB];
	_ =	sdelay $0x3  }
0x34: {  	[smem:$0x3FAB] =	sst s10  }
0x35: {  	s10 =	sld [smem:$0x3FAA];
	_ =	sdelay $0x3  }
0x36: {  	p1 =	seq.s32 s10, $0x1;
	s10 =	sld [smem:$0x3FAB];
	_ =	sdelay $0x3  }
0x37: {  	[smem:$0x3FAB] =	sst s10  }
0x38: {  	s10 =	sld [smem:$0x3FAC]  }
0x39: {  	_ = 	snop;
	(pc) =	sbr.ind lr, $3  }
0x3a: {  	_ = 	snop  }
0x3b: {  	_ = 	snop  }
0x3c: {  	p2 =	seq.s32 s10, $0x1;
	s10 =	sld [smem:$0x3FAB]  }
0x3d: {  	_ =	shalt  }
0x3e: {  	_ =	shalt  }
0x3f: {  	_ =	shalt  }
0x40: {  	_ =	shalt  }
0x41: {  	_ =	shalt  }
0x42: {  	_ =	shalt  }
0x43: {  	_ =	shalt  }
0x44: {  	_ =	shalt  }
0x45: {  	_ =	shalt  }
0x46: {  	_ =	shalt  }
0x47: {  	_ =	shalt  }
0x48: {  	_ =	shalt  }
0x49: {  	_ =	shalt  }
0x4a: {  	_ =	shalt  }
0x4b: {  	_ =	shalt  }
0x4c: {  	_ =	shalt  }
0x4d: {  	_ =	shalt  }
0x4e: {  	_ =	shalt  }
0x4f: {  	_ =	shalt  }
0x50: {  	_ =	shalt  }
0x51: {  	_ =	shalt  }
0x52: {  	_ =	shalt  }
0x53: {  	_ =	shalt  }
0x54: {  	_ =	shalt  }
0x55: {  	_ =	shalt  }
0x56: {  	_ =	shalt  }
0x57: {  	_ =	shalt  }
0x58: {  	_ =	shalt  }
0x59: {  	_ =	shalt  }
0x5a: {  	_ =	shalt  }
0x5b: {  	_ =	shalt  }
0x5c: {  	_ =	shalt  }
0x5d: {  	_ =	shalt  }
0x5e: {  	_ =	shalt  }
0x5f: {  	_ =	shalt  }
0x60: {  	_ =	shalt  }
0x61: {  	_ =	shalt  }
0x62: {  	_ =	shalt  }
0x63: {  	_ =	shalt  }
0x64: {  	_ =	shalt  }
0x65: {  	_ =	shalt  }
0x66: {  	_ =	shalt  }
0x67: {  	_ =	shalt  }
0x68: {  	_ =	shalt  }
0x69: {  	_ =	shalt  }
0x6a: {  	_ =	shalt  }
0x6b: {  	_ =	shalt  }
0x6c: {  	_ =	shalt  }
0x6d: {  	_ =	shalt  }
0x6e: {  	_ =	shalt  }
0x6f: {  	_ =	shalt  }
0x70: {  	_ =	shalt  }
0x71: {  	_ =	shalt  }
0x72: {  	_ =	shalt  }
0x73: {  	_ =	shalt  }
0x74: {  	_ =	shalt  }
0x75: {  	_ =	shalt  }
0x76: {  	_ =	shalt  }
0x77: {  	_ =	shalt  }
0x78: {  	_ =	shalt  }
0x79: {  	_ =	shalt  }
0x7a: {  	_ =	shalt  }
0x7b: {  	_ =	shalt  }
0x7c: {  	_ =	shalt  }
0x7d: {  	_ =	shalt  }
0x7e: {  	_ =	shalt  }
0x7f: {  	_ =	shalt  }
0x80: {  	_ =	shalt  }
0x81: {  	_ =	shalt  }
0x82: {  	_ =	shalt  }
0x83: {  	_ =	shalt  }
0x84: {  	_ =	shalt  }
0x85: {  	_ =	shalt  }
0x86: {  	_ =	shalt  }
0x87: {  	_ =	shalt  }
.Lfunc_end0:
.L_simem_size_0:
called_computation.5_lowered:
.L_overlay_start_0:
0x88: {  	s2 =	sld [smem:$0x3FD9]  }
0x89: {  	s3 =	sld [smem:$0x3FFE];
	_ =	sdelay $0x1  }
0x8a: {  	s1 =	srdreg.scid  }
0x8b: {  	s0 =	sand.u32 $0x1, s1  }
0x8c: {  	s16 =	sshll.u32 s0, $0xA;
	s2 =	sadd.s32 s3, s2  }
0x8d: {  	s2 =	sadd.s32 s2, s16  }
0x8e: {  	[smem:$0x3FB7] =	sst s2  }
0x8f: {  	_ = 	snop  }
0x90: {  	(tm) =	ssettm $0x1  }
0x91: {  	s17 =	sld [smem:$0x3FFB];
	_ =	sdelay $0x3  }
0x92: {  	_ =	strace s17  }
0x93: {  	s2 =	sld [smem:$0x3FFC];
	_ =	sdelay $0x3  }
0x94: {  	_ =	strace s2  }
0x95: {  	s2 =	sld [smem:$0x3FFD];
	_ =	sdelay $0x3  }
0x96: {  	_ =	strace s2  }
0x97: {  	_ =	strace $0x8FFFFFFF  }
0x98: {  	s18 =	sld [smem:$0x3FDB];
	_ =	sdelay $0x1  }
0x99: {  	s19 =	simm.s32 $_scs_section_size  }
0x9a: {  	s4 =	simm.s32 $_size__tile_overlayer_lowered;
	s5 =	simm.s32 $_tile_overlayer_lowered  }
0x9b: {  	s22 =	simm.s32 $0x1BFF;
	s21 =	sshll.u32 s5, $0x1;
	s2 =	sadd.s32 s19, s18  }
0x9c: {  	s6 =	simm.s32 $0x0;
	s20 =	sshll.u32 s4, $0x1;
	s4 =	sadd.s32 s21, s2  }
0x9d: {  	[timem:s6], [sflag:s22] =	dma.local [hbm:s4], s20  }
0x9e: {  	_ =	swait.ge [sflag:s22], s20  }
0x9f: {  	s3 =	ssub.s32 $0x0, s20;
	[sflag:s22] =	ssyncset.done $0x0  }
0xa0: {  	[sflag:s22] =	ssyncadd.s32 s3;
	_ =	sdelay $0x1  }
0xa1: {  	s23 =	simm.s32 $0x1B8B  }
0xa2: {  	_ =	swait.ge [sflag:s23], $0x1  }
0xa3: {  	[sflag:s23] =	ssyncset.done $0x0  }
0xa4: {  	s25 =	simm.s32 $0x1B8E;
	s24 =	sld [smem:$0x3FFE];
	[sflag:s23] =	ssyncadd.s32 $0xFFFFFFFF  }
0xa5: {  	s26 =	simm.s32 $execute0_lowered;
	[smem:$0x3FD2] =	sst s25  }
0xa6: {  	s4 =	sshll.u32 s26, $0x1;
	_ =	strace $0x80000055;
	[dreg:$0x1] =	wrdreg $0xFFFFFFFF  }
0xa7: {  	s28 =	simm.s32 $_size_execute0_lowered;
	s2 =	sadd.s32 s2, s4;
	[dreg:$0x0] =	wrdreg $0x0  }
0xa8: {  	s4 =	sshll.u32 s28, $0x1;
	[dreg:$0x2] =	wrdreg s2  }
0xa9: {  	[dreg:$0x3] =	wrdreg s4  }
0xaa: {  	[dreg:$0x4] =	wrdreg $0xC0  }
0xab: {  	_ =	task [dreg:s6], $0x5FFFF  }
0xac: {  	[dreg:$0x1] =	wrdreg $0xFFFFFFFF  }
0xad: {  	[dreg:$0x0] =	wrdreg $0x60  }
0xae: {  	[dreg:$0x2] =	wrdreg s24  }
0xaf: {  	[dreg:$0x3] =	wrdreg $0x2DA00  }
0xb0: {  	[dreg:$0x4] =	wrdreg $0x9  }
0xb1: {  	_ =	task.clear_ibuf [dreg:s6], $0x5FFFF;
	_ =	strace $0x90000055  }
0xb2: {  	s29 =	simm.s32 $0x9;
	_ =	strace $0x80000057  }
0xb3: {  	_ =	swait.ge [sflag:s29], $0x1  }
0xb4: {  	[sflag:s29] =	ssyncadd.s32 $0xFFFFFFFF  }
0xb5: {  	_ =	strace $0x90000057  }
0xb6: {  	_ =	sfence  }
0xb7: {  	s30 =	sld [smem:$0x0];
	_ =	sdelay $0x2  }
0xb8: {  	s31 =	sshll.u32 s1, $0xD;
	s1 =	sshrl.u32 s1, $0x2  }
0xb9: {  	s3 =	sand.u32 $0x4000, s31;
	s1 =	sadd.s32 s1, s30  }
0xba: {  	s0 =	sor.u32 s3, s0;
	s1 =	sshll.u32 s1, $0x11  }
0xbb: {  	s0 =	sor.u32 s1, s0  }
0xbc: {  	s0 =	sadd.s32 $0x8F2B, s0  }
0xbd: {  	[sflag:s0] =	ssyncadd.remote.s32 $0x1  }
0xbe: {  	_ =	sfence.sel $0xFFFF  }
0xbf: {  	[dreg:$0x0] =	wrdreg $0xFFFFFFFF;
	(pc) =	sbr.abs _section_cstart, $3  }
0xc0: {  	[dreg:$0x1] =	wrdreg $0xFFFFFFFF  }
0xc1: {  	_ =	task.clear_ibuf [dreg:s6], $0x2FFFF;
	_ =	strace $0x9FFFFFFF  }
0xc2: {  	(tm) =	ssettm $0x7FFFFFFF  }
0xc3: {  	_ =	shalt  }
tec
execute0_lowered:
.L_overlay_start_1:
0x0: {  	(tag) =	ssettag $0x1  }
0x1: {  	s1 =	srdreg.scid;
	s5 =	rddreg [dreg:$0x0]  }
0x2: {  	s0 =	stileid.u32;
	s2 =	rddreg [dreg:$0x1]  }
0x3: {  	s3 =	simm.s32 $0x0;
	s11 =	simm.s32 $0x2;
	s12 =	simm.s32 $0x50  }
0x4: {  	s13 =	simm.s32 $0xA0;
	s14 =	simm.s32 $0x1;
	s7 =	smul.u32 $0x4E20, s0  }
0x5: {  	s6 =	sand.u32 $0x1, s1;
	s1 =	rddreg [dreg:$0x2];
	s9 =	smul.u32 $0x2800, s0  }
0x6: {  	s17 =	simm.s32 $0x0;
	[smem:$0x7FF] =	sst s3;
	s8 =	smul.u32 $0x2710, s6  }
0x7: {  	s4 =	sadd.s32 $0x17800, s5;
	s15 =	sshll.u32 s0, $0x6;
	s10 =	smul.u32 $0x28000, s6  }
0x8: {  	_ =	strace $0x80000056;
	s6 =	ssub.s32 $0x2, s6;
	s15 =	sor.u32 $0x1C02, s15  }
0x9: {  	s30 =	sshrl.u32 s6, $0x1;
	s7 =	sadd.s32 s8, s7;
	s26 =	sadd.s32 s9, s10  }
0xa: {  	s31 =	ssub.s32 s6, s30;
	s7 =	sshrl.u32 s7, $0x3;
	s8 =	sshrl.u32 s26, $0x3  }
0xb: {  	s10 =	simm.s32 $0x5A0;
	s28 =	sadd.s32 s7, s5;
	s29 =	sadd.s32 s8, s5  }
0xc: {  	s5 =	sadd.s32 s9, s2;
	s7 =	smax.u32 s31, $0x1;
	s6 =	sadd.s32 $0x1C800, s29  }
0xd: {  	v0 =	vimm.f32 $0.0e+00;
	s8 =	sadd.s32 $0xDA00, s28;
	s9 =	sadd.s32 $0x3C00, s28;
	s16 =	sshrl.u32 s5, $0x3  }
.LBB2_1:
0xe: {  	s18 =	simm.s32 $0x40;
	s19 =	simm.s32 $0x0  }
.LBB2_2:
0xf: {  	p0 =	sne.s32 s18, $0x9FC0;
	[tilespmem:s19+$0x5A0] =	vst v0;
	s19 =	smov.u32 s18;
	s18 =	sadd.s32 $0x40, s18  }
.Ltmp0:
0x10: {  	(pc) =	sbr.rel @p0 .LBB2_2-.Ltmp0, $2  }
0x11: {  	_ =	sdelay $0x2  }
0x12: {  	s19 =	sshra.s32 s19, $0x2  }
0x13: {  	[tilespmem:s19+$0x5A0] =	vst v0  }
0x14: {  	[spmem:s5] =	stream.linear.scatter [tilespmem:s10], [sflag:$0x2], $0x2800, $0x38;
	[tilespmem:$0x55A0] =	vst v63  }
0x15: {  	_ =	swait.ge [sflag:s11], $0x2800  }
0x16: {  	[sflag:s11] =	ssyncset.done $0x0  }
0x17: {  	[sflag:s11] =	ssyncadd.s32 $0xFFFFD800  }
0x18: {  	s18 =	sadd.s32 $0x0, s9;
	[bflag:$0x0] =	sbarrier.arrive $0xFFFF  }
0x19: {  	[tilespmem:s3], [sflag:$0x2] =	stream.linear.gather [hbm4b:s18+s3], $0x50, $0x38;
	[tilespmem:$0x55A0] =	vst v63  }
0x1a: {  	_ =	swait.ge [sflag:s11], $0x50  }
0x1b: {  	[sflag:s11] =	ssyncset.done $0x0  }
0x1c: {  	s31 =	sadd.s32 $0x0, s8;
	[sflag:s11] =	ssyncadd.s32 $0xFFFFFFB0  }
0x1d: {  	[tilespmem:s12], [sflag:$0x2] =	stream.linear.gather [hbm4b:s31+s3], $0x50, $0x38;
	[tilespmem:$0x55A0] =	vst v63  }
0x1e: {  	_ =	swait.ge [sflag:s11], $0x50  }
0x1f: {  	[sflag:s11] =	ssyncset.done $0x0  }
0x20: {  	[sflag:s11] =	ssyncadd.s32 $0xFFFFFFB0  }
0x21: {  	[tilespmem:s13], [sflag:$0x1] =	stream.indirect.gather [hbm4b:s4+s12], $0x10, s3, s12, $0xb8;
	[tilespmem:$0x55A0] =	vst v63  }
0x22: {  	_ =	swait.ge [sflag:s14], $0x500  }
0x23: {  	[sflag:s14] =	ssyncset.done $0x0  }
0x24: {  	[sflag:s14] =	ssyncadd.s32 $0xFFFFFB00  }
0x25: {  	[spmem:s2] =	stream.indirect.scatter.add.f32 [tilespmem:s13], [sflag:$0x2], $0x10, s12, s12, $0xb8;
	[tilespmem:$0x55A0] =	vst v63  }
0x26: {  	_ =	swait.ge [sflag:s11], $0x500  }
0x27: {  	s19 =	simm.s32 $0x14;
	s18 =	simm.s32 $0xA;
	[sflag:s11] =	ssyncset.done $0x0  }
.LBB2_4:
0x28: {  	s20 =	sadd.s32 s18, s9  }
0x29: {  	[sflag:s11] =	ssyncadd.s32 $0xFFFFFB00;
	s21 =	smov.u32 s19;
	s22 =	sadd.s32 $0xA, s19  }
0x2a: {  	[tilespmem:s3], [sflag:$0x2] =	stream.linear.gather [hbm4b:s20+s3], $0x50, $0x38;
	[tilespmem:$0x55A0] =	vst v63  }
0x2b: {  	p0 =	sne.s32 s19, $0x4D8;
	_ =	swait.ge [sflag:s11], $0x50  }
0x2c: {  	[sflag:s11] =	ssyncset.done $0x0  }
0x2d: {  	s19 =	sadd.s32 s18, s8;
	s18 =	smov.u32 s21;
	[sflag:s11] =	ssyncadd.s32 $0xFFFFFFB0  }
0x2e: {  	[tilespmem:s12], [sflag:$0x2] =	stream.linear.gather [hbm4b:s19+s3], $0x50, $0x38;
	[tilespmem:$0x55A0] =	vst v63  }
0x2f: {  	_ =	swait.ge [sflag:s11], $0x50  }
0x30: {  	[sflag:s11] =	ssyncset.done $0x0  }
0x31: {  	[sflag:s11] =	ssyncadd.s32 $0xFFFFFFB0  }
0x32: {  	[tilespmem:s13], [sflag:$0x1] =	stream.indirect.gather [hbm4b:s4+s12], $0x10, s3, s12, $0xb8;
	[tilespmem:$0x55A0] =	vst v63  }
0x33: {  	_ =	swait.ge [sflag:s14], $0x500  }
.Ltmp1:
0x34: {  	[sflag:s14] =	ssyncset.done $0x0;
	(pc) =	sbr.rel @p0 .LBB2_4-.Ltmp1, $4  }
0x35: {  	[sflag:s14] =	ssyncadd.s32 $0xFFFFFB00  }
0x36: {  	[spmem:s2] =	stream.indirect.scatter.add.f32 [tilespmem:s13], [sflag:$0x2], $0x10, s12, s12, $0xb8;
	[tilespmem:$0x55A0] =	vst v63  }
0x37: {  	_ =	swait.ge [sflag:s11], $0x500  }
0x38: {  	s19 =	smov.u32 s22;
	[sflag:s11] =	ssyncset.done $0x0  }
0x39: {  	s19 =	sadd.s32 s18, s9;
	[sflag:s11] =	ssyncadd.s32 $0xFFFFFB00  }
0x3a: {  	[tilespmem:s3], [sflag:$0x2] =	stream.linear.gather [hbm4b:s19+s3], $0x50, $0x38;
	[tilespmem:$0x55A0] =	vst v63  }
0x3b: {  	_ =	swait.ge [sflag:s11], $0x50  }
0x3c: {  	[sflag:s11] =	ssyncset.done $0x0  }
0x3d: {  	s31 =	sadd.s32 s18, s8;
	[sflag:s11] =	ssyncadd.s32 $0xFFFFFFB0  }
0x3e: {  	[tilespmem:s12], [sflag:$0x2] =	stream.linear.gather [hbm4b:s31+s3], $0x50, $0x38;
	[tilespmem:$0x55A0] =	vst v63  }
0x3f: {  	_ =	swait.ge [sflag:s11], $0x50  }
0x40: {  	[sflag:s11] =	ssyncset.done $0x0  }
0x41: {  	[sflag:s11] =	ssyncadd.s32 $0xFFFFFFB0  }
0x42: {  	[tilespmem:s13], [sflag:$0x1] =	stream.indirect.gather [hbm4b:s4+s12], $0x10, s3, s12, $0xb8;
	[tilespmem:$0x55A0] =	vst v63  }
0x43: {  	_ =	swait.ge [sflag:s14], $0x500  }
0x44: {  	[sflag:s14] =	ssyncset.done $0x0  }
0x45: {  	[sflag:s14] =	ssyncadd.s32 $0xFFFFFB00  }
0x46: {  	[spmem:s2] =	stream.indirect.scatter.add.f32 [tilespmem:s13], [sflag:$0x2], $0x10, s12, s12, $0xb8;
	[tilespmem:$0x55A0] =	vst v63  }
0x47: {  	_ =	swait.ge [sflag:s11], $0x500  }
0x48: {  	s17 =	sadd.s32 $0x1, s17;
	[sflag:s11] =	ssyncset.done $0x0  }
0x49: {  	p0 =	sne.s32 s17, s7;
	[sflag:s11] =	ssyncadd.s32 $0xFFFFFB00  }
.Ltmp2:
0x4a: {  	[bflag:$0x0] =	sbarrier.arrive $0xFFFF;
	(pc) =	sbr.rel @p0 .LBB2_1-.Ltmp2, $4  }
0x4b: {  	[hbm:s6], [sflag:s15] =	dma.local [spmem:s16], $0x500  }
0x4c: {  	_ =	swait.ge [sflag:s11], $0x500  }
0x4d: {  	[sflag:s11] =	ssyncset.done $0x0  }
0x4e: {  	[sflag:s11] =	ssyncadd.s32 $0xFFFFFB00  }
0x4f: {  	_ =	sfence.sel $0x180000  }
0x50: {  	[bflag:$0x0] =	sbarrier.arrive $0xFFFF  }
0x51: {  	p0 =	sne.s32 s0, $0x0;
	_ =	strace $0x90000056  }
0x52: {  	s0 =	sadd.s32 @!p0 $0x100000, s1;
	[bflag:$0x2] =	sbarrier.arrive $0xFFFF  }
0x53: {  	[sflag:s0] =	ssyncadd.tile.s32 @!p0 $0x1;
	_ =	shalt  }
.Lfunc_end2:
_tile_overlayer_lowered:
.L_overlay_start_2:
0x54: {  	(tag) =	ssettag $0x2  }
0x55: {  	s0 =	rddreg [dreg:$0x0];
	s2 =	stileid.u32  }
0x56: {  	s1 =	rddreg [dreg:$0x1];
	p0 =	sne.s32 s2, $0x0  }
0x57: {  	s3 =	rddreg [dreg:$0x2];
	[bflag:$0x3] =	sbarrier.arrive $0xFFFF;
	s2 =	simm.s32 @!p0 $0x1C02  }
0x58: {  	[timem:s3], [sflag:s2] =	dma.local @!p0 [hbm:s0], s1  }
0x59: {  	s0 =	simm.s32 @!p0 $0x2  }
0x5a: {  	_ =	swait.ge @!p0 [sflag:s0], s1  }
0x5b: {  	s1 =	ssub.s32 @!p0 $0x0, s1;
	[sflag:s0] =	ssyncset.done @!p0 $0x0  }
0x5c: {  	[sflag:s0] =	ssyncadd.s32 @!p0 s1  }
0x5d: {  	[bflag:$0x3] =	sbarrier.arrive $0xFFFF  }
0x5e: {  	_ =	shalt  }

// kernel: kernel.36.cloned.1.call-start
scs
__scs_entry_jumppad:
0x0: {  	(pc) =	sbr.rel $0x88, $3  }
0x1: {  	(tag) =	ssettag $0x0;
	lr =	simm.s32 $0x1  }
0x2: {  	[smem:$0x3F90] =	sst lr;
	_ =	strace $0xD0000000  }
0x3: {  	_ = 	snop  }
0x4: {  	_ = 	snop  }
0x5: {  	_ = 	snop  }
0x6: {  	_ = 	snop  }
0x7: {  	_ = 	snop  }
__scs_overlays_trampoline_lowered:
0x8: {  	[smem:$0x3F9F] =	sst s0  }
0x9: {  	[smem:$0x3FA0] =	sst s1  }
0xa: {  	[smem:$0x3FA1] =	sst s2  }
0xb: {  	[smem:$0x3FA2] =	sst s3  }
0xc: {  	[smem:$0x3FA3] =	sst s4  }
0xd: {  	[smem:$0x3FA4] =	sst s5  }
0xe: {  	[smem:$0x3FA5] =	sst s6  }
0xf: {  	[smem:$0x3FA6] =	sst s7  }
0x10: {  	[smem:$0x3FA7] =	sst s8  }
0x11: {  	[smem:$0x3FA8] =	sst s9;
	s0 =	simm.s32 @!p0 $0x0  }
0x12: {  	s1 =	sld [smem:$0x3F8E];
	s0 =	simm.s32 @p0 $0x1  }
0x13: {  	[smem:$0x3FA9] =	sst s0;
	s0 =	simm.s32 @!p1 $0x0  }
0x14: {  	s2 =	sld [smem:$0x3F8D];
	s0 =	simm.s32 @p1 $0x1  }
0x15: {  	[smem:$0x3FAA] =	sst s0;
	s0 =	simm.s32 @!p2 $0x0  }
0x16: {  	s3 =	sld [smem:$0x3FDB];
	s0 =	simm.s32 @p2 $0x1  }
0x17: {  	s4 =	simm.s32 $0x1BF5;
	[smem:$0x3FAC] =	sst s0  }
0x18: {  	s0 =	sld [smem:$0x3F8F];
	_ =	swait.ge [sflag:s4], $0x0  }
0x19: {  	s7 =	sld [smem:$0x3F90]  }
0x1a: {  	s8 =	sadd.s32 $0xFFFFE003, lr  }
0x1b: {  	s9 =	sadd.s32 $0xFFFFFEF7, lr;
	s5 =	simm.s32 $0xFFFFFFFF;
	p2 =	slt.u32 s8, $0xFFFFF086  }
0x1c: {  	p1 =	slt.u32 s9, $0xF7A;
	s5 =	simm.s32 @!p2 $0x0  }
0x1d: {  	s5 =	simm.s32 @p1 $0x1;
	p0 =	seq.s32 s7, s2  }
0x1e: {  	s7 =	smul.u32 @!p0 $0xF7A, s2;
	p2 =	seq.s32 @!p0 s5, $0x0  }
0x1f: {  	s9 =	smul.u32 $0xF7A, s1;
	s8 =	simm.s32 @!p0 $0x1BF5;
	p2 =	por !p2, p0  }
0x20: {  	[sflag:s8] =	ssyncset.s32 @!p0 $0xFFFFF086;
	s6 =	sadd.s32 @!p0 s3, s7;
	s7 =	simm.s32 @!p0 $0x108  }
0x21: {  	s3 =	sadd.s32 s3, s9;
	s6 =	sadd.s32 @!p0 $0x88, s6;
	s7 =	simm.s32 @p2 $0x1082  }
0x22: {  	[simem:s7], [sflag:s8] =	dma.local @!p0 [hbm:s6], $0xF7A  }
0x23: {  	s9 =	sor.u32 $0xD0000000, s2;
	s6 =	simm.s32 $0x108;
	_ =	swait.ge @!p0 [sflag:s8], $0x0  }
0x24: {  	s3 =	sadd.s32 $0x88, s3;
	s6 =	simm.s32 @!p1 $0x1082;
	[sflag:s4] =	ssyncset.s32 $0xFFFFF086  }
0x25: {  	[simem:s6], [sflag:s4] =	dma.local [hbm:s3], $0xF7A  }
0x26: {  	[smem:$0x3F90] =	sst s1;
	(tag) =	ssettag s2;
	_ =	strace s9  }
0x27: {  	s1 =	sld [smem:$0x3FA0]  }
0x28: {  	s2 =	sld [smem:$0x3FA1]  }
0x29: {  	s4 =	sld [smem:$0x3FA3]  }
0x2a: {  	p0 =	seq.s32 s5, $0x0;
	s5 =	sld [smem:$0x3FA4]  }
0x2b: {  	s6 =	sld [smem:$0x3FA5]  }
0x2c: {  	s7 =	sld [smem:$0x3FA6]  }
0x2d: {  	s3 =	simm.s32 $0x108;
	s8 =	sld [smem:$0x3FA7]  }
0x2e: {  	s3 =	simm.s32 @!p0 $0x1082;
	s9 =	sld [smem:$0x3FA8]  }
0x2f: {  	lr =	sadd.s32 s0, s3;
	s0 =	sld [smem:$0x3F9F]  }
0x30: {  	s3 =	sld [smem:$0x3FA2]  }
0x31: {  	[smem:$0x3FAB] =	sst s10  }
0x32: {  	s10 =	sld [smem:$0x3FA9];
	_ =	sdelay $0x3  }
0x33: {  	p0 =	seq.s32 s10, $0x1;
	s10 =	sld [smem:$0x3FAB];
	_ =	sdelay $0x3  }
0x34: {  	[smem:$0x3FAB] =	sst s10  }
0x35: {  	s10 =	sld [smem:$0x3FAA];
	_ =	sdelay $0x3  }
0x36: {  	p1 =	seq.s32 s10, $0x1;
	s10 =	sld [smem:$0x3FAB];
	_ =	sdelay $0x3  }
0x37: {  	[smem:$0x3FAB] =	sst s10  }
0x38: {  	s10 =	sld [smem:$0x3FAC]  }
0x39: {  	_ = 	snop;
	(pc) =	sbr.ind lr, $3  }
0x3a: {  	_ = 	snop  }
0x3b: {  	_ = 	snop  }
0x3c: {  	p2 =	seq.s32 s10, $0x1;
	s10 =	sld [smem:$0x3FAB]  }
0x3d: {  	_ =	shalt  }
0x3e: {  	_ =	shalt  }
0x3f: {  	_ =	shalt  }
0x40: {  	_ =	shalt  }
0x41: {  	_ =	shalt  }
0x42: {  	_ =	shalt  }
0x43: {  	_ =	shalt  }
0x44: {  	_ =	shalt  }
0x45: {  	_ =	shalt  }
0x46: {  	_ =	shalt  }
0x47: {  	_ =	shalt  }
0x48: {  	_ =	shalt  }
0x49: {  	_ =	shalt  }
0x4a: {  	_ =	shalt  }
0x4b: {  	_ =	shalt  }
0x4c: {  	_ =	shalt  }
0x4d: {  	_ =	shalt  }
0x4e: {  	_ =	shalt  }
0x4f: {  	_ =	shalt  }
0x50: {  	_ =	shalt  }
0x51: {  	_ =	shalt  }
0x52: {  	_ =	shalt  }
0x53: {  	_ =	shalt  }
0x54: {  	_ =	shalt  }
0x55: {  	_ =	shalt  }
0x56: {  	_ =	shalt  }
0x57: {  	_ =	shalt  }
0x58: {  	_ =	shalt  }
0x59: {  	_ =	shalt  }
0x5a: {  	_ =	shalt  }
0x5b: {  	_ =	shalt  }
0x5c: {  	_ =	shalt  }
0x5d: {  	_ =	shalt  }
0x5e: {  	_ =	shalt  }
0x5f: {  	_ =	shalt  }
0x60: {  	_ =	shalt  }
0x61: {  	_ =	shalt  }
0x62: {  	_ =	shalt  }
0x63: {  	_ =	shalt  }
0x64: {  	_ =	shalt  }
0x65: {  	_ =	shalt  }
0x66: {  	_ =	shalt  }
0x67: {  	_ =	shalt  }
0x68: {  	_ =	shalt  }
0x69: {  	_ =	shalt  }
0x6a: {  	_ =	shalt  }
0x6b: {  	_ =	shalt  }
0x6c: {  	_ =	shalt  }
0x6d: {  	_ =	shalt  }
0x6e: {  	_ =	shalt  }
0x6f: {  	_ =	shalt  }
0x70: {  	_ =	shalt  }
0x71: {  	_ =	shalt  }
0x72: {  	_ =	shalt  }
0x73: {  	_ =	shalt  }
0x74: {  	_ =	shalt  }
0x75: {  	_ =	shalt  }
0x76: {  	_ =	shalt  }
0x77: {  	_ =	shalt  }
0x78: {  	_ =	shalt  }
0x79: {  	_ =	shalt  }
0x7a: {  	_ =	shalt  }
0x7b: {  	_ =	shalt  }
0x7c: {  	_ =	shalt  }
0x7d: {  	_ =	shalt  }
0x7e: {  	_ =	shalt  }
0x7f: {  	_ =	shalt  }
0x80: {  	_ =	shalt  }
0x81: {  	_ =	shalt  }
0x82: {  	_ =	shalt  }
0x83: {  	_ =	shalt  }
0x84: {  	_ =	shalt  }
0x85: {  	_ =	shalt  }
0x86: {  	_ =	shalt  }
0x87: {  	_ =	shalt  }
.Lfunc_end0:
.L_simem_size_0:
called_computation.6_lowered:
.L_overlay_start_0:
0x88: {  	s2 =	sld [smem:$0x3FD9]  }
0x89: {  	s3 =	sld [smem:$0x3FFE];
	_ =	sdelay $0x1  }
0x8a: {  	s1 =	srdreg.scid  }
0x8b: {  	s0 =	sand.u32 $0x1, s1  }
0x8c: {  	s16 =	sshll.u32 s0, $0xA;
	s2 =	sadd.s32 s3, s2  }
0x8d: {  	s2 =	sadd.s32 s2, s16  }
0x8e: {  	[smem:$0x3FB7] =	sst s2  }
0x8f: {  	_ = 	snop  }
0x90: {  	(tm) =	ssettm $0x1  }
0x91: {  	s17 =	sld [smem:$0x3FFB];
	_ =	sdelay $0x3  }
0x92: {  	_ =	strace s17  }
0x93: {  	s2 =	sld [smem:$0x3FFC];
	_ =	sdelay $0x3  }
0x94: {  	_ =	strace s2  }
0x95: {  	s2 =	sld [smem:$0x3FFD];
	_ =	sdelay $0x3  }
0x96: {  	_ =	strace s2  }
0x97: {  	_ =	strace $0x8FFFFFFF  }
0x98: {  	s18 =	sld [smem:$0x3FDB];
	_ =	sdelay $0x1  }
0x99: {  	s19 =	simm.s32 $_scs_section_size  }
0x9a: {  	s4 =	simm.s32 $_size__tile_overlayer_lowered;
	s5 =	simm.s32 $_tile_overlayer_lowered  }
0x9b: {  	s22 =	simm.s32 $0x1BFF;
	s21 =	sshll.u32 s5, $0x1;
	s2 =	sadd.s32 s19, s18  }
0x9c: {  	s6 =	simm.s32 $0x0;
	s20 =	sshll.u32 s4, $0x1;
	s4 =	sadd.s32 s21, s2  }
0x9d: {  	[timem:s6], [sflag:s22] =	dma.local [hbm:s4], s20  }
0x9e: {  	_ =	swait.ge [sflag:s22], s20  }
0x9f: {  	s3 =	ssub.s32 $0x0, s20;
	[sflag:s22] =	ssyncset.done $0x0  }
0xa0: {  	[sflag:s22] =	ssyncadd.s32 s3;
	_ =	sdelay $0x1  }
0xa1: {  	s23 =	simm.s32 $0x1B8B  }
0xa2: {  	_ =	swait.ge [sflag:s23], $0x1  }
0xa3: {  	[sflag:s23] =	ssyncset.done $0x0  }
0xa4: {  	s25 =	simm.s32 $0x1B8E;
	s24 =	sld [smem:$0x3FFE];
	[sflag:s23] =	ssyncadd.s32 $0xFFFFFFFF  }
0xa5: {  	s26 =	simm.s32 $execute0_lowered;
	[smem:$0x3FD2] =	sst s25  }
0xa6: {  	s4 =	sshll.u32 s26, $0x1;
	_ =	strace $0x80000058;
	[dreg:$0x1] =	wrdreg $0xFFFFFFFF  }
0xa7: {  	s28 =	simm.s32 $_size_execute0_lowered;
	s2 =	sadd.s32 s2, s4;
	[dreg:$0x0] =	wrdreg $0x0  }
0xa8: {  	s4 =	sshll.u32 s28, $0x1;
	[dreg:$0x2] =	wrdreg s2  }
0xa9: {  	[dreg:$0x3] =	wrdreg s4  }
0xaa: {  	[dreg:$0x4] =	wrdreg $0xC0  }
0xab: {  	_ =	task [dreg:s6], $0x5FFFF  }
0xac: {  	[dreg:$0x1] =	wrdreg $0xFFFFFFFF  }
0xad: {  	[dreg:$0x0] =	wrdreg $0x60  }
0xae: {  	[dreg:$0x2] =	wrdreg s24  }
0xaf: {  	[dreg:$0x3] =	wrdreg $0x2DA00  }
0xb0: {  	[dreg:$0x4] =	wrdreg $0x9  }
0xb1: {  	_ =	task.clear_ibuf [dreg:s6], $0x5FFFF;
	_ =	strace $0x90000058  }
0xb2: {  	s29 =	simm.s32 $0x9;
	_ =	strace $0x8000005A  }
0xb3: {  	_ =	swait.ge [sflag:s29], $0x1  }
0xb4: {  	[sflag:s29] =	ssyncadd.s32 $0xFFFFFFFF  }
0xb5: {  	_ =	strace $0x9000005A  }
0xb6: {  	_ =	sfence  }
0xb7: {  	s30 =	sld [smem:$0x0];
	_ =	sdelay $0x2  }
0xb8: {  	s31 =	sshll.u32 s1, $0xD;
	s1 =	sshrl.u32 s1, $0x2  }
0xb9: {  	s3 =	sand.u32 $0x4000, s31;
	s1 =	sadd.s32 s1, s30  }
0xba: {  	s0 =	sor.u32 s3, s0;
	s1 =	sshll.u32 s1, $0x11  }
0xbb: {  	s0 =	sor.u32 s1, s0  }
0xbc: {  	s0 =	sadd.s32 $0x8F2B, s0  }
0xbd: {  	[sflag:s0] =	ssyncadd.remote.s32 $0x1  }
0xbe: {  	_ =	sfence.sel $0xFFFF  }
0xbf: {  	[dreg:$0x0] =	wrdreg $0xFFFFFFFF;
	(pc) =	sbr.abs _section_cstart, $3  }
0xc0: {  	[dreg:$0x1] =	wrdreg $0xFFFFFFFF  }
0xc1: {  	_ =	task.clear_ibuf [dreg:s6], $0x2FFFF;
	_ =	strace $0x9FFFFFFF  }
0xc2: {  	(tm) =	ssettm $0x7FFFFFFF  }
0xc3: {  	_ =	shalt  }
tec
execute0_lowered:
.L_overlay_start_1:
0x0: {  	(tag) =	ssettag $0x1  }
0x1: {  	s1 =	srdreg.scid;
	s5 =	rddreg [dreg:$0x0]  }
0x2: {  	s0 =	stileid.u32;
	s2 =	rddreg [dreg:$0x1]  }
0x3: {  	s3 =	simm.s32 $0x0;
	s11 =	simm.s32 $0x2;
	s12 =	simm.s32 $0x50  }
0x4: {  	s13 =	simm.s32 $0xA0;
	s14 =	simm.s32 $0x1;
	s7 =	smul.u32 $0x4E20, s0  }
0x5: {  	s6 =	sand.u32 $0x1, s1;
	s1 =	rddreg [dreg:$0x2];
	s9 =	smul.u32 $0x2800, s0  }
0x6: {  	s17 =	simm.s32 $0x0;
	[smem:$0x7FF] =	sst s3;
	s8 =	smul.u32 $0x2710, s6  }
0x7: {  	s4 =	sadd.s32 $0x17800, s5;
	s15 =	sshll.u32 s0, $0x6;
	s10 =	smul.u32 $0x28000, s6  }
0x8: {  	_ =	strace $0x80000059;
	s6 =	ssub.s32 $0x2, s6;
	s15 =	sor.u32 $0x1C02, s15  }
0x9: {  	s30 =	sshrl.u32 s6, $0x1;
	s7 =	sadd.s32 s8, s7;
	s26 =	sadd.s32 s9, s10  }
0xa: {  	s31 =	ssub.s32 s6, s30;
	s7 =	sshrl.u32 s7, $0x3;
	s8 =	sshrl.u32 s26, $0x3  }
0xb: {  	s10 =	simm.s32 $0x5A0;
	s28 =	sadd.s32 s7, s5;
	s29 =	sadd.s32 s8, s5  }
0xc: {  	s5 =	sadd.s32 s9, s2;
	s7 =	smax.u32 s31, $0x1;
	s6 =	sadd.s32 $0x1C800, s29  }
0xd: {  	v0 =	vimm.f32 $0.0e+00;
	s8 =	sadd.s32 $0xDA00, s28;
	s9 =	sadd.s32 $0x3C00, s28;
	s16 =	sshrl.u32 s5, $0x3  }
.LBB2_1:
0xe: {  	s18 =	simm.s32 $0x40;
	s19 =	simm.s32 $0x0  }
.LBB2_2:
0xf: {  	p0 =	sne.s32 s18, $0x9FC0;
	[tilespmem:s19+$0x5A0] =	vst v0;
	s19 =	smov.u32 s18;
	s18 =	sadd.s32 $0x40, s18  }
.Ltmp0:
0x10: {  	(pc) =	sbr.rel @p0 .LBB2_2-.Ltmp0, $2  }
0x11: {  	_ =	sdelay $0x2  }
0x12: {  	s19 =	sshra.s32 s19, $0x2  }
0x13: {  	[tilespmem:s19+$0x5A0] =	vst v0  }
0x14: {  	[spmem:s5] =	stream.linear.scatter [tilespmem:s10], [sflag:$0x2], $0x2800, $0x38;
	[tilespmem:$0x55A0] =	vst v63  }
0x15: {  	_ =	swait.ge [sflag:s11], $0x2800  }
0x16: {  	[sflag:s11] =	ssyncset.done $0x0  }
0x17: {  	[sflag:s11] =	ssyncadd.s32 $0xFFFFD800  }
0x18: {  	s18 =	sadd.s32 $0x0, s9;
	[bflag:$0x0] =	sbarrier.arrive $0xFFFF  }
0x19: {  	[tilespmem:s3], [sflag:$0x2] =	stream.linear.gather [hbm4b:s18+s3], $0x50, $0x38;
	[tilespmem:$0x55A0] =	vst v63  }
0x1a: {  	_ =	swait.ge [sflag:s11], $0x50  }
0x1b: {  	[sflag:s11] =	ssyncset.done $0x0  }
0x1c: {  	s31 =	sadd.s32 $0x0, s8;
	[sflag:s11] =	ssyncadd.s32 $0xFFFFFFB0  }
0x1d: {  	[tilespmem:s12], [sflag:$0x2] =	stream.linear.gather [hbm4b:s31+s3], $0x50, $0x38;
	[tilespmem:$0x55A0] =	vst v63  }
0x1e: {  	_ =	swait.ge [sflag:s11], $0x50  }
0x1f: {  	[sflag:s11] =	ssyncset.done $0x0  }
0x20: {  	[sflag:s11] =	ssyncadd.s32 $0xFFFFFFB0  }
0x21: {  	[tilespmem:s13], [sflag:$0x1] =	stream.indirect.gather [hbm4b:s4+s12], $0x10, s3, s12, $0xb8;
	[tilespmem:$0x55A0] =	vst v63  }
0x22: {  	_ =	swait.ge [sflag:s14], $0x500  }
0x23: {  	[sflag:s14] =	ssyncset.done $0x0  }
0x24: {  	[sflag:s14] =	ssyncadd.s32 $0xFFFFFB00  }
0x25: {  	[spmem:s2] =	stream.indirect.scatter.add.f32 [tilespmem:s13], [sflag:$0x2], $0x10, s12, s12, $0xb8;
	[tilespmem:$0x55A0] =	vst v63  }
0x26: {  	_ =	swait.ge [sflag:s11], $0x500  }
0x27: {  	s19 =	simm.s32 $0x14;
	s18 =	simm.s32 $0xA;
	[sflag:s11] =	ssyncset.done $0x0  }
.LBB2_4:
0x28: {  	s20 =	sadd.s32 s18, s9  }
0x29: {  	[sflag:s11] =	ssyncadd.s32 $0xFFFFFB00;
	s21 =	smov.u32 s19;
	s22 =	sadd.s32 $0xA, s19  }
0x2a: {  	[tilespmem:s3], [sflag:$0x2] =	stream.linear.gather [hbm4b:s20+s3], $0x50, $0x38;
	[tilespmem:$0x55A0] =	vst v63  }
0x2b: {  	p0 =	sne.s32 s19, $0x4D8;
	_ =	swait.ge [sflag:s11], $0x50  }
0x2c: {  	[sflag:s11] =	ssyncset.done $0x0  }
0x2d: {  	s19 =	sadd.s32 s18, s8;
	s18 =	smov.u32 s21;
	[sflag:s11] =	ssyncadd.s32 $0xFFFFFFB0  }
0x2e: {  	[tilespmem:s12], [sflag:$0x2] =	stream.linear.gather [hbm4b:s19+s3], $0x50, $0x38;
	[tilespmem:$0x55A0] =	vst v63  }
0x2f: {  	_ =	swait.ge [sflag:s11], $0x50  }
0x30: {  	[sflag:s11] =	ssyncset.done $0x0  }
0x31: {  	[sflag:s11] =	ssyncadd.s32 $0xFFFFFFB0  }
0x32: {  	[tilespmem:s13], [sflag:$0x1] =	stream.indirect.gather [hbm4b:s4+s12], $0x10, s3, s12, $0xb8;
	[tilespmem:$0x55A0] =	vst v63  }
0x33: {  	_ =	swait.ge [sflag:s14], $0x500  }
.Ltmp1:
0x34: {  	[sflag:s14] =	ssyncset.done $0x0;
	(pc) =	sbr.rel @p0 .LBB2_4-.Ltmp1, $4  }
0x35: {  	[sflag:s14] =	ssyncadd.s32 $0xFFFFFB00  }
0x36: {  	[spmem:s2] =	stream.indirect.scatter.add.f32 [tilespmem:s13], [sflag:$0x2], $0x10, s12, s12, $0xb8;
	[tilespmem:$0x55A0] =	vst v63  }
0x37: {  	_ =	swait.ge [sflag:s11], $0x500  }
0x38: {  	s19 =	smov.u32 s22;
	[sflag:s11] =	ssyncset.done $0x0  }
0x39: {  	s19 =	sadd.s32 s18, s9;
	[sflag:s11] =	ssyncadd.s32 $0xFFFFFB00  }
0x3a: {  	[tilespmem:s3], [sflag:$0x2] =	stream.linear.gather [hbm4b:s19+s3], $0x50, $0x38;
	[tilespmem:$0x55A0] =	vst v63  }
0x3b: {  	_ =	swait.ge [sflag:s11], $0x50  }
0x3c: {  	[sflag:s11] =	ssyncset.done $0x0  }
0x3d: {  	s31 =	sadd.s32 s18, s8;
	[sflag:s11] =	ssyncadd.s32 $0xFFFFFFB0  }
0x3e: {  	[tilespmem:s12], [sflag:$0x2] =	stream.linear.gather [hbm4b:s31+s3], $0x50, $0x38;
	[tilespmem:$0x55A0] =	vst v63  }
0x3f: {  	_ =	swait.ge [sflag:s11], $0x50  }
0x40: {  	[sflag:s11] =	ssyncset.done $0x0  }
0x41: {  	[sflag:s11] =	ssyncadd.s32 $0xFFFFFFB0  }
0x42: {  	[tilespmem:s13], [sflag:$0x1] =	stream.indirect.gather [hbm4b:s4+s12], $0x10, s3, s12, $0xb8;
	[tilespmem:$0x55A0] =	vst v63  }
0x43: {  	_ =	swait.ge [sflag:s14], $0x500  }
0x44: {  	[sflag:s14] =	ssyncset.done $0x0  }
0x45: {  	[sflag:s14] =	ssyncadd.s32 $0xFFFFFB00  }
0x46: {  	[spmem:s2] =	stream.indirect.scatter.add.f32 [tilespmem:s13], [sflag:$0x2], $0x10, s12, s12, $0xb8;
	[tilespmem:$0x55A0] =	vst v63  }
0x47: {  	_ =	swait.ge [sflag:s11], $0x500  }
0x48: {  	s17 =	sadd.s32 $0x1, s17;
	[sflag:s11] =	ssyncset.done $0x0  }
0x49: {  	p0 =	sne.s32 s17, s7;
	[sflag:s11] =	ssyncadd.s32 $0xFFFFFB00  }
.Ltmp2:
0x4a: {  	[bflag:$0x0] =	sbarrier.arrive $0xFFFF;
	(pc) =	sbr.rel @p0 .LBB2_1-.Ltmp2, $4  }
0x4b: {  	[hbm:s6], [sflag:s15] =	dma.local [spmem:s16], $0x500  }
0x4c: {  	_ =	swait.ge [sflag:s11], $0x500  }
0x4d: {  	[sflag:s11] =	ssyncset.done $0x0  }
0x4e: {  	[sflag:s11] =	ssyncadd.s32 $0xFFFFFB00  }
0x4f: {  	_ =	sfence.sel $0x180000  }
0x50: {  	[bflag:$0x0] =	sbarrier.arrive $0xFFFF  }
0x51: {  	p0 =	sne.s32 s0, $0x0;
	_ =	strace $0x90000059  }
0x52: {  	s0 =	sadd.s32 @!p0 $0x100000, s1;
	[bflag:$0x2] =	sbarrier.arrive $0xFFFF  }
0x53: {  	[sflag:s0] =	ssyncadd.tile.s32 @!p0 $0x1;
	_ =	shalt  }
.Lfunc_end2:
_tile_overlayer_lowered:
.L_overlay_start_2:
0x54: {  	(tag) =	ssettag $0x2  }
0x55: {  	s0 =	rddreg [dreg:$0x0];
	s2 =	stileid.u32  }
0x56: {  	s1 =	rddreg [dreg:$0x1];
	p0 =	sne.s32 s2, $0x0  }
0x57: {  	s3 =	rddreg [dreg:$0x2];
	[bflag:$0x3] =	sbarrier.arrive $0xFFFF;
	s2 =	simm.s32 @!p0 $0x1C02  }
0x58: {  	[timem:s3], [sflag:s2] =	dma.local @!p0 [hbm:s0], s1  }
0x59: {  	s0 =	simm.s32 @!p0 $0x2  }
0x5a: {  	_ =	swait.ge @!p0 [sflag:s0], s1  }
0x5b: {  	s1 =	ssub.s32 @!p0 $0x0, s1;
	[sflag:s0] =	ssyncset.done @!p0 $0x0  }
0x5c: {  	[sflag:s0] =	ssyncadd.s32 @!p0 s1  }
0x5d: {  	[bflag:$0x3] =	sbarrier.arrive $0xFFFF  }
0x5e: {  	_ =	shalt  }

// kernel: kernel.39.cloned.1.call-start
scs
__scs_entry_jumppad:
0x0: {  	(pc) =	sbr.rel $0x88, $3  }
0x1: {  	(tag) =	ssettag $0x0;
	lr =	simm.s32 $0x1  }
0x2: {  	[smem:$0x3F90] =	sst lr;
	_ =	strace $0xD0000000  }
0x3: {  	_ = 	snop  }
0x4: {  	_ = 	snop  }
0x5: {  	_ = 	snop  }
0x6: {  	_ = 	snop  }
0x7: {  	_ = 	snop  }
__scs_overlays_trampoline_lowered:
0x8: {  	[smem:$0x3F9F] =	sst s0  }
0x9: {  	[smem:$0x3FA0] =	sst s1  }
0xa: {  	[smem:$0x3FA1] =	sst s2  }
0xb: {  	[smem:$0x3FA2] =	sst s3  }
0xc: {  	[smem:$0x3FA3] =	sst s4  }
0xd: {  	[smem:$0x3FA4] =	sst s5  }
0xe: {  	[smem:$0x3FA5] =	sst s6  }
0xf: {  	[smem:$0x3FA6] =	sst s7  }
0x10: {  	[smem:$0x3FA7] =	sst s8  }
0x11: {  	[smem:$0x3FA8] =	sst s9;
	s0 =	simm.s32 @!p0 $0x0  }
0x12: {  	s1 =	sld [smem:$0x3F8E];
	s0 =	simm.s32 @p0 $0x1  }
0x13: {  	[smem:$0x3FA9] =	sst s0;
	s0 =	simm.s32 @!p1 $0x0  }
0x14: {  	s2 =	sld [smem:$0x3F8D];
	s0 =	simm.s32 @p1 $0x1  }
0x15: {  	[smem:$0x3FAA] =	sst s0;
	s0 =	simm.s32 @!p2 $0x0  }
0x16: {  	s3 =	sld [smem:$0x3FDB];
	s0 =	simm.s32 @p2 $0x1  }
0x17: {  	s4 =	simm.s32 $0x1BF5;
	[smem:$0x3FAC] =	sst s0  }
0x18: {  	s0 =	sld [smem:$0x3F8F];
	_ =	swait.ge [sflag:s4], $0x0  }
0x19: {  	s7 =	sld [smem:$0x3F90]  }
0x1a: {  	s8 =	sadd.s32 $0xFFFFE003, lr  }
0x1b: {  	s9 =	sadd.s32 $0xFFFFFEF7, lr;
	s5 =	simm.s32 $0xFFFFFFFF;
	p2 =	slt.u32 s8, $0xFFFFF086  }
0x1c: {  	p1 =	slt.u32 s9, $0xF7A;
	s5 =	simm.s32 @!p2 $0x0  }
0x1d: {  	s5 =	simm.s32 @p1 $0x1;
	p0 =	seq.s32 s7, s2  }
0x1e: {  	s7 =	smul.u32 @!p0 $0xF7A, s2;
	p2 =	seq.s32 @!p0 s5, $0x0  }
0x1f: {  	s9 =	smul.u32 $0xF7A, s1;
	s8 =	simm.s32 @!p0 $0x1BF5;
	p2 =	por !p2, p0  }
0x20: {  	[sflag:s8] =	ssyncset.s32 @!p0 $0xFFFFF086;
	s6 =	sadd.s32 @!p0 s3, s7;
	s7 =	simm.s32 @!p0 $0x108  }
0x21: {  	s3 =	sadd.s32 s3, s9;
	s6 =	sadd.s32 @!p0 $0x88, s6;
	s7 =	simm.s32 @p2 $0x1082  }
0x22: {  	[simem:s7], [sflag:s8] =	dma.local @!p0 [hbm:s6], $0xF7A  }
0x23: {  	s9 =	sor.u32 $0xD0000000, s2;
	s6 =	simm.s32 $0x108;
	_ =	swait.ge @!p0 [sflag:s8], $0x0  }
0x24: {  	s3 =	sadd.s32 $0x88, s3;
	s6 =	simm.s32 @!p1 $0x1082;
	[sflag:s4] =	ssyncset.s32 $0xFFFFF086  }
0x25: {  	[simem:s6], [sflag:s4] =	dma.local [hbm:s3], $0xF7A  }
0x26: {  	[smem:$0x3F90] =	sst s1;
	(tag) =	ssettag s2;
	_ =	strace s9  }
0x27: {  	s1 =	sld [smem:$0x3FA0]  }
0x28: {  	s2 =	sld [smem:$0x3FA1]  }
0x29: {  	s4 =	sld [smem:$0x3FA3]  }
0x2a: {  	p0 =	seq.s32 s5, $0x0;
	s5 =	sld [smem:$0x3FA4]  }
0x2b: {  	s6 =	sld [smem:$0x3FA5]  }
0x2c: {  	s7 =	sld [smem:$0x3FA6]  }
0x2d: {  	s3 =	simm.s32 $0x108;
	s8 =	sld [smem:$0x3FA7]  }
0x2e: {  	s3 =	simm.s32 @!p0 $0x1082;
	s9 =	sld [smem:$0x3FA8]  }
0x2f: {  	lr =	sadd.s32 s0, s3;
	s0 =	sld [smem:$0x3F9F]  }
0x30: {  	s3 =	sld [smem:$0x3FA2]  }
0x31: {  	[smem:$0x3FAB] =	sst s10  }
0x32: {  	s10 =	sld [smem:$0x3FA9];
	_ =	sdelay $0x3  }
0x33: {  	p0 =	seq.s32 s10, $0x1;
	s10 =	sld [smem:$0x3FAB];
	_ =	sdelay $0x3  }
0x34: {  	[smem:$0x3FAB] =	sst s10  }
0x35: {  	s10 =	sld [smem:$0x3FAA];
	_ =	sdelay $0x3  }
0x36: {  	p1 =	seq.s32 s10, $0x1;
	s10 =	sld [smem:$0x3FAB];
	_ =	sdelay $0x3  }
0x37: {  	[smem:$0x3FAB] =	sst s10  }
0x38: {  	s10 =	sld [smem:$0x3FAC]  }
0x39: {  	_ = 	snop;
	(pc) =	sbr.ind lr, $3  }
0x3a: {  	_ = 	snop  }
0x3b: {  	_ = 	snop  }
0x3c: {  	p2 =	seq.s32 s10, $0x1;
	s10 =	sld [smem:$0x3FAB]  }
0x3d: {  	_ =	shalt  }
0x3e: {  	_ =	shalt  }
0x3f: {  	_ =	shalt  }
0x40: {  	_ =	shalt  }
0x41: {  	_ =	shalt  }
0x42: {  	_ =	shalt  }
0x43: {  	_ =	shalt  }
0x44: {  	_ =	shalt  }
0x45: {  	_ =	shalt  }
0x46: {  	_ =	shalt  }
0x47: {  	_ =	shalt  }
0x48: {  	_ =	shalt  }
0x49: {  	_ =	shalt  }
0x4a: {  	_ =	shalt  }
0x4b: {  	_ =	shalt  }
0x4c: {  	_ =	shalt  }
0x4d: {  	_ =	shalt  }
0x4e: {  	_ =	shalt  }
0x4f: {  	_ =	shalt  }
0x50: {  	_ =	shalt  }
0x51: {  	_ =	shalt  }
0x52: {  	_ =	shalt  }
0x53: {  	_ =	shalt  }
0x54: {  	_ =	shalt  }
0x55: {  	_ =	shalt  }
0x56: {  	_ =	shalt  }
0x57: {  	_ =	shalt  }
0x58: {  	_ =	shalt  }
0x59: {  	_ =	shalt  }
0x5a: {  	_ =	shalt  }
0x5b: {  	_ =	shalt  }
0x5c: {  	_ =	shalt  }
0x5d: {  	_ =	shalt  }
0x5e: {  	_ =	shalt  }
0x5f: {  	_ =	shalt  }
0x60: {  	_ =	shalt  }
0x61: {  	_ =	shalt  }
0x62: {  	_ =	shalt  }
0x63: {  	_ =	shalt  }
0x64: {  	_ =	shalt  }
0x65: {  	_ =	shalt  }
0x66: {  	_ =	shalt  }
0x67: {  	_ =	shalt  }
0x68: {  	_ =	shalt  }
0x69: {  	_ =	shalt  }
0x6a: {  	_ =	shalt  }
0x6b: {  	_ =	shalt  }
0x6c: {  	_ =	shalt  }
0x6d: {  	_ =	shalt  }
0x6e: {  	_ =	shalt  }
0x6f: {  	_ =	shalt  }
0x70: {  	_ =	shalt  }
0x71: {  	_ =	shalt  }
0x72: {  	_ =	shalt  }
0x73: {  	_ =	shalt  }
0x74: {  	_ =	shalt  }
0x75: {  	_ =	shalt  }
0x76: {  	_ =	shalt  }
0x77: {  	_ =	shalt  }
0x78: {  	_ =	shalt  }
0x79: {  	_ =	shalt  }
0x7a: {  	_ =	shalt  }
0x7b: {  	_ =	shalt  }
0x7c: {  	_ =	shalt  }
0x7d: {  	_ =	shalt  }
0x7e: {  	_ =	shalt  }
0x7f: {  	_ =	shalt  }
0x80: {  	_ =	shalt  }
0x81: {  	_ =	shalt  }
0x82: {  	_ =	shalt  }
0x83: {  	_ =	shalt  }
0x84: {  	_ =	shalt  }
0x85: {  	_ =	shalt  }
0x86: {  	_ =	shalt  }
0x87: {  	_ =	shalt  }
.Lfunc_end0:
.L_simem_size_0:
called_computation.7_lowered:
.L_overlay_start_0:
0x88: {  	s2 =	sld [smem:$0x3FD9]  }
0x89: {  	s3 =	sld [smem:$0x3FFE];
	_ =	sdelay $0x1  }
0x8a: {  	s1 =	srdreg.scid  }
0x8b: {  	s0 =	sand.u32 $0x1, s1  }
0x8c: {  	s16 =	sshll.u32 s0, $0xA;
	s2 =	sadd.s32 s3, s2  }
0x8d: {  	s2 =	sadd.s32 s2, s16  }
0x8e: {  	[smem:$0x3FB7] =	sst s2  }
0x8f: {  	_ = 	snop  }
0x90: {  	(tm) =	ssettm $0x1  }
0x91: {  	s17 =	sld [smem:$0x3FFB];
	_ =	sdelay $0x3  }
0x92: {  	_ =	strace s17  }
0x93: {  	s2 =	sld [smem:$0x3FFC];
	_ =	sdelay $0x3  }
0x94: {  	_ =	strace s2  }
0x95: {  	s2 =	sld [smem:$0x3FFD];
	_ =	sdelay $0x3  }
0x96: {  	_ =	strace s2  }
0x97: {  	_ =	strace $0x8FFFFFFF  }
0x98: {  	s18 =	sld [smem:$0x3FDB];
	_ =	sdelay $0x1  }
0x99: {  	s19 =	simm.s32 $_scs_section_size  }
0x9a: {  	s4 =	simm.s32 $_size__tile_overlayer_lowered;
	s5 =	simm.s32 $_tile_overlayer_lowered  }
0x9b: {  	s22 =	simm.s32 $0x1BFF;
	s21 =	sshll.u32 s5, $0x1;
	s2 =	sadd.s32 s19, s18  }
0x9c: {  	s6 =	simm.s32 $0x0;
	s20 =	sshll.u32 s4, $0x1;
	s4 =	sadd.s32 s21, s2  }
0x9d: {  	[timem:s6], [sflag:s22] =	dma.local [hbm:s4], s20  }
0x9e: {  	_ =	swait.ge [sflag:s22], s20  }
0x9f: {  	s3 =	ssub.s32 $0x0, s20;
	[sflag:s22] =	ssyncset.done $0x0  }
0xa0: {  	[sflag:s22] =	ssyncadd.s32 s3;
	_ =	sdelay $0x1  }
0xa1: {  	s23 =	simm.s32 $0x1B8B  }
0xa2: {  	_ =	swait.ge [sflag:s23], $0x1  }
0xa3: {  	[sflag:s23] =	ssyncset.done $0x0  }
0xa4: {  	s25 =	simm.s32 $0x1B8E;
	s24 =	sld [smem:$0x3FFE];
	[sflag:s23] =	ssyncadd.s32 $0xFFFFFFFF  }
0xa5: {  	s26 =	simm.s32 $execute0_lowered;
	[smem:$0x3FD2] =	sst s25  }
0xa6: {  	s4 =	sshll.u32 s26, $0x1;
	_ =	strace $0x8000005B;
	[dreg:$0x1] =	wrdreg $0xFFFFFFFF  }
0xa7: {  	s28 =	simm.s32 $_size_execute0_lowered;
	s2 =	sadd.s32 s2, s4;
	[dreg:$0x0] =	wrdreg $0x0  }
0xa8: {  	s4 =	sshll.u32 s28, $0x1;
	[dreg:$0x2] =	wrdreg s2  }
0xa9: {  	[dreg:$0x3] =	wrdreg s4  }
0xaa: {  	[dreg:$0x4] =	wrdreg $0xC0  }
0xab: {  	_ =	task [dreg:s6], $0x5FFFF  }
0xac: {  	[dreg:$0x1] =	wrdreg $0xFFFFFFFF  }
0xad: {  	[dreg:$0x0] =	wrdreg $0x60  }
0xae: {  	[dreg:$0x2] =	wrdreg s24  }
0xaf: {  	[dreg:$0x3] =	wrdreg $0x2DA00  }
0xb0: {  	[dreg:$0x4] =	wrdreg $0x9  }
0xb1: {  	_ =	task.clear_ibuf [dreg:s6], $0x5FFFF;
	_ =	strace $0x9000005B  }
0xb2: {  	s29 =	simm.s32 $0x9;
	_ =	strace $0x8000005D  }
0xb3: {  	_ =	swait.ge [sflag:s29], $0x1  }
0xb4: {  	[sflag:s29] =	ssyncadd.s32 $0xFFFFFFFF  }
0xb5: {  	_ =	strace $0x9000005D  }
0xb6: {  	_ =	sfence  }
0xb7: {  	s30 =	sld [smem:$0x0];
	_ =	sdelay $0x2  }
0xb8: {  	s31 =	sshll.u32 s1, $0xD;
	s1 =	sshrl.u32 s1, $0x2  }
0xb9: {  	s3 =	sand.u32 $0x4000, s31;
	s1 =	sadd.s32 s1, s30  }
0xba: {  	s0 =	sor.u32 s3, s0;
	s1 =	sshll.u32 s1, $0x11  }
0xbb: {  	s0 =	sor.u32 s1, s0  }
0xbc: {  	s0 =	sadd.s32 $0x8F2B, s0  }
0xbd: {  	[sflag:s0] =	ssyncadd.remote.s32 $0x1  }
0xbe: {  	_ =	sfence.sel $0xFFFF  }
0xbf: {  	[dreg:$0x0] =	wrdreg $0xFFFFFFFF;
	(pc) =	sbr.abs _section_cstart, $3  }
0xc0: {  	[dreg:$0x1] =	wrdreg $0xFFFFFFFF  }
0xc1: {  	_ =	task.clear_ibuf [dreg:s6], $0x2FFFF;
	_ =	strace $0x9FFFFFFF  }
0xc2: {  	(tm) =	ssettm $0x7FFFFFFF  }
0xc3: {  	_ =	shalt  }
tec
execute0_lowered:
.L_overlay_start_1:
0x0: {  	(tag) =	ssettag $0x1  }
0x1: {  	s1 =	srdreg.scid;
	s5 =	rddreg [dreg:$0x0]  }
0x2: {  	s0 =	stileid.u32;
	s2 =	rddreg [dreg:$0x1]  }
0x3: {  	s3 =	simm.s32 $0x0;
	s11 =	simm.s32 $0x2;
	s12 =	simm.s32 $0x50  }
0x4: {  	s13 =	simm.s32 $0xA0;
	s14 =	simm.s32 $0x1;
	s7 =	smul.u32 $0x4E20, s0  }
0x5: {  	s6 =	sand.u32 $0x1, s1;
	s1 =	rddreg [dreg:$0x2];
	s9 =	smul.u32 $0x2800, s0  }
0x6: {  	s17 =	simm.s32 $0x0;
	[smem:$0x7FF] =	sst s3;
	s8 =	smul.u32 $0x2710, s6  }
0x7: {  	s4 =	sadd.s32 $0x17800, s5;
	s15 =	sshll.u32 s0, $0x6;
	s10 =	smul.u32 $0x28000, s6  }
0x8: {  	_ =	strace $0x8000005C;
	s6 =	ssub.s32 $0x2, s6;
	s15 =	sor.u32 $0x1C02, s15  }
0x9: {  	s30 =	sshrl.u32 s6, $0x1;
	s7 =	sadd.s32 s8, s7;
	s26 =	sadd.s32 s9, s10  }
0xa: {  	s31 =	ssub.s32 s6, s30;
	s7 =	sshrl.u32 s7, $0x3;
	s8 =	sshrl.u32 s26, $0x3  }
0xb: {  	s10 =	simm.s32 $0x5A0;
	s28 =	sadd.s32 s7, s5;
	s29 =	sadd.s32 s8, s5  }
0xc: {  	s5 =	sadd.s32 s9, s2;
	s7 =	smax.u32 s31, $0x1;
	s6 =	sadd.s32 $0x1C800, s29  }
0xd: {  	v0 =	vimm.f32 $0.0e+00;
	s8 =	sadd.s32 $0xDA00, s28;
	s9 =	sadd.s32 $0x3C00, s28;
	s16 =	sshrl.u32 s5, $0x3  }
.LBB2_1:
0xe: {  	s18 =	simm.s32 $0x40;
	s19 =	simm.s32 $0x0  }
.LBB2_2:
0xf: {  	p0 =	sne.s32 s18, $0x9FC0;
	[tilespmem:s19+$0x5A0] =	vst v0;
	s19 =	smov.u32 s18;
	s18 =	sadd.s32 $0x40, s18  }
.Ltmp0:
0x10: {  	(pc) =	sbr.rel @p0 .LBB2_2-.Ltmp0, $2  }
0x11: {  	_ =	sdelay $0x2  }
0x12: {  	s19 =	sshra.s32 s19, $0x2  }
0x13: {  	[tilespmem:s19+$0x5A0] =	vst v0  }
0x14: {  	[spmem:s5] =	stream.linear.scatter [tilespmem:s10], [sflag:$0x2], $0x2800, $0x38;
	[tilespmem:$0x55A0] =	vst v63  }
0x15: {  	_ =	swait.ge [sflag:s11], $0x2800  }
0x16: {  	[sflag:s11] =	ssyncset.done $0x0  }
0x17: {  	[sflag:s11] =	ssyncadd.s32 $0xFFFFD800  }
0x18: {  	s18 =	sadd.s32 $0x0, s9;
	[bflag:$0x0] =	sbarrier.arrive $0xFFFF  }
0x19: {  	[tilespmem:s3], [sflag:$0x2] =	stream.linear.gather [hbm4b:s18+s3], $0x50, $0x38;
	[tilespmem:$0x55A0] =	vst v63  }
0x1a: {  	_ =	swait.ge [sflag:s11], $0x50  }
0x1b: {  	[sflag:s11] =	ssyncset.done $0x0  }
0x1c: {  	s31 =	sadd.s32 $0x0, s8;
	[sflag:s11] =	ssyncadd.s32 $0xFFFFFFB0  }
0x1d: {  	[tilespmem:s12], [sflag:$0x2] =	stream.linear.gather [hbm4b:s31+s3], $0x50, $0x38;
	[tilespmem:$0x55A0] =	vst v63  }
0x1e: {  	_ =	swait.ge [sflag:s11], $0x50  }
0x1f: {  	[sflag:s11] =	ssyncset.done $0x0  }
0x20: {  	[sflag:s11] =	ssyncadd.s32 $0xFFFFFFB0  }
0x21: {  	[tilespmem:s13], [sflag:$0x1] =	stream.indirect.gather [hbm4b:s4+s12], $0x10, s3, s12, $0xb8;
	[tilespmem:$0x55A0] =	vst v63  }
0x22: {  	_ =	swait.ge [sflag:s14], $0x500  }
0x23: {  	[sflag:s14] =	ssyncset.done $0x0  }
0x24: {  	[sflag:s14] =	ssyncadd.s32 $0xFFFFFB00  }
0x25: {  	[spmem:s2] =	stream.indirect.scatter.add.f32 [tilespmem:s13], [sflag:$0x2], $0x10, s12, s12, $0xb8;
	[tilespmem:$0x55A0] =	vst v63  }
0x26: {  	_ =	swait.ge [sflag:s11], $0x500  }
0x27: {  	s19 =	simm.s32 $0x14;
	s18 =	simm.s32 $0xA;
	[sflag:s11] =	ssyncset.done $0x0  }
.LBB2_4:
0x28: {  	s20 =	sadd.s32 s18, s9  }
0x29: {  	[sflag:s11] =	ssyncadd.s32 $0xFFFFFB00;
	s21 =	smov.u32 s19;
	s22 =	sadd.s32 $0xA, s19  }
0x2a: {  	[tilespmem:s3], [sflag:$0x2] =	stream.linear.gather [hbm4b:s20+s3], $0x50, $0x38;
	[tilespmem:$0x55A0] =	vst v63  }
0x2b: {  	p0 =	sne.s32 s19, $0x4D8;
	_ =	swait.ge [sflag:s11], $0x50  }
0x2c: {  	[sflag:s11] =	ssyncset.done $0x0  }
0x2d: {  	s19 =	sadd.s32 s18, s8;
	s18 =	smov.u32 s21;
	[sflag:s11] =	ssyncadd.s32 $0xFFFFFFB0  }
0x2e: {  	[tilespmem:s12], [sflag:$0x2] =	stream.linear.gather [hbm4b:s19+s3], $0x50, $0x38;
	[tilespmem:$0x55A0] =	vst v63  }
0x2f: {  	_ =	swait.ge [sflag:s11], $0x50  }
0x30: {  	[sflag:s11] =	ssyncset.done $0x0  }
0x31: {  	[sflag:s11] =	ssyncadd.s32 $0xFFFFFFB0  }
0x32: {  	[tilespmem:s13], [sflag:$0x1] =	stream.indirect.gather [hbm4b:s4+s12], $0x10, s3, s12, $0xb8;
	[tilespmem:$0x55A0] =	vst v63  }
0x33: {  	_ =	swait.ge [sflag:s14], $0x500  }
.Ltmp1:
0x34: {  	[sflag:s14] =	ssyncset.done $0x0;
	(pc) =	sbr.rel @p0 .LBB2_4-.Ltmp1, $4  }
0x35: {  	[sflag:s14] =	ssyncadd.s32 $0xFFFFFB00  }
0x36: {  	[spmem:s2] =	stream.indirect.scatter.add.f32 [tilespmem:s13], [sflag:$0x2], $0x10, s12, s12, $0xb8;
	[tilespmem:$0x55A0] =	vst v63  }
0x37: {  	_ =	swait.ge [sflag:s11], $0x500  }
0x38: {  	s19 =	smov.u32 s22;
	[sflag:s11] =	ssyncset.done $0x0  }
0x39: {  	s19 =	sadd.s32 s18, s9;
	[sflag:s11] =	ssyncadd.s32 $0xFFFFFB00  }
0x3a: {  	[tilespmem:s3], [sflag:$0x2] =	stream.linear.gather [hbm4b:s19+s3], $0x50, $0x38;
	[tilespmem:$0x55A0] =	vst v63  }
0x3b: {  	_ =	swait.ge [sflag:s11], $0x50  }
0x3c: {  	[sflag:s11] =	ssyncset.done $0x0  }
0x3d: {  	s31 =	sadd.s32 s18, s8;
	[sflag:s11] =	ssyncadd.s32 $0xFFFFFFB0  }
0x3e: {  	[tilespmem:s12], [sflag:$0x2] =	stream.linear.gather [hbm4b:s31+s3], $0x50, $0x38;
	[tilespmem:$0x55A0] =	vst v63  }
0x3f: {  	_ =	swait.ge [sflag:s11], $0x50  }
0x40: {  	[sflag:s11] =	ssyncset.done $0x0  }
0x41: {  	[sflag:s11] =	ssyncadd.s32 $0xFFFFFFB0  }
0x42: {  	[tilespmem:s13], [sflag:$0x1] =	stream.indirect.gather [hbm4b:s4+s12], $0x10, s3, s12, $0xb8;
	[tilespmem:$0x55A0] =	vst v63  }
0x43: {  	_ =	swait.ge [sflag:s14], $0x500  }
0x44: {  	[sflag:s14] =	ssyncset.done $0x0  }
0x45: {  	[sflag:s14] =	ssyncadd.s32 $0xFFFFFB00  }
0x46: {  	[spmem:s2] =	stream.indirect.scatter.add.f32 [tilespmem:s13], [sflag:$0x2], $0x10, s12, s12, $0xb8;
	[tilespmem:$0x55A0] =	vst v63  }
0x47: {  	_ =	swait.ge [sflag:s11], $0x500  }
0x48: {  	s17 =	sadd.s32 $0x1, s17;
	[sflag:s11] =	ssyncset.done $0x0  }
0x49: {  	p0 =	sne.s32 s17, s7;
	[sflag:s11] =	ssyncadd.s32 $0xFFFFFB00  }
.Ltmp2:
0x4a: {  	[bflag:$0x0] =	sbarrier.arrive $0xFFFF;
	(pc) =	sbr.rel @p0 .LBB2_1-.Ltmp2, $4  }
0x4b: {  	[hbm:s6], [sflag:s15] =	dma.local [spmem:s16], $0x500  }
0x4c: {  	_ =	swait.ge [sflag:s11], $0x500  }
0x4d: {  	[sflag:s11] =	ssyncset.done $0x0  }
0x4e: {  	[sflag:s11] =	ssyncadd.s32 $0xFFFFFB00  }
0x4f: {  	_ =	sfence.sel $0x180000  }
0x50: {  	[bflag:$0x0] =	sbarrier.arrive $0xFFFF  }
0x51: {  	p0 =	sne.s32 s0, $0x0;
	_ =	strace $0x9000005C  }
0x52: {  	s0 =	sadd.s32 @!p0 $0x100000, s1;
	[bflag:$0x2] =	sbarrier.arrive $0xFFFF  }
0x53: {  	[sflag:s0] =	ssyncadd.tile.s32 @!p0 $0x1;
	_ =	shalt  }
.Lfunc_end2:
_tile_overlayer_lowered:
.L_overlay_start_2:
0x54: {  	(tag) =	ssettag $0x2  }
0x55: {  	s0 =	rddreg [dreg:$0x0];
	s2 =	stileid.u32  }
0x56: {  	s1 =	rddreg [dreg:$0x1];
	p0 =	sne.s32 s2, $0x0  }
0x57: {  	s3 =	rddreg [dreg:$0x2];
	[bflag:$0x3] =	sbarrier.arrive $0xFFFF;
	s2 =	simm.s32 @!p0 $0x1C02  }
0x58: {  	[timem:s3], [sflag:s2] =	dma.local @!p0 [hbm:s0], s1  }
0x59: {  	s0 =	simm.s32 @!p0 $0x2  }
0x5a: {  	_ =	swait.ge @!p0 [sflag:s0], s1  }
0x5b: {  	s1 =	ssub.s32 @!p0 $0x0, s1;
	[sflag:s0] =	ssyncset.done @!p0 $0x0  }
0x5c: {  	[sflag:s0] =	ssyncadd.s32 @!p0 s1  }
0x5d: {  	[bflag:$0x3] =	sbarrier.arrive $0xFFFF  }
0x5e: {  	_ =	shalt  }

</sc_bundles>
